<compile_context>
chip_gen: v7x
topology: tpu7x:2x2x1
jax: 0.10.2.dev20260603
libtpu: 0.0.44.dev20260713+nightly
codegen_flags: <defaults>
</compile_context>

<pallas_src>
import functools

import jax
import jax.numpy as jnp
from jax import lax
import jax.experimental.pallas as pl
from jax.experimental.pallas import tpu as pltpu
from jax.experimental.pallas import tpu_sc as plsc

N = 10000
D = 128
E = 320000
EPS_BN = 1e-5
EPS_L2 = 1e-12

NC = 2
NS = 16
NW = NC * NS
CH = 128
NCHP = 160
E_PAD = NS * NCHP * CH
N_ACC = 10112
RPT = N_ACC // NS
N_TAB = 10016
CFAST = 0
NCHF = 120
NCHS = 40
HFB = 40
NB = 2

_mesh = plsc.VectorSubcoreMesh(core_axis_name="c", subcore_axis_name="s")
_f32 = jnp.float32



DW = 128
NCHD = E_PAD // (NS * CH)


@functools.partial(
    pl.kernel,
    out_type=jax.ShapeDtypeStruct((NC, N_ACC, DW), _f32),
    mesh=_mesh,
    scratch_types=[
        pltpu.VMEM((NCHD, CH), jnp.int32),
        pltpu.VMEM((CH, DW), _f32),
        pltpu.VMEM_SHARED((N_ACC, DW), _f32),
        pltpu.SemaphoreType.DMA,
    ],
)
def _deg_kernel(edges_hbm, ones_hbm, zr_hbm, out_hbm, idx_v, ones_v, acc,
                sem):
  c = lax.axis_index("c")
  s = lax.axis_index("s")
  pltpu.sync_copy(edges_hbm.at[c, s], idx_v)
  pltpu.sync_copy(ones_hbm, ones_v)
  pltpu.sync_copy(zr_hbm, acc.at[pl.ds(s * RPT, RPT)])
  plsc.subcore_barrier()

  @pl.loop(0, NCHD)
  def _(j):
    pltpu.make_async_copy(ones_v, acc.at[idx_v.at[j]], sem).start(add=True)

    @pl.when(j >= 8)
    def _():
      pltpu.make_async_copy(ones_v, acc.at[idx_v.at[j - 8]], sem).wait()

  @pl.loop(NCHD - 8, NCHD)
  def _(j):
    pltpu.make_async_copy(ones_v, acc.at[idx_v.at[j]], sem).wait()

  plsc.subcore_barrier()
  rows = pl.ds(s * RPT, RPT)
  pltpu.sync_copy(acc.at[rows], out_hbm.at[c, rows])


def _seg_span(tab_hbm, src_slab, dst_slab, cnt, src_v, dst_v, rows, acc,
              sgs, sss):
  pltpu.sync_copy(src_slab, src_v.at[pl.ds(0, cnt)])
  pltpu.sync_copy(dst_slab, dst_v.at[pl.ds(0, cnt)])

  for b in range(NB):
    pltpu.make_async_copy(tab_hbm.at[src_v.at[b]], rows[b], sgs[b]).start()

  @pl.loop(0, cnt, step=NB)
  def _(j):
    for b in range(NB):
      pltpu.make_async_copy(tab_hbm.at[src_v.at[j + b]], rows[b],
                            sgs[b]).wait()
      pltpu.make_async_copy(rows[b], acc.at[dst_v.at[j + b]],
                            sss[b]).start(add=True)
    for b in range(NB):
      pltpu.make_async_copy(rows[b], acc.at[dst_v.at[j + b]],
                            sss[b]).wait()

      @pl.when(j + b + NB < cnt)
      def _():
        pltpu.make_async_copy(tab_hbm.at[src_v.at[j + b + NB]], rows[b],
                              sgs[b]).start()


@functools.partial(
    pl.kernel,
    out_type=jax.ShapeDtypeStruct((NC, N_ACC, D), _f32),
    mesh=_mesh,
    scratch_types=(
        [pltpu.VMEM((HFB, CH), jnp.int32) for _ in range(2)]
        + [pltpu.VMEM((CH, D), _f32) for _ in range(NB)]
        + [pltpu.VMEM_SHARED((N_ACC, D), _f32)]
        + [pltpu.SemaphoreType.DMA for _ in range(2 * NB)]
    ),
)
def _segsum_kernel(tab_hbm, srcf_hbm, dstf_hbm, srcs_hbm, dsts_hbm, zb_hbm,
                   out_hbm, src_v, dst_v, *rest):
  rows = rest[:NB]
  acc = rest[NB]
  sgs = rest[NB + 1:2 * NB + 1]
  sss = rest[2 * NB + 1:]
  c = lax.axis_index("c")
  s = lax.axis_index("s")

  pltpu.sync_copy(zb_hbm, acc.at[pl.ds(s * RPT, RPT)])
  plsc.subcore_barrier()

  @pl.when(c == CFAST)
  def _():
    for hh in range(NCHF // HFB):
      sl = pl.ds(hh * HFB, HFB)
      _seg_span(tab_hbm, srcf_hbm.at[s, sl], dstf_hbm.at[s, sl], HFB,
                src_v, dst_v, rows, acc, sgs, sss)

  @pl.when(c != CFAST)
  def _():
    _seg_span(tab_hbm, srcs_hbm.at[s], dsts_hbm.at[s], NCHS,
              src_v, dst_v, rows, acc, sgs, sss)

  plsc.subcore_barrier()
  rows_sl = pl.ds(s * RPT, RPT)
  pltpu.sync_copy(acc.at[rows_sl], out_hbm.at[c, rows_sl])



def _norms_body(degp_ref, ns_ref, nd_ref):
  dp = degp_ref[...]
  ns_ref[...] = jnp.broadcast_to(
      lax.rsqrt(jnp.maximum(dp[0, :, 0:1], 1.0)), (N_ACC, D))
  nd_ref[...] = jnp.broadcast_to(
      lax.rsqrt(jnp.maximum(dp[1, :, 0:1], 1.0)), (N_ACC, D))


_norms = pl.pallas_call(
    _norms_body,
    out_shape=[jax.ShapeDtypeStruct((N_ACC, D), _f32)] * 2,
)


def _prep_body(h_ref, w_ref, b_ref, ns_ref, out_ref):
  t = jnp.dot(h_ref[...], w_ref[...], preferred_element_type=_f32)
  t = t + b_ref[...]
  out_ref[0:N, :] = t * ns_ref[0:N, :]
  out_ref[N:N_TAB, :] = jnp.zeros((N_TAB - N, D), _f32)


_prep = pl.pallas_call(
    _prep_body,
    out_shape=jax.ShapeDtypeStruct((N_TAB, D), _f32),
)


def _post(p_ref, nd_ref, g_ref, be_ref):
  x = (p_ref[0, 0:N, :] + p_ref[1, 0:N, :]) * nd_ref[0:N, :]
  mu = jnp.mean(x, axis=0, keepdims=True)
  xc = x - mu
  var = jnp.mean(xc * xc, axis=0, keepdims=True)
  y = xc * lax.rsqrt(var + EPS_BN) * g_ref[...] + be_ref[...]
  y = jnp.maximum(y, 0.0)
  rn = jnp.sqrt(jnp.sum(y * y, axis=1, keepdims=True))
  return y / jnp.maximum(rn, EPS_L2)


def _mid_body(p_ref, nd_ref, g_ref, be_ref, w_ref, b_ref, ns_ref, out_ref):
  y = _post(p_ref, nd_ref, g_ref, be_ref)
  t = jnp.dot(y, w_ref[...], preferred_element_type=_f32) + b_ref[...]
  out_ref[0:N, :] = t * ns_ref[0:N, :]
  out_ref[N:N_TAB, :] = jnp.zeros((N_TAB - N, D), _f32)


_mid = pl.pallas_call(
    _mid_body,
    out_shape=jax.ShapeDtypeStruct((N_TAB, D), _f32),
)


def _final_body(p_ref, nd_ref, g_ref, be_ref, out_ref):
  y = _post(p_ref, nd_ref, g_ref, be_ref)
  rn = jnp.sqrt(jnp.sum(y * y, axis=1, keepdims=True))
  out_ref[...] = y / jnp.maximum(rn, EPS_L2)


_final = pl.pallas_call(
    _final_body,
    out_shape=jax.ShapeDtypeStruct((N, D), _f32),
)



def kernel(edge_index, h, W0, b0, g0, be0, W1, b1, g1, be1):
  pad = E_PAD - E
  padv = jnp.full((pad,), N, jnp.int32)
  src_all = jnp.concatenate([edge_index[0], padv])
  dst_all = jnp.concatenate([edge_index[1], padv])
  srcp = src_all.reshape(NS, NCHP, CH)
  dstp = dst_all.reshape(NS, NCHP, CH)
  srcf, srcs = srcp[:, :NCHF], srcp[:, NCHF:]
  dstf, dsts = dstp[:, :NCHF], dstp[:, NCHF:]
  edges2 = jnp.stack([src_all, dst_all]).reshape(2, NS, NCHD, CH)
  onesd = jnp.ones((CH, DW), _f32)
  zrd = jnp.zeros((RPT, DW), _f32)
  zbig = jnp.zeros((RPT, D), _f32)

  degp = _deg_kernel(edges2, onesd, zrd)
  ns, nd = _norms(degp)

  t0 = _prep(h, W0, b0.reshape(1, D), ns)
  p0 = _segsum_kernel(t0, srcf, dstf, srcs, dsts, zbig)
  t1 = _mid(p0, nd, g0.reshape(1, D), be0.reshape(1, D),
            W1, b1.reshape(1, D), ns)
  p1 = _segsum_kernel(t1, srcf, dstf, srcs, dsts, zbig)
  return _final(p1, nd, g1.reshape(1, D), be1.reshape(1, D))

# --- scband reference (transcript-rebuilt; emitter-appended) ---
"""Pipeline reference for scband-gnnstack-stage-54528904790456 (READ-ONLY COPY).

The authoritative reference and input builder live on the scoring server;
editing this copy changes nothing except your own understanding.
"""

import jax, jax.numpy as jnp
import numpy as np

N = 10000
E = 320000
D = 128
EPS_BN = 1e-5
EPS_L2 = 1e-12


def setup_inputs(seed: int = 0) -> dict:
    key = jax.random.key(seed)
    ks = jax.random.split(key, 12)
    h = jax.random.normal(ks[0], (N, D), dtype=jnp.float32)
    edge_index = jax.random.randint(ks[1], (2, E), 0, N, dtype=jnp.int32)
    W0 = jax.random.normal(ks[2], (D, D), dtype=jnp.float32) * 0.05
    b0 = jnp.zeros((D,), dtype=jnp.float32)
    g0 = jnp.ones((D,), dtype=jnp.float32)
    be0 = jnp.zeros((D,), dtype=jnp.float32)
    W1 = jax.random.normal(ks[3], (D, D), dtype=jnp.float32) * 0.05
    b1 = jnp.zeros((D,), dtype=jnp.float32)
    g1 = jnp.ones((D,), dtype=jnp.float32)
    be1 = jnp.zeros((D,), dtype=jnp.float32)
    return {"edge_index": edge_index, "h": h, "W0": W0, "b0": b0, "g0": g0,
            "be0": be0, "W1": W1, "b1": b1, "g1": g1, "be1": be1}


def _gcn_layer(h, edge_index, W, b, gamma, beta):
    # Linear transform
    h = h @ W + b
    src = edge_index[0]
    dst = edge_index[1]
    # Symmetric GCN normalization: out-degree for src, in-degree for dst
    ones = jnp.ones((E,), dtype=h.dtype)
    deg_out = jnp.zeros((N,), dtype=h.dtype).at[src].add(ones)
    deg_in = jnp.zeros((N,), dtype=h.dtype).at[dst].add(ones)
    norm_src = jax.lax.rsqrt(jnp.clip(deg_out, 1.0))
    norm_dst = jax.lax.rsqrt(jnp.clip(deg_in, 1.0))
    # Message passing: gather, scale, scatter-add
    msg = h[src] * norm_src[src][:, None]
    agg = jax.ops.segment_sum(msg, dst, num_segments=N)
    h = agg * norm_dst[:, None]
    # BatchNorm1d (training-mode batch statistics)
    mu = jnp.mean(h, axis=0)
    var = jnp.var(h, axis=0)
    h = (h - mu) * jax.lax.rsqrt(var + EPS_BN) * gamma + beta
    # Activation
    h = jax.nn.relu(h)
    # Per-layer L2 normalization (has_l2norm=True in GeneralLayer)
    h = h / jnp.clip(jnp.linalg.norm(h, axis=-1, keepdims=True), EPS_L2)
    return h


def reference(edge_index, h, W0, b0, g0, be0, W1, b1, g1, be1):
    h = _gcn_layer(h, edge_index, W0, b0, g0, be0)
    h = _gcn_layer(h, edge_index, W1, b1, g1, be1)
    # Stage-level L2 normalization (has_l2norm=True)
    h = h / jnp.clip(jnp.linalg.norm(h, axis=-1, keepdims=True), EPS_L2)
    return h

if __name__ == "__main__":
    import jax
    _d = setup_inputs()
    print(jax.jit(kernel)(*tuple(_d.values())))

</pallas_src>

<mosaic_0001>
#map = affine_map<(d0, d1) -> (0, 0)>
#map1 = affine_map<(d0, d1) -> (0, 0, 0)>
module attributes {stable_mosaic.version = 14 : i64} {
  func.func @_segsum_kernel(%arg0: i32, %arg1: i32, %arg2: memref<10016x128xf32, #tpu.memory_space<hbm>>, %arg3: memref<16x120x128xi32, #tpu.memory_space<hbm>>, %arg4: memref<16x120x128xi32, #tpu.memory_space<hbm>>, %arg5: memref<16x40x128xi32, #tpu.memory_space<hbm>>, %arg6: memref<16x40x128xi32, #tpu.memory_space<hbm>>, %arg7: memref<632x128xf32, #tpu.memory_space<hbm>>, %arg8: memref<2x10112x128xf32, #tpu.memory_space<hbm>>, %arg9: memref<40x128xi32, #tpu.memory_space<vmem>>, %arg10: memref<40x128xi32, #tpu.memory_space<vmem>>, %arg11: memref<128x128xf32, #tpu.memory_space<vmem>>, %arg12: memref<128x128xf32, #tpu.memory_space<vmem>>, %arg13: memref<10112x128xf32, #tpu.memory_space<vmem_shared>>, %arg14: memref<!tpu.dma_semaphore, #tpu.memory_space<semaphore_mem>>, %arg15: memref<!tpu.dma_semaphore, #tpu.memory_space<semaphore_mem>>, %arg16: memref<!tpu.dma_semaphore, #tpu.memory_space<semaphore_mem>>, %arg17: memref<!tpu.dma_semaphore, #tpu.memory_space<semaphore_mem>>) attributes {dimension_semantics = [#tpu.dimension_semantics<core_parallel>, #tpu.dimension_semantics<subcore_parallel>], iteration_bounds = array<i64: 2, 16>, scalar_prefetch = 0 : i64, scratch_operands = 9 : i64, tpu.core_type = #tpu.core_type<sc_vector_subcore>, window_params = [{transform_indices = #map}, {transform_indices = #map1}, {transform_indices = #map1}, {transform_indices = #map1}, {transform_indices = #map1}, {transform_indices = #map}, {transform_indices = #map1}]} {
    %mul3A = arith.constant 632 : i32
    %mul3A_0 = arith.muli %arg1, %mul3A : i32
    "tpu.region"() ({
      %run_scoped3A = tpu.sem_alloc : memref<!tpu.dma_semaphore, #tpu.memory_space<semaphore_mem>>
      %dma_start3A = arith.constant 0 : i32
      %dma_start3A_10 = tpu.memref_slice %arg13[%mul3A_0, %dma_start3A] : memref<10112x128xf32, #tpu.memory_space<vmem_shared>> -> memref<632x128xf32, #tpu.memory_space<vmem_shared>>
      tpu.enqueue_dma source(%arg7 : memref<632x128xf32, #tpu.memory_space<hbm>>) target(%dma_start3A_10 : memref<632x128xf32, #tpu.memory_space<vmem_shared>>) target_semaphore(%run_scoped3A : memref<!tpu.dma_semaphore, #tpu.memory_space<semaphore_mem>>)
      %dma_wait3A = arith.constant 0 : i32
      %dma_wait3A_11 = tpu.memref_slice %arg13[%mul3A_0, %dma_wait3A] : memref<10112x128xf32, #tpu.memory_space<vmem_shared>> -> memref<632x128xf32, #tpu.memory_space<vmem_shared>>
      tpu.wait_dma2 semaphore(%run_scoped3A : memref<!tpu.dma_semaphore, #tpu.memory_space<semaphore_mem>>) src(%arg7 : memref<632x128xf32, #tpu.memory_space<hbm>>) dst(%dma_wait3A_11 : memref<632x128xf32, #tpu.memory_space<vmem_shared>>)
      tpu.yield
    }) : () -> ()
    %barrier3A = arith.constant 0 : index
    tpu.barrier barrier_id(%barrier3A)
    %eq3A = arith.constant 0 : i32
    %eq3A_1 = arith.cmpi eq, %arg0, %eq3A : i32
    %convert_element_type3A = arith.extui %eq3A_1 : i1 to i32
    %cond3A = arith.constant 0 : i32
    %cond3A_2 = arith.cmpi ne, %convert_element_type3A, %cond3A : i32
    scf.if %cond3A_2 {
      "tpu.region"() ({
        %run_scoped3A = tpu.sem_alloc : memref<!tpu.dma_semaphore, #tpu.memory_space<semaphore_mem>>
        %dma_start3A_65 = arith.constant 0 : i32
        %dma_start3A_66 = arith.constant 0 : i32
        %dma_start3A_67 = tpu.memref_slice %arg9[%dma_start3A_65, %dma_start3A_66] : memref<40x128xi32, #tpu.memory_space<vmem>> -> memref<40x128xi32, #tpu.memory_space<vmem>>
        %dma_start3A_68 = arith.constant 0 : i32
        %dma_start3A_69 = arith.constant 0 : i32
        %dma_start3A_70 = tpu.memref_slice %arg3[%arg1, %dma_start3A_68, %dma_start3A_69] : memref<16x120x128xi32, #tpu.memory_space<hbm>> -> memref<1x40x128xi32, #tpu.memory_space<hbm>>
        %dma_start3A_71 = tpu.memref_squeeze %dma_start3A_70 : memref<1x40x128xi32, #tpu.memory_space<hbm>> -> memref<40x128xi32, #tpu.memory_space<hbm>>
        %dma_start3A_72 = arith.constant 0 : i32
        %dma_start3A_73 = arith.constant 0 : i32
        %dma_start3A_74 = tpu.memref_slice %arg9[%dma_start3A_72, %dma_start3A_73] : memref<40x128xi32, #tpu.memory_space<vmem>> -> memref<40x128xi32, #tpu.memory_space<vmem>>
        %dma_start3A_75 = arith.constant 0 : i32
        %dma_start3A_76 = arith.constant 0 : i32
        %dma_start3A_77 = tpu.memref_slice %arg3[%arg1, %dma_start3A_75, %dma_start3A_76] : memref<16x120x128xi32, #tpu.memory_space<hbm>> -> memref<1x40x128xi32, #tpu.memory_space<hbm>>
        %dma_start3A_78 = tpu.memref_squeeze %dma_start3A_77 : memref<1x40x128xi32, #tpu.memory_space<hbm>> -> memref<40x128xi32, #tpu.memory_space<hbm>>
        tpu.enqueue_dma source(%dma_start3A_78 : memref<40x128xi32, #tpu.memory_space<hbm>>) target(%dma_start3A_74 : memref<40x128xi32, #tpu.memory_space<vmem>>) target_semaphore(%run_scoped3A : memref<!tpu.dma_semaphore, #tpu.memory_space<semaphore_mem>>)
        %dma_wait3A = arith.constant 0 : i32
        %dma_wait3A_79 = arith.constant 0 : i32
        %dma_wait3A_80 = tpu.memref_slice %arg9[%dma_wait3A, %dma_wait3A_79] : memref<40x128xi32, #tpu.memory_space<vmem>> -> memref<40x128xi32, #tpu.memory_space<vmem>>
        %dma_wait3A_81 = arith.constant 0 : i32
        %dma_wait3A_82 = arith.constant 0 : i32
        %dma_wait3A_83 = tpu.memref_slice %arg3[%arg1, %dma_wait3A_81, %dma_wait3A_82] : memref<16x120x128xi32, #tpu.memory_space<hbm>> -> memref<1x40x128xi32, #tpu.memory_space<hbm>>
        %dma_wait3A_84 = tpu.memref_squeeze %dma_wait3A_83 : memref<1x40x128xi32, #tpu.memory_space<hbm>> -> memref<40x128xi32, #tpu.memory_space<hbm>>
        %dma_wait3A_85 = arith.constant 0 : i32
        %dma_wait3A_86 = arith.constant 0 : i32
        %dma_wait3A_87 = tpu.memref_slice %arg9[%dma_wait3A_85, %dma_wait3A_86] : memref<40x128xi32, #tpu.memory_space<vmem>> -> memref<40x128xi32, #tpu.memory_space<vmem>>
        %dma_wait3A_88 = arith.constant 0 : i32
        %dma_wait3A_89 = arith.constant 0 : i32
        %dma_wait3A_90 = tpu.memref_slice %arg3[%arg1, %dma_wait3A_88, %dma_wait3A_89] : memref<16x120x128xi32, #tpu.memory_space<hbm>> -> memref<1x40x128xi32, #tpu.memory_space<hbm>>
        %dma_wait3A_91 = tpu.memref_squeeze %dma_wait3A_90 : memref<1x40x128xi32, #tpu.memory_space<hbm>> -> memref<40x128xi32, #tpu.memory_space<hbm>>
        tpu.wait_dma2 semaphore(%run_scoped3A : memref<!tpu.dma_semaphore, #tpu.memory_space<semaphore_mem>>) src(%dma_wait3A_91 : memref<40x128xi32, #tpu.memory_space<hbm>>) dst(%dma_wait3A_87 : memref<40x128xi32, #tpu.memory_space<vmem>>)
        tpu.yield
      }) : () -> ()
      "tpu.region"() ({
        %run_scoped3A = tpu.sem_alloc : memref<!tpu.dma_semaphore, #tpu.memory_space<semaphore_mem>>
        %dma_start3A_65 = arith.constant 0 : i32
        %dma_start3A_66 = arith.constant 0 : i32
        %dma_start3A_67 = tpu.memref_slice %arg10[%dma_start3A_65, %dma_start3A_66] : memref<40x128xi32, #tpu.memory_space<vmem>> -> memref<40x128xi32, #tpu.memory_space<vmem>>
        %dma_start3A_68 = arith.constant 0 : i32
        %dma_start3A_69 = arith.constant 0 : i32
        %dma_start3A_70 = tpu.memref_slice %arg4[%arg1, %dma_start3A_68, %dma_start3A_69] : memref<16x120x128xi32, #tpu.memory_space<hbm>> -> memref<1x40x128xi32, #tpu.memory_space<hbm>>
        %dma_start3A_71 = tpu.memref_squeeze %dma_start3A_70 : memref<1x40x128xi32, #tpu.memory_space<hbm>> -> memref<40x128xi32, #tpu.memory_space<hbm>>
        %dma_start3A_72 = arith.constant 0 : i32
        %dma_start3A_73 = arith.constant 0 : i32
        %dma_start3A_74 = tpu.memref_slice %arg10[%dma_start3A_72, %dma_start3A_73] : memref<40x128xi32, #tpu.memory_space<vmem>> -> memref<40x128xi32, #tpu.memory_space<vmem>>
        %dma_start3A_75 = arith.constant 0 : i32
        %dma_start3A_76 = arith.constant 0 : i32
        %dma_start3A_77 = tpu.memref_slice %arg4[%arg1, %dma_start3A_75, %dma_start3A_76] : memref<16x120x128xi32, #tpu.memory_space<hbm>> -> memref<1x40x128xi32, #tpu.memory_space<hbm>>
        %dma_start3A_78 = tpu.memref_squeeze %dma_start3A_77 : memref<1x40x128xi32, #tpu.memory_space<hbm>> -> memref<40x128xi32, #tpu.memory_space<hbm>>
        tpu.enqueue_dma source(%dma_start3A_78 : memref<40x128xi32, #tpu.memory_space<hbm>>) target(%dma_start3A_74 : memref<40x128xi32, #tpu.memory_space<vmem>>) target_semaphore(%run_scoped3A : memref<!tpu.dma_semaphore, #tpu.memory_space<semaphore_mem>>)
        %dma_wait3A = arith.constant 0 : i32
        %dma_wait3A_79 = arith.constant 0 : i32
        %dma_wait3A_80 = tpu.memref_slice %arg10[%dma_wait3A, %dma_wait3A_79] : memref<40x128xi32, #tpu.memory_space<vmem>> -> memref<40x128xi32, #tpu.memory_space<vmem>>
        %dma_wait3A_81 = arith.constant 0 : i32
        %dma_wait3A_82 = arith.constant 0 : i32
        %dma_wait3A_83 = tpu.memref_slice %arg4[%arg1, %dma_wait3A_81, %dma_wait3A_82] : memref<16x120x128xi32, #tpu.memory_space<hbm>> -> memref<1x40x128xi32, #tpu.memory_space<hbm>>
        %dma_wait3A_84 = tpu.memref_squeeze %dma_wait3A_83 : memref<1x40x128xi32, #tpu.memory_space<hbm>> -> memref<40x128xi32, #tpu.memory_space<hbm>>
        %dma_wait3A_85 = arith.constant 0 : i32
        %dma_wait3A_86 = arith.constant 0 : i32
        %dma_wait3A_87 = tpu.memref_slice %arg10[%dma_wait3A_85, %dma_wait3A_86] : memref<40x128xi32, #tpu.memory_space<vmem>> -> memref<40x128xi32, #tpu.memory_space<vmem>>
        %dma_wait3A_88 = arith.constant 0 : i32
        %dma_wait3A_89 = arith.constant 0 : i32
        %dma_wait3A_90 = tpu.memref_slice %arg4[%arg1, %dma_wait3A_88, %dma_wait3A_89] : memref<16x120x128xi32, #tpu.memory_space<hbm>> -> memref<1x40x128xi32, #tpu.memory_space<hbm>>
        %dma_wait3A_91 = tpu.memref_squeeze %dma_wait3A_90 : memref<1x40x128xi32, #tpu.memory_space<hbm>> -> memref<40x128xi32, #tpu.memory_space<hbm>>
        tpu.wait_dma2 semaphore(%run_scoped3A : memref<!tpu.dma_semaphore, #tpu.memory_space<semaphore_mem>>) src(%dma_wait3A_91 : memref<40x128xi32, #tpu.memory_space<hbm>>) dst(%dma_wait3A_87 : memref<40x128xi32, #tpu.memory_space<vmem>>)
        tpu.yield
      }) : () -> ()
      %dma_start3A = arith.constant 0 : i32
      %dma_start3A_10 = arith.constant 0 : i32
      %dma_start3A_11 = tpu.memref_slice %arg9[%dma_start3A, %dma_start3A_10] : memref<40x128xi32, #tpu.memory_space<vmem>> -> memref<1x128xi32, #tpu.memory_space<vmem>>
      %dma_start3A_12 = tpu.memref_squeeze %dma_start3A_11 : memref<1x128xi32, #tpu.memory_space<vmem>> -> memref<128xi32, #tpu.memory_space<vmem>>
      %dma_start3A_13 = arith.constant 0 : i32
      %dma_start3A_14 = arith.constant 0 : i32
      %dma_start3A_15 = tpu.memref_slice %arg2[%dma_start3A_13, %dma_start3A_14] : memref<10016x128xf32, #tpu.memory_space<hbm>> -> memref<10016x128xf32, #tpu.memory_space<hbm>>
      tpu.enqueue_indirect_dma source(%dma_start3A_15 : memref<10016x128xf32, #tpu.memory_space<hbm>>) target(%arg11 : memref<128x128xf32, #tpu.memory_space<vmem>>) offsets(%dma_start3A_12 : memref<128xi32, #tpu.memory_space<vmem>>) semaphore(%arg14 : memref<!tpu.dma_semaphore, #tpu.memory_space<semaphore_mem>>)
      %dma_start3A_16 = arith.constant 1 : i32
      %dma_start3A_17 = arith.constant 0 : i32
      %dma_start3A_18 = tpu.memref_slice %arg9[%dma_start3A_16, %dma_start3A_17] : memref<40x128xi32, #tpu.memory_space<vmem>> -> memref<1x128xi32, #tpu.memory_space<vmem>>
      %dma_start3A_19 = tpu.memref_squeeze %dma_start3A_18 : memref<1x128xi32, #tpu.memory_space<vmem>> -> memref<128xi32, #tpu.memory_space<vmem>>
      %dma_start3A_20 = arith.constant 0 : i32
      %dma_start3A_21 = arith.constant 0 : i32
      %dma_start3A_22 = tpu.memref_slice %arg2[%dma_start3A_20, %dma_start3A_21] : memref<10016x128xf32, #tpu.memory_space<hbm>> -> memref<10016x128xf32, #tpu.memory_space<hbm>>
      tpu.enqueue_indirect_dma source(%dma_start3A_22 : memref<10016x128xf32, #tpu.memory_space<hbm>>) target(%arg12 : memref<128x128xf32, #tpu.memory_space<vmem>>) offsets(%dma_start3A_19 : memref<128xi32, #tpu.memory_space<vmem>>) semaphore(%arg15 : memref<!tpu.dma_semaphore, #tpu.memory_space<semaphore_mem>>)
      %scan3A = arith.constant 0 : i32
      %scan3A_23 = arith.constant 20 : i32
      %scan3A_24 = arith.addi %scan3A, %scan3A_23 : i32
      %scan3A_25 = arith.constant 1 : i32
      scf.for %scan3A_65 = %scan3A to %scan3A_24 step %scan3A_25  : i32 {
        %mul3A_66 = arith.constant 2 : i32
        %mul3A_67 = arith.muli %scan3A_65, %mul3A_66 : i32
        %add3A = arith.constant 0 : i32
        %add3A_68 = arith.addi %add3A, %mul3A_67 : i32
        %add3A_69 = arith.constant 0 : i32
        %add3A_70 = arith.addi %add3A_68, %add3A_69 : i32
        %dma_wait3A = arith.constant 0 : i32
        %dma_wait3A_71 = tpu.memref_slice %arg9[%add3A_70, %dma_wait3A] : memref<40x128xi32, #tpu.memory_space<vmem>> -> memref<1x128xi32, #tpu.memory_space<vmem>>
        %dma_wait3A_72 = tpu.memref_squeeze %dma_wait3A_71 : memref<1x128xi32, #tpu.memory_space<vmem>> -> memref<128xi32, #tpu.memory_space<vmem>>
        %dma_wait3A_73 = arith.constant 0 : i32
        %dma_wait3A_74 = arith.constant 0 : i32
        %dma_wait3A_75 = tpu.memref_slice %arg2[%dma_wait3A_73, %dma_wait3A_74] : memref<10016x128xf32, #tpu.memory_space<hbm>> -> memref<10016x128xf32, #tpu.memory_space<hbm>>
        tpu.wait_indirect_dma semaphore(%arg14 : memref<!tpu.dma_semaphore, #tpu.memory_space<semaphore_mem>>) src(%dma_wait3A_75 : memref<10016x128xf32, #tpu.memory_space<hbm>>) dst(%arg11 : memref<128x128xf32, #tpu.memory_space<vmem>>)
        %add3A_76 = arith.constant 0 : i32
        %add3A_77 = arith.addi %add3A_68, %add3A_76 : i32
        %dma_start3A_78 = arith.constant 0 : i32
        %dma_start3A_79 = tpu.memref_slice %arg10[%add3A_77, %dma_start3A_78] : memref<40x128xi32, #tpu.memory_space<vmem>> -> memref<1x128xi32, #tpu.memory_space<vmem>>
        %dma_start3A_80 = tpu.memref_squeeze %dma_start3A_79 : memref<1x128xi32, #tpu.memory_space<vmem>> -> memref<128xi32, #tpu.memory_space<vmem>>
        %dma_start3A_81 = arith.constant 0 : i32
        %dma_start3A_82 = arith.constant 0 : i32
        %dma_start3A_83 = tpu.memref_slice %arg13[%dma_start3A_81, %dma_start3A_82] : memref<10112x128xf32, #tpu.memory_space<vmem_shared>> -> memref<10112x128xf32, #tpu.memory_space<vmem_shared>>
        tpu.enqueue_indirect_dma source(%arg11 : memref<128x128xf32, #tpu.memory_space<vmem>>) target(%dma_start3A_83 : memref<10112x128xf32, #tpu.memory_space<vmem_shared>>) offsets(%dma_start3A_80 : memref<128xi32, #tpu.memory_space<vmem>>) semaphore(%arg16 : memref<!tpu.dma_semaphore, #tpu.memory_space<semaphore_mem>>) {add = true}
        %add3A_84 = arith.constant 1 : i32
        %add3A_85 = arith.addi %add3A_68, %add3A_84 : i32
        %dma_wait3A_86 = arith.constant 0 : i32
        %dma_wait3A_87 = tpu.memref_slice %arg9[%add3A_85, %dma_wait3A_86] : memref<40x128xi32, #tpu.memory_space<vmem>> -> memref<1x128xi32, #tpu.memory_space<vmem>>
        %dma_wait3A_88 = tpu.memref_squeeze %dma_wait3A_87 : memref<1x128xi32, #tpu.memory_space<vmem>> -> memref<128xi32, #tpu.memory_space<vmem>>
        %dma_wait3A_89 = arith.constant 0 : i32
        %dma_wait3A_90 = arith.constant 0 : i32
        %dma_wait3A_91 = tpu.memref_slice %arg2[%dma_wait3A_89, %dma_wait3A_90] : memref<10016x128xf32, #tpu.memory_space<hbm>> -> memref<10016x128xf32, #tpu.memory_space<hbm>>
        tpu.wait_indirect_dma semaphore(%arg15 : memref<!tpu.dma_semaphore, #tpu.memory_space<semaphore_mem>>) src(%dma_wait3A_91 : memref<10016x128xf32, #tpu.memory_space<hbm>>) dst(%arg12 : memref<128x128xf32, #tpu.memory_space<vmem>>)
        %add3A_92 = arith.constant 1 : i32
        %add3A_93 = arith.addi %add3A_68, %add3A_92 : i32
        %dma_start3A_94 = arith.constant 0 : i32
        %dma_start3A_95 = tpu.memref_slice %arg10[%add3A_93, %dma_start3A_94] : memref<40x128xi32, #tpu.memory_space<vmem>> -> memref<1x128xi32, #tpu.memory_space<vmem>>
        %dma_start3A_96 = tpu.memref_squeeze %dma_start3A_95 : memref<1x128xi32, #tpu.memory_space<vmem>> -> memref<128xi32, #tpu.memory_space<vmem>>
        %dma_start3A_97 = arith.constant 0 : i32
        %dma_start3A_98 = arith.constant 0 : i32
        %dma_start3A_99 = tpu.memref_slice %arg13[%dma_start3A_97, %dma_start3A_98] : memref<10112x128xf32, #tpu.memory_space<vmem_shared>> -> memref<10112x128xf32, #tpu.memory_space<vmem_shared>>
        tpu.enqueue_indirect_dma source(%arg12 : memref<128x128xf32, #tpu.memory_space<vmem>>) target(%dma_start3A_99 : memref<10112x128xf32, #tpu.memory_space<vmem_shared>>) offsets(%dma_start3A_96 : memref<128xi32, #tpu.memory_space<vmem>>) semaphore(%arg17 : memref<!tpu.dma_semaphore, #tpu.memory_space<semaphore_mem>>) {add = true}
        %add3A_100 = arith.constant 0 : i32
        %add3A_101 = arith.addi %add3A_68, %add3A_100 : i32
        %dma_wait3A_102 = arith.constant 0 : i32
        %dma_wait3A_103 = tpu.memref_slice %arg10[%add3A_101, %dma_wait3A_102] : memref<40x128xi32, #tpu.memory_space<vmem>> -> memref<1x128xi32, #tpu.memory_space<vmem>>
        %dma_wait3A_104 = tpu.memref_squeeze %dma_wait3A_103 : memref<1x128xi32, #tpu.memory_space<vmem>> -> memref<128xi32, #tpu.memory_space<vmem>>
        %dma_wait3A_105 = arith.constant 0 : i32
        %dma_wait3A_106 = arith.constant 0 : i32
        %dma_wait3A_107 = tpu.memref_slice %arg13[%dma_wait3A_105, %dma_wait3A_106] : memref<10112x128xf32, #tpu.memory_space<vmem_shared>> -> memref<10112x128xf32, #tpu.memory_space<vmem_shared>>
        tpu.wait_indirect_dma semaphore(%arg16 : memref<!tpu.dma_semaphore, #tpu.memory_space<semaphore_mem>>) src(%arg11 : memref<128x128xf32, #tpu.memory_space<vmem>>) dst(%dma_wait3A_107 : memref<10112x128xf32, #tpu.memory_space<vmem_shared>>)
        %add3A_108 = arith.constant 0 : i32
        %add3A_109 = arith.addi %add3A_68, %add3A_108 : i32
        %add3A_110 = arith.constant 2 : i32
        %add3A_111 = arith.addi %add3A_109, %add3A_110 : i32
        %lt3A = arith.constant 40 : i32
        %lt3A_112 = arith.cmpi slt, %add3A_111, %lt3A : i32
        %convert_element_type3A_113 = arith.extui %lt3A_112 : i1 to i32
        %cond3A_114 = arith.constant 0 : i32
        %cond3A_115 = arith.cmpi ne, %convert_element_type3A_113, %cond3A_114 : i32
        scf.if %cond3A_115 {
          %add3A_133 = arith.constant 0 : i32
          %add3A_134 = arith.addi %add3A_68, %add3A_133 : i32
          %add3A_135 = arith.constant 2 : i32
          %add3A_136 = arith.addi %add3A_134, %add3A_135 : i32
          %dma_start3A_137 = arith.constant 0 : i32
          %dma_start3A_138 = tpu.memref_slice %arg9[%add3A_136, %dma_start3A_137] : memref<40x128xi32, #tpu.memory_space<vmem>> -> memref<1x128xi32, #tpu.memory_space<vmem>>
          %dma_start3A_139 = tpu.memref_squeeze %dma_start3A_138 : memref<1x128xi32, #tpu.memory_space<vmem>> -> memref<128xi32, #tpu.memory_space<vmem>>
          %dma_start3A_140 = arith.constant 0 : i32
          %dma_start3A_141 = arith.constant 0 : i32
          %dma_start3A_142 = tpu.memref_slice %arg2[%dma_start3A_140, %dma_start3A_141] : memref<10016x128xf32, #tpu.memory_space<hbm>> -> memref<10016x128xf32, #tpu.memory_space<hbm>>
          tpu.enqueue_indirect_dma source(%dma_start3A_142 : memref<10016x128xf32, #tpu.memory_space<hbm>>) target(%arg11 : memref<128x128xf32, #tpu.memory_space<vmem>>) offsets(%dma_start3A_139 : memref<128xi32, #tpu.memory_space<vmem>>) semaphore(%arg14 : memref<!tpu.dma_semaphore, #tpu.memory_space<semaphore_mem>>)
        } else {
        }
        %add3A_116 = arith.constant 1 : i32
        %add3A_117 = arith.addi %add3A_68, %add3A_116 : i32
        %dma_wait3A_118 = arith.constant 0 : i32
        %dma_wait3A_119 = tpu.memref_slice %arg10[%add3A_117, %dma_wait3A_118] : memref<40x128xi32, #tpu.memory_space<vmem>> -> memref<1x128xi32, #tpu.memory_space<vmem>>
        %dma_wait3A_120 = tpu.memref_squeeze %dma_wait3A_119 : memref<1x128xi32, #tpu.memory_space<vmem>> -> memref<128xi32, #tpu.memory_space<vmem>>
        %dma_wait3A_121 = arith.constant 0 : i32
        %dma_wait3A_122 = arith.constant 0 : i32
        %dma_wait3A_123 = tpu.memref_slice %arg13[%dma_wait3A_121, %dma_wait3A_122] : memref<10112x128xf32, #tpu.memory_space<vmem_shared>> -> memref<10112x128xf32, #tpu.memory_space<vmem_shared>>
        tpu.wait_indirect_dma semaphore(%arg17 : memref<!tpu.dma_semaphore, #tpu.memory_space<semaphore_mem>>) src(%arg12 : memref<128x128xf32, #tpu.memory_space<vmem>>) dst(%dma_wait3A_123 : memref<10112x128xf32, #tpu.memory_space<vmem_shared>>)
        %add3A_124 = arith.constant 1 : i32
        %add3A_125 = arith.addi %add3A_68, %add3A_124 : i32
        %add3A_126 = arith.constant 2 : i32
        %add3A_127 = arith.addi %add3A_125, %add3A_126 : i32
        %lt3A_128 = arith.constant 40 : i32
        %lt3A_129 = arith.cmpi slt, %add3A_127, %lt3A_128 : i32
        %convert_element_type3A_130 = arith.extui %lt3A_129 : i1 to i32
        %cond3A_131 = arith.constant 0 : i32
        %cond3A_132 = arith.cmpi ne, %convert_element_type3A_130, %cond3A_131 : i32
        scf.if %cond3A_132 {
          %add3A_133 = arith.constant 1 : i32
          %add3A_134 = arith.addi %add3A_68, %add3A_133 : i32
          %add3A_135 = arith.constant 2 : i32
          %add3A_136 = arith.addi %add3A_134, %add3A_135 : i32
          %dma_start3A_137 = arith.constant 0 : i32
          %dma_start3A_138 = tpu.memref_slice %arg9[%add3A_136, %dma_start3A_137] : memref<40x128xi32, #tpu.memory_space<vmem>> -> memref<1x128xi32, #tpu.memory_space<vmem>>
          %dma_start3A_139 = tpu.memref_squeeze %dma_start3A_138 : memref<1x128xi32, #tpu.memory_space<vmem>> -> memref<128xi32, #tpu.memory_space<vmem>>
          %dma_start3A_140 = arith.constant 0 : i32
          %dma_start3A_141 = arith.constant 0 : i32
          %dma_start3A_142 = tpu.memref_slice %arg2[%dma_start3A_140, %dma_start3A_141] : memref<10016x128xf32, #tpu.memory_space<hbm>> -> memref<10016x128xf32, #tpu.memory_space<hbm>>
          tpu.enqueue_indirect_dma source(%dma_start3A_142 : memref<10016x128xf32, #tpu.memory_space<hbm>>) target(%arg12 : memref<128x128xf32, #tpu.memory_space<vmem>>) offsets(%dma_start3A_139 : memref<128xi32, #tpu.memory_space<vmem>>) semaphore(%arg15 : memref<!tpu.dma_semaphore, #tpu.memory_space<semaphore_mem>>)
        } else {
        }
      }
      %scan3A_26 = arith.constant 20 : i32
      "tpu.region"() ({
        %run_scoped3A = tpu.sem_alloc : memref<!tpu.dma_semaphore, #tpu.memory_space<semaphore_mem>>
        %dma_start3A_65 = arith.constant 0 : i32
        %dma_start3A_66 = arith.constant 0 : i32
        %dma_start3A_67 = tpu.memref_slice %arg9[%dma_start3A_65, %dma_start3A_66] : memref<40x128xi32, #tpu.memory_space<vmem>> -> memref<40x128xi32, #tpu.memory_space<vmem>>
        %dma_start3A_68 = arith.constant 40 : i32
        %dma_start3A_69 = arith.constant 0 : i32
        %dma_start3A_70 = tpu.memref_slice %arg3[%arg1, %dma_start3A_68, %dma_start3A_69] : memref<16x120x128xi32, #tpu.memory_space<hbm>> -> memref<1x40x128xi32, #tpu.memory_space<hbm>>
        %dma_start3A_71 = tpu.memref_squeeze %dma_start3A_70 : memref<1x40x128xi32, #tpu.memory_space<hbm>> -> memref<40x128xi32, #tpu.memory_space<hbm>>
        %dma_start3A_72 = arith.constant 0 : i32
        %dma_start3A_73 = arith.constant 0 : i32
        %dma_start3A_74 = tpu.memref_slice %arg9[%dma_start3A_72, %dma_start3A_73] : memref<40x128xi32, #tpu.memory_space<vmem>> -> memref<40x128xi32, #tpu.memory_space<vmem>>
        %dma_start3A_75 = arith.constant 40 : i32
        %dma_start3A_76 = arith.constant 0 : i32
        %dma_start3A_77 = tpu.memref_slice %arg3[%arg1, %dma_start3A_75, %dma_start3A_76] : memref<16x120x128xi32, #tpu.memory_space<hbm>> -> memref<1x40x128xi32, #tpu.memory_space<hbm>>
        %dma_start3A_78 = tpu.memref_squeeze %dma_start3A_77 : memref<1x40x128xi32, #tpu.memory_space<hbm>> -> memref<40x128xi32, #tpu.memory_space<hbm>>
        tpu.enqueue_dma source(%dma_start3A_78 : memref<40x128xi32, #tpu.memory_space<hbm>>) target(%dma_start3A_74 : memref<40x128xi32, #tpu.memory_space<vmem>>) target_semaphore(%run_scoped3A : memref<!tpu.dma_semaphore, #tpu.memory_space<semaphore_mem>>)
        %dma_wait3A = arith.constant 0 : i32
        %dma_wait3A_79 = arith.constant 0 : i32
        %dma_wait3A_80 = tpu.memref_slice %arg9[%dma_wait3A, %dma_wait3A_79] : memref<40x128xi32, #tpu.memory_space<vmem>> -> memref<40x128xi32, #tpu.memory_space<vmem>>
        %dma_wait3A_81 = arith.constant 40 : i32
        %dma_wait3A_82 = arith.constant 0 : i32
        %dma_wait3A_83 = tpu.memref_slice %arg3[%arg1, %dma_wait3A_81, %dma_wait3A_82] : memref<16x120x128xi32, #tpu.memory_space<hbm>> -> memref<1x40x128xi32, #tpu.memory_space<hbm>>
        %dma_wait3A_84 = tpu.memref_squeeze %dma_wait3A_83 : memref<1x40x128xi32, #tpu.memory_space<hbm>> -> memref<40x128xi32, #tpu.memory_space<hbm>>
        %dma_wait3A_85 = arith.constant 0 : i32
        %dma_wait3A_86 = arith.constant 0 : i32
        %dma_wait3A_87 = tpu.memref_slice %arg9[%dma_wait3A_85, %dma_wait3A_86] : memref<40x128xi32, #tpu.memory_space<vmem>> -> memref<40x128xi32, #tpu.memory_space<vmem>>
        %dma_wait3A_88 = arith.constant 40 : i32
        %dma_wait3A_89 = arith.constant 0 : i32
        %dma_wait3A_90 = tpu.memref_slice %arg3[%arg1, %dma_wait3A_88, %dma_wait3A_89] : memref<16x120x128xi32, #tpu.memory_space<hbm>> -> memref<1x40x128xi32, #tpu.memory_space<hbm>>
        %dma_wait3A_91 = tpu.memref_squeeze %dma_wait3A_90 : memref<1x40x128xi32, #tpu.memory_space<hbm>> -> memref<40x128xi32, #tpu.memory_space<hbm>>
        tpu.wait_dma2 semaphore(%run_scoped3A : memref<!tpu.dma_semaphore, #tpu.memory_space<semaphore_mem>>) src(%dma_wait3A_91 : memref<40x128xi32, #tpu.memory_space<hbm>>) dst(%dma_wait3A_87 : memref<40x128xi32, #tpu.memory_space<vmem>>)
        tpu.yield
      }) : () -> ()
      "tpu.region"() ({
        %run_scoped3A = tpu.sem_alloc : memref<!tpu.dma_semaphore, #tpu.memory_space<semaphore_mem>>
        %dma_start3A_65 = arith.constant 0 : i32
        %dma_start3A_66 = arith.constant 0 : i32
        %dma_start3A_67 = tpu.memref_slice %arg10[%dma_start3A_65, %dma_start3A_66] : memref<40x128xi32, #tpu.memory_space<vmem>> -> memref<40x128xi32, #tpu.memory_space<vmem>>
        %dma_start3A_68 = arith.constant 40 : i32
        %dma_start3A_69 = arith.constant 0 : i32
        %dma_start3A_70 = tpu.memref_slice %arg4[%arg1, %dma_start3A_68, %dma_start3A_69] : memref<16x120x128xi32, #tpu.memory_space<hbm>> -> memref<1x40x128xi32, #tpu.memory_space<hbm>>
        %dma_start3A_71 = tpu.memref_squeeze %dma_start3A_70 : memref<1x40x128xi32, #tpu.memory_space<hbm>> -> memref<40x128xi32, #tpu.memory_space<hbm>>
        %dma_start3A_72 = arith.constant 0 : i32
        %dma_start3A_73 = arith.constant 0 : i32
        %dma_start3A_74 = tpu.memref_slice %arg10[%dma_start3A_72, %dma_start3A_73] : memref<40x128xi32, #tpu.memory_space<vmem>> -> memref<40x128xi32, #tpu.memory_space<vmem>>
        %dma_start3A_75 = arith.constant 40 : i32
        %dma_start3A_76 = arith.constant 0 : i32
        %dma_start3A_77 = tpu.memref_slice %arg4[%arg1, %dma_start3A_75, %dma_start3A_76] : memref<16x120x128xi32, #tpu.memory_space<hbm>> -> memref<1x40x128xi32, #tpu.memory_space<hbm>>
        %dma_start3A_78 = tpu.memref_squeeze %dma_start3A_77 : memref<1x40x128xi32, #tpu.memory_space<hbm>> -> memref<40x128xi32, #tpu.memory_space<hbm>>
        tpu.enqueue_dma source(%dma_start3A_78 : memref<40x128xi32, #tpu.memory_space<hbm>>) target(%dma_start3A_74 : memref<40x128xi32, #tpu.memory_space<vmem>>) target_semaphore(%run_scoped3A : memref<!tpu.dma_semaphore, #tpu.memory_space<semaphore_mem>>)
        %dma_wait3A = arith.constant 0 : i32
        %dma_wait3A_79 = arith.constant 0 : i32
        %dma_wait3A_80 = tpu.memref_slice %arg10[%dma_wait3A, %dma_wait3A_79] : memref<40x128xi32, #tpu.memory_space<vmem>> -> memref<40x128xi32, #tpu.memory_space<vmem>>
        %dma_wait3A_81 = arith.constant 40 : i32
        %dma_wait3A_82 = arith.constant 0 : i32
        %dma_wait3A_83 = tpu.memref_slice %arg4[%arg1, %dma_wait3A_81, %dma_wait3A_82] : memref<16x120x128xi32, #tpu.memory_space<hbm>> -> memref<1x40x128xi32, #tpu.memory_space<hbm>>
        %dma_wait3A_84 = tpu.memref_squeeze %dma_wait3A_83 : memref<1x40x128xi32, #tpu.memory_space<hbm>> -> memref<40x128xi32, #tpu.memory_space<hbm>>
        %dma_wait3A_85 = arith.constant 0 : i32
        %dma_wait3A_86 = arith.constant 0 : i32
        %dma_wait3A_87 = tpu.memref_slice %arg10[%dma_wait3A_85, %dma_wait3A_86] : memref<40x128xi32, #tpu.memory_space<vmem>> -> memref<40x128xi32, #tpu.memory_space<vmem>>
        %dma_wait3A_88 = arith.constant 40 : i32
        %dma_wait3A_89 = arith.constant 0 : i32
        %dma_wait3A_90 = tpu.memref_slice %arg4[%arg1, %dma_wait3A_88, %dma_wait3A_89] : memref<16x120x128xi32, #tpu.memory_space<hbm>> -> memref<1x40x128xi32, #tpu.memory_space<hbm>>
        %dma_wait3A_91 = tpu.memref_squeeze %dma_wait3A_90 : memref<1x40x128xi32, #tpu.memory_space<hbm>> -> memref<40x128xi32, #tpu.memory_space<hbm>>
        tpu.wait_dma2 semaphore(%run_scoped3A : memref<!tpu.dma_semaphore, #tpu.memory_space<semaphore_mem>>) src(%dma_wait3A_91 : memref<40x128xi32, #tpu.memory_space<hbm>>) dst(%dma_wait3A_87 : memref<40x128xi32, #tpu.memory_space<vmem>>)
        tpu.yield
      }) : () -> ()
      %dma_start3A_27 = arith.constant 0 : i32
      %dma_start3A_28 = arith.constant 0 : i32
      %dma_start3A_29 = tpu.memref_slice %arg9[%dma_start3A_27, %dma_start3A_28] : memref<40x128xi32, #tpu.memory_space<vmem>> -> memref<1x128xi32, #tpu.memory_space<vmem>>
      %dma_start3A_30 = tpu.memref_squeeze %dma_start3A_29 : memref<1x128xi32, #tpu.memory_space<vmem>> -> memref<128xi32, #tpu.memory_space<vmem>>
      %dma_start3A_31 = arith.constant 0 : i32
      %dma_start3A_32 = arith.constant 0 : i32
      %dma_start3A_33 = tpu.memref_slice %arg2[%dma_start3A_31, %dma_start3A_32] : memref<10016x128xf32, #tpu.memory_space<hbm>> -> memref<10016x128xf32, #tpu.memory_space<hbm>>
      tpu.enqueue_indirect_dma source(%dma_start3A_33 : memref<10016x128xf32, #tpu.memory_space<hbm>>) target(%arg11 : memref<128x128xf32, #tpu.memory_space<vmem>>) offsets(%dma_start3A_30 : memref<128xi32, #tpu.memory_space<vmem>>) semaphore(%arg14 : memref<!tpu.dma_semaphore, #tpu.memory_space<semaphore_mem>>)
      %dma_start3A_34 = arith.constant 1 : i32
      %dma_start3A_35 = arith.constant 0 : i32
      %dma_start3A_36 = tpu.memref_slice %arg9[%dma_start3A_34, %dma_start3A_35] : memref<40x128xi32, #tpu.memory_space<vmem>> -> memref<1x128xi32, #tpu.memory_space<vmem>>
      %dma_start3A_37 = tpu.memref_squeeze %dma_start3A_36 : memref<1x128xi32, #tpu.memory_space<vmem>> -> memref<128xi32, #tpu.memory_space<vmem>>
      %dma_start3A_38 = arith.constant 0 : i32
      %dma_start3A_39 = arith.constant 0 : i32
      %dma_start3A_40 = tpu.memref_slice %arg2[%dma_start3A_38, %dma_start3A_39] : memref<10016x128xf32, #tpu.memory_space<hbm>> -> memref<10016x128xf32, #tpu.memory_space<hbm>>
      tpu.enqueue_indirect_dma source(%dma_start3A_40 : memref<10016x128xf32, #tpu.memory_space<hbm>>) target(%arg12 : memref<128x128xf32, #tpu.memory_space<vmem>>) offsets(%dma_start3A_37 : memref<128xi32, #tpu.memory_space<vmem>>) semaphore(%arg15 : memref<!tpu.dma_semaphore, #tpu.memory_space<semaphore_mem>>)
      %scan3A_41 = arith.constant 0 : i32
      %scan3A_42 = arith.constant 20 : i32
      %scan3A_43 = arith.addi %scan3A_41, %scan3A_42 : i32
      %scan3A_44 = arith.constant 1 : i32
      scf.for %scan3A_65 = %scan3A_41 to %scan3A_43 step %scan3A_44  : i32 {
        %mul3A_66 = arith.constant 2 : i32
        %mul3A_67 = arith.muli %scan3A_65, %mul3A_66 : i32
        %add3A = arith.constant 0 : i32
        %add3A_68 = arith.addi %add3A, %mul3A_67 : i32
        %add3A_69 = arith.constant 0 : i32
        %add3A_70 = arith.addi %add3A_68, %add3A_69 : i32
        %dma_wait3A = arith.constant 0 : i32
        %dma_wait3A_71 = tpu.memref_slice %arg9[%add3A_70, %dma_wait3A] : memref<40x128xi32, #tpu.memory_space<vmem>> -> memref<1x128xi32, #tpu.memory_space<vmem>>
        %dma_wait3A_72 = tpu.memref_squeeze %dma_wait3A_71 : memref<1x128xi32, #tpu.memory_space<vmem>> -> memref<128xi32, #tpu.memory_space<vmem>>
        %dma_wait3A_73 = arith.constant 0 : i32
        %dma_wait3A_74 = arith.constant 0 : i32
        %dma_wait3A_75 = tpu.memref_slice %arg2[%dma_wait3A_73, %dma_wait3A_74] : memref<10016x128xf32, #tpu.memory_space<hbm>> -> memref<10016x128xf32, #tpu.memory_space<hbm>>
        tpu.wait_indirect_dma semaphore(%arg14 : memref<!tpu.dma_semaphore, #tpu.memory_space<semaphore_mem>>) src(%dma_wait3A_75 : memref<10016x128xf32, #tpu.memory_space<hbm>>) dst(%arg11 : memref<128x128xf32, #tpu.memory_space<vmem>>)
        %add3A_76 = arith.constant 0 : i32
        %add3A_77 = arith.addi %add3A_68, %add3A_76 : i32
        %dma_start3A_78 = arith.constant 0 : i32
        %dma_start3A_79 = tpu.memref_slice %arg10[%add3A_77, %dma_start3A_78] : memref<40x128xi32, #tpu.memory_space<vmem>> -> memref<1x128xi32, #tpu.memory_space<vmem>>
        %dma_start3A_80 = tpu.memref_squeeze %dma_start3A_79 : memref<1x128xi32, #tpu.memory_space<vmem>> -> memref<128xi32, #tpu.memory_space<vmem>>
        %dma_start3A_81 = arith.constant 0 : i32
        %dma_start3A_82 = arith.constant 0 : i32
        %dma_start3A_83 = tpu.memref_slice %arg13[%dma_start3A_81, %dma_start3A_82] : memref<10112x128xf32, #tpu.memory_space<vmem_shared>> -> memref<10112x128xf32, #tpu.memory_space<vmem_shared>>
        tpu.enqueue_indirect_dma source(%arg11 : memref<128x128xf32, #tpu.memory_space<vmem>>) target(%dma_start3A_83 : memref<10112x128xf32, #tpu.memory_space<vmem_shared>>) offsets(%dma_start3A_80 : memref<128xi32, #tpu.memory_space<vmem>>) semaphore(%arg16 : memref<!tpu.dma_semaphore, #tpu.memory_space<semaphore_mem>>) {add = true}
        %add3A_84 = arith.constant 1 : i32
        %add3A_85 = arith.addi %add3A_68, %add3A_84 : i32
        %dma_wait3A_86 = arith.constant 0 : i32
        %dma_wait3A_87 = tpu.memref_slice %arg9[%add3A_85, %dma_wait3A_86] : memref<40x128xi32, #tpu.memory_space<vmem>> -> memref<1x128xi32, #tpu.memory_space<vmem>>
        %dma_wait3A_88 = tpu.memref_squeeze %dma_wait3A_87 : memref<1x128xi32, #tpu.memory_space<vmem>> -> memref<128xi32, #tpu.memory_space<vmem>>
        %dma_wait3A_89 = arith.constant 0 : i32
        %dma_wait3A_90 = arith.constant 0 : i32
        %dma_wait3A_91 = tpu.memref_slice %arg2[%dma_wait3A_89, %dma_wait3A_90] : memref<10016x128xf32, #tpu.memory_space<hbm>> -> memref<10016x128xf32, #tpu.memory_space<hbm>>
        tpu.wait_indirect_dma semaphore(%arg15 : memref<!tpu.dma_semaphore, #tpu.memory_space<semaphore_mem>>) src(%dma_wait3A_91 : memref<10016x128xf32, #tpu.memory_space<hbm>>) dst(%arg12 : memref<128x128xf32, #tpu.memory_space<vmem>>)
        %add3A_92 = arith.constant 1 : i32
        %add3A_93 = arith.addi %add3A_68, %add3A_92 : i32
        %dma_start3A_94 = arith.constant 0 : i32
        %dma_start3A_95 = tpu.memref_slice %arg10[%add3A_93, %dma_start3A_94] : memref<40x128xi32, #tpu.memory_space<vmem>> -> memref<1x128xi32, #tpu.memory_space<vmem>>
        %dma_start3A_96 = tpu.memref_squeeze %dma_start3A_95 : memref<1x128xi32, #tpu.memory_space<vmem>> -> memref<128xi32, #tpu.memory_space<vmem>>
        %dma_start3A_97 = arith.constant 0 : i32
        %dma_start3A_98 = arith.constant 0 : i32
        %dma_start3A_99 = tpu.memref_slice %arg13[%dma_start3A_97, %dma_start3A_98] : memref<10112x128xf32, #tpu.memory_space<vmem_shared>> -> memref<10112x128xf32, #tpu.memory_space<vmem_shared>>
        tpu.enqueue_indirect_dma source(%arg12 : memref<128x128xf32, #tpu.memory_space<vmem>>) target(%dma_start3A_99 : memref<10112x128xf32, #tpu.memory_space<vmem_shared>>) offsets(%dma_start3A_96 : memref<128xi32, #tpu.memory_space<vmem>>) semaphore(%arg17 : memref<!tpu.dma_semaphore, #tpu.memory_space<semaphore_mem>>) {add = true}
        %add3A_100 = arith.constant 0 : i32
        %add3A_101 = arith.addi %add3A_68, %add3A_100 : i32
        %dma_wait3A_102 = arith.constant 0 : i32
        %dma_wait3A_103 = tpu.memref_slice %arg10[%add3A_101, %dma_wait3A_102] : memref<40x128xi32, #tpu.memory_space<vmem>> -> memref<1x128xi32, #tpu.memory_space<vmem>>
        %dma_wait3A_104 = tpu.memref_squeeze %dma_wait3A_103 : memref<1x128xi32, #tpu.memory_space<vmem>> -> memref<128xi32, #tpu.memory_space<vmem>>
        %dma_wait3A_105 = arith.constant 0 : i32
        %dma_wait3A_106 = arith.constant 0 : i32
        %dma_wait3A_107 = tpu.memref_slice %arg13[%dma_wait3A_105, %dma_wait3A_106] : memref<10112x128xf32, #tpu.memory_space<vmem_shared>> -> memref<10112x128xf32, #tpu.memory_space<vmem_shared>>
        tpu.wait_indirect_dma semaphore(%arg16 : memref<!tpu.dma_semaphore, #tpu.memory_space<semaphore_mem>>) src(%arg11 : memref<128x128xf32, #tpu.memory_space<vmem>>) dst(%dma_wait3A_107 : memref<10112x128xf32, #tpu.memory_space<vmem_shared>>)
        %add3A_108 = arith.constant 0 : i32
        %add3A_109 = arith.addi %add3A_68, %add3A_108 : i32
        %add3A_110 = arith.constant 2 : i32
        %add3A_111 = arith.addi %add3A_109, %add3A_110 : i32
        %lt3A = arith.constant 40 : i32
        %lt3A_112 = arith.cmpi slt, %add3A_111, %lt3A : i32
        %convert_element_type3A_113 = arith.extui %lt3A_112 : i1 to i32
        %cond3A_114 = arith.constant 0 : i32
        %cond3A_115 = arith.cmpi ne, %convert_element_type3A_113, %cond3A_114 : i32
        scf.if %cond3A_115 {
          %add3A_133 = arith.constant 0 : i32
          %add3A_134 = arith.addi %add3A_68, %add3A_133 : i32
          %add3A_135 = arith.constant 2 : i32
          %add3A_136 = arith.addi %add3A_134, %add3A_135 : i32
          %dma_start3A_137 = arith.constant 0 : i32
          %dma_start3A_138 = tpu.memref_slice %arg9[%add3A_136, %dma_start3A_137] : memref<40x128xi32, #tpu.memory_space<vmem>> -> memref<1x128xi32, #tpu.memory_space<vmem>>
          %dma_start3A_139 = tpu.memref_squeeze %dma_start3A_138 : memref<1x128xi32, #tpu.memory_space<vmem>> -> memref<128xi32, #tpu.memory_space<vmem>>
          %dma_start3A_140 = arith.constant 0 : i32
          %dma_start3A_141 = arith.constant 0 : i32
          %dma_start3A_142 = tpu.memref_slice %arg2[%dma_start3A_140, %dma_start3A_141] : memref<10016x128xf32, #tpu.memory_space<hbm>> -> memref<10016x128xf32, #tpu.memory_space<hbm>>
          tpu.enqueue_indirect_dma source(%dma_start3A_142 : memref<10016x128xf32, #tpu.memory_space<hbm>>) target(%arg11 : memref<128x128xf32, #tpu.memory_space<vmem>>) offsets(%dma_start3A_139 : memref<128xi32, #tpu.memory_space<vmem>>) semaphore(%arg14 : memref<!tpu.dma_semaphore, #tpu.memory_space<semaphore_mem>>)
        } else {
        }
        %add3A_116 = arith.constant 1 : i32
        %add3A_117 = arith.addi %add3A_68, %add3A_116 : i32
        %dma_wait3A_118 = arith.constant 0 : i32
        %dma_wait3A_119 = tpu.memref_slice %arg10[%add3A_117, %dma_wait3A_118] : memref<40x128xi32, #tpu.memory_space<vmem>> -> memref<1x128xi32, #tpu.memory_space<vmem>>
        %dma_wait3A_120 = tpu.memref_squeeze %dma_wait3A_119 : memref<1x128xi32, #tpu.memory_space<vmem>> -> memref<128xi32, #tpu.memory_space<vmem>>
        %dma_wait3A_121 = arith.constant 0 : i32
        %dma_wait3A_122 = arith.constant 0 : i32
        %dma_wait3A_123 = tpu.memref_slice %arg13[%dma_wait3A_121, %dma_wait3A_122] : memref<10112x128xf32, #tpu.memory_space<vmem_shared>> -> memref<10112x128xf32, #tpu.memory_space<vmem_shared>>
        tpu.wait_indirect_dma semaphore(%arg17 : memref<!tpu.dma_semaphore, #tpu.memory_space<semaphore_mem>>) src(%arg12 : memref<128x128xf32, #tpu.memory_space<vmem>>) dst(%dma_wait3A_123 : memref<10112x128xf32, #tpu.memory_space<vmem_shared>>)
        %add3A_124 = arith.constant 1 : i32
        %add3A_125 = arith.addi %add3A_68, %add3A_124 : i32
        %add3A_126 = arith.constant 2 : i32
        %add3A_127 = arith.addi %add3A_125, %add3A_126 : i32
        %lt3A_128 = arith.constant 40 : i32
        %lt3A_129 = arith.cmpi slt, %add3A_127, %lt3A_128 : i32
        %convert_element_type3A_130 = arith.extui %lt3A_129 : i1 to i32
        %cond3A_131 = arith.constant 0 : i32
        %cond3A_132 = arith.cmpi ne, %convert_element_type3A_130, %cond3A_131 : i32
        scf.if %cond3A_132 {
          %add3A_133 = arith.constant 1 : i32
          %add3A_134 = arith.addi %add3A_68, %add3A_133 : i32
          %add3A_135 = arith.constant 2 : i32
          %add3A_136 = arith.addi %add3A_134, %add3A_135 : i32
          %dma_start3A_137 = arith.constant 0 : i32
          %dma_start3A_138 = tpu.memref_slice %arg9[%add3A_136, %dma_start3A_137] : memref<40x128xi32, #tpu.memory_space<vmem>> -> memref<1x128xi32, #tpu.memory_space<vmem>>
          %dma_start3A_139 = tpu.memref_squeeze %dma_start3A_138 : memref<1x128xi32, #tpu.memory_space<vmem>> -> memref<128xi32, #tpu.memory_space<vmem>>
          %dma_start3A_140 = arith.constant 0 : i32
          %dma_start3A_141 = arith.constant 0 : i32
          %dma_start3A_142 = tpu.memref_slice %arg2[%dma_start3A_140, %dma_start3A_141] : memref<10016x128xf32, #tpu.memory_space<hbm>> -> memref<10016x128xf32, #tpu.memory_space<hbm>>
          tpu.enqueue_indirect_dma source(%dma_start3A_142 : memref<10016x128xf32, #tpu.memory_space<hbm>>) target(%arg12 : memref<128x128xf32, #tpu.memory_space<vmem>>) offsets(%dma_start3A_139 : memref<128xi32, #tpu.memory_space<vmem>>) semaphore(%arg15 : memref<!tpu.dma_semaphore, #tpu.memory_space<semaphore_mem>>)
        } else {
        }
      }
      %scan3A_45 = arith.constant 20 : i32
      "tpu.region"() ({
        %run_scoped3A = tpu.sem_alloc : memref<!tpu.dma_semaphore, #tpu.memory_space<semaphore_mem>>
        %dma_start3A_65 = arith.constant 0 : i32
        %dma_start3A_66 = arith.constant 0 : i32
        %dma_start3A_67 = tpu.memref_slice %arg9[%dma_start3A_65, %dma_start3A_66] : memref<40x128xi32, #tpu.memory_space<vmem>> -> memref<40x128xi32, #tpu.memory_space<vmem>>
        %dma_start3A_68 = arith.constant 80 : i32
        %dma_start3A_69 = arith.constant 0 : i32
        %dma_start3A_70 = tpu.memref_slice %arg3[%arg1, %dma_start3A_68, %dma_start3A_69] : memref<16x120x128xi32, #tpu.memory_space<hbm>> -> memref<1x40x128xi32, #tpu.memory_space<hbm>>
        %dma_start3A_71 = tpu.memref_squeeze %dma_start3A_70 : memref<1x40x128xi32, #tpu.memory_space<hbm>> -> memref<40x128xi32, #tpu.memory_space<hbm>>
        %dma_start3A_72 = arith.constant 0 : i32
        %dma_start3A_73 = arith.constant 0 : i32
        %dma_start3A_74 = tpu.memref_slice %arg9[%dma_start3A_72, %dma_start3A_73] : memref<40x128xi32, #tpu.memory_space<vmem>> -> memref<40x128xi32, #tpu.memory_space<vmem>>
        %dma_start3A_75 = arith.constant 80 : i32
        %dma_start3A_76 = arith.constant 0 : i32
        %dma_start3A_77 = tpu.memref_slice %arg3[%arg1, %dma_start3A_75, %dma_start3A_76] : memref<16x120x128xi32, #tpu.memory_space<hbm>> -> memref<1x40x128xi32, #tpu.memory_space<hbm>>
        %dma_start3A_78 = tpu.memref_squeeze %dma_start3A_77 : memref<1x40x128xi32, #tpu.memory_space<hbm>> -> memref<40x128xi32, #tpu.memory_space<hbm>>
        tpu.enqueue_dma source(%dma_start3A_78 : memref<40x128xi32, #tpu.memory_space<hbm>>) target(%dma_start3A_74 : memref<40x128xi32, #tpu.memory_space<vmem>>) target_semaphore(%run_scoped3A : memref<!tpu.dma_semaphore, #tpu.memory_space<semaphore_mem>>)
        %dma_wait3A = arith.constant 0 : i32
        %dma_wait3A_79 = arith.constant 0 : i32
        %dma_wait3A_80 = tpu.memref_slice %arg9[%dma_wait3A, %dma_wait3A_79] : memref<40x128xi32, #tpu.memory_space<vmem>> -> memref<40x128xi32, #tpu.memory_space<vmem>>
        %dma_wait3A_81 = arith.constant 80 : i32
        %dma_wait3A_82 = arith.constant 0 : i32
        %dma_wait3A_83 = tpu.memref_slice %arg3[%arg1, %dma_wait3A_81, %dma_wait3A_82] : memref<16x120x128xi32, #tpu.memory_space<hbm>> -> memref<1x40x128xi32, #tpu.memory_space<hbm>>
        %dma_wait3A_84 = tpu.memref_squeeze %dma_wait3A_83 : memref<1x40x128xi32, #tpu.memory_space<hbm>> -> memref<40x128xi32, #tpu.memory_space<hbm>>
        %dma_wait3A_85 = arith.constant 0 : i32
        %dma_wait3A_86 = arith.constant 0 : i32
        %dma_wait3A_87 = tpu.memref_slice %arg9[%dma_wait3A_85, %dma_wait3A_86] : memref<40x128xi32, #tpu.memory_space<vmem>> -> memref<40x128xi32, #tpu.memory_space<vmem>>
        %dma_wait3A_88 = arith.constant 80 : i32
        %dma_wait3A_89 = arith.constant 0 : i32
        %dma_wait3A_90 = tpu.memref_slice %arg3[%arg1, %dma_wait3A_88, %dma_wait3A_89] : memref<16x120x128xi32, #tpu.memory_space<hbm>> -> memref<1x40x128xi32, #tpu.memory_space<hbm>>
        %dma_wait3A_91 = tpu.memref_squeeze %dma_wait3A_90 : memref<1x40x128xi32, #tpu.memory_space<hbm>> -> memref<40x128xi32, #tpu.memory_space<hbm>>
        tpu.wait_dma2 semaphore(%run_scoped3A : memref<!tpu.dma_semaphore, #tpu.memory_space<semaphore_mem>>) src(%dma_wait3A_91 : memref<40x128xi32, #tpu.memory_space<hbm>>) dst(%dma_wait3A_87 : memref<40x128xi32, #tpu.memory_space<vmem>>)
        tpu.yield
      }) : () -> ()
      "tpu.region"() ({
        %run_scoped3A = tpu.sem_alloc : memref<!tpu.dma_semaphore, #tpu.memory_space<semaphore_mem>>
        %dma_start3A_65 = arith.constant 0 : i32
        %dma_start3A_66 = arith.constant 0 : i32
        %dma_start3A_67 = tpu.memref_slice %arg10[%dma_start3A_65, %dma_start3A_66] : memref<40x128xi32, #tpu.memory_space<vmem>> -> memref<40x128xi32, #tpu.memory_space<vmem>>
        %dma_start3A_68 = arith.constant 80 : i32
        %dma_start3A_69 = arith.constant 0 : i32
        %dma_start3A_70 = tpu.memref_slice %arg4[%arg1, %dma_start3A_68, %dma_start3A_69] : memref<16x120x128xi32, #tpu.memory_space<hbm>> -> memref<1x40x128xi32, #tpu.memory_space<hbm>>
        %dma_start3A_71 = tpu.memref_squeeze %dma_start3A_70 : memref<1x40x128xi32, #tpu.memory_space<hbm>> -> memref<40x128xi32, #tpu.memory_space<hbm>>
        %dma_start3A_72 = arith.constant 0 : i32
        %dma_start3A_73 = arith.constant 0 : i32
        %dma_start3A_74 = tpu.memref_slice %arg10[%dma_start3A_72, %dma_start3A_73] : memref<40x128xi32, #tpu.memory_space<vmem>> -> memref<40x128xi32, #tpu.memory_space<vmem>>
        %dma_start3A_75 = arith.constant 80 : i32
        %dma_start3A_76 = arith.constant 0 : i32
        %dma_start3A_77 = tpu.memref_slice %arg4[%arg1, %dma_start3A_75, %dma_start3A_76] : memref<16x120x128xi32, #tpu.memory_space<hbm>> -> memref<1x40x128xi32, #tpu.memory_space<hbm>>
        %dma_start3A_78 = tpu.memref_squeeze %dma_start3A_77 : memref<1x40x128xi32, #tpu.memory_space<hbm>> -> memref<40x128xi32, #tpu.memory_space<hbm>>
        tpu.enqueue_dma source(%dma_start3A_78 : memref<40x128xi32, #tpu.memory_space<hbm>>) target(%dma_start3A_74 : memref<40x128xi32, #tpu.memory_space<vmem>>) target_semaphore(%run_scoped3A : memref<!tpu.dma_semaphore, #tpu.memory_space<semaphore_mem>>)
        %dma_wait3A = arith.constant 0 : i32
        %dma_wait3A_79 = arith.constant 0 : i32
        %dma_wait3A_80 = tpu.memref_slice %arg10[%dma_wait3A, %dma_wait3A_79] : memref<40x128xi32, #tpu.memory_space<vmem>> -> memref<40x128xi32, #tpu.memory_space<vmem>>
        %dma_wait3A_81 = arith.constant 80 : i32
        %dma_wait3A_82 = arith.constant 0 : i32
        %dma_wait3A_83 = tpu.memref_slice %arg4[%arg1, %dma_wait3A_81, %dma_wait3A_82] : memref<16x120x128xi32, #tpu.memory_space<hbm>> -> memref<1x40x128xi32, #tpu.memory_space<hbm>>
        %dma_wait3A_84 = tpu.memref_squeeze %dma_wait3A_83 : memref<1x40x128xi32, #tpu.memory_space<hbm>> -> memref<40x128xi32, #tpu.memory_space<hbm>>
        %dma_wait3A_85 = arith.constant 0 : i32
        %dma_wait3A_86 = arith.constant 0 : i32
        %dma_wait3A_87 = tpu.memref_slice %arg10[%dma_wait3A_85, %dma_wait3A_86] : memref<40x128xi32, #tpu.memory_space<vmem>> -> memref<40x128xi32, #tpu.memory_space<vmem>>
        %dma_wait3A_88 = arith.constant 80 : i32
        %dma_wait3A_89 = arith.constant 0 : i32
        %dma_wait3A_90 = tpu.memref_slice %arg4[%arg1, %dma_wait3A_88, %dma_wait3A_89] : memref<16x120x128xi32, #tpu.memory_space<hbm>> -> memref<1x40x128xi32, #tpu.memory_space<hbm>>
        %dma_wait3A_91 = tpu.memref_squeeze %dma_wait3A_90 : memref<1x40x128xi32, #tpu.memory_space<hbm>> -> memref<40x128xi32, #tpu.memory_space<hbm>>
        tpu.wait_dma2 semaphore(%run_scoped3A : memref<!tpu.dma_semaphore, #tpu.memory_space<semaphore_mem>>) src(%dma_wait3A_91 : memref<40x128xi32, #tpu.memory_space<hbm>>) dst(%dma_wait3A_87 : memref<40x128xi32, #tpu.memory_space<vmem>>)
        tpu.yield
      }) : () -> ()
      %dma_start3A_46 = arith.constant 0 : i32
      %dma_start3A_47 = arith.constant 0 : i32
      %dma_start3A_48 = tpu.memref_slice %arg9[%dma_start3A_46, %dma_start3A_47] : memref<40x128xi32, #tpu.memory_space<vmem>> -> memref<1x128xi32, #tpu.memory_space<vmem>>
      %dma_start3A_49 = tpu.memref_squeeze %dma_start3A_48 : memref<1x128xi32, #tpu.memory_space<vmem>> -> memref<128xi32, #tpu.memory_space<vmem>>
      %dma_start3A_50 = arith.constant 0 : i32
      %dma_start3A_51 = arith.constant 0 : i32
      %dma_start3A_52 = tpu.memref_slice %arg2[%dma_start3A_50, %dma_start3A_51] : memref<10016x128xf32, #tpu.memory_space<hbm>> -> memref<10016x128xf32, #tpu.memory_space<hbm>>
      tpu.enqueue_indirect_dma source(%dma_start3A_52 : memref<10016x128xf32, #tpu.memory_space<hbm>>) target(%arg11 : memref<128x128xf32, #tpu.memory_space<vmem>>) offsets(%dma_start3A_49 : memref<128xi32, #tpu.memory_space<vmem>>) semaphore(%arg14 : memref<!tpu.dma_semaphore, #tpu.memory_space<semaphore_mem>>)
      %dma_start3A_53 = arith.constant 1 : i32
      %dma_start3A_54 = arith.constant 0 : i32
      %dma_start3A_55 = tpu.memref_slice %arg9[%dma_start3A_53, %dma_start3A_54] : memref<40x128xi32, #tpu.memory_space<vmem>> -> memref<1x128xi32, #tpu.memory_space<vmem>>
      %dma_start3A_56 = tpu.memref_squeeze %dma_start3A_55 : memref<1x128xi32, #tpu.memory_space<vmem>> -> memref<128xi32, #tpu.memory_space<vmem>>
      %dma_start3A_57 = arith.constant 0 : i32
      %dma_start3A_58 = arith.constant 0 : i32
      %dma_start3A_59 = tpu.memref_slice %arg2[%dma_start3A_57, %dma_start3A_58] : memref<10016x128xf32, #tpu.memory_space<hbm>> -> memref<10016x128xf32, #tpu.memory_space<hbm>>
      tpu.enqueue_indirect_dma source(%dma_start3A_59 : memref<10016x128xf32, #tpu.memory_space<hbm>>) target(%arg12 : memref<128x128xf32, #tpu.memory_space<vmem>>) offsets(%dma_start3A_56 : memref<128xi32, #tpu.memory_space<vmem>>) semaphore(%arg15 : memref<!tpu.dma_semaphore, #tpu.memory_space<semaphore_mem>>)
      %scan3A_60 = arith.constant 0 : i32
      %scan3A_61 = arith.constant 20 : i32
      %scan3A_62 = arith.addi %scan3A_60, %scan3A_61 : i32
      %scan3A_63 = arith.constant 1 : i32
      scf.for %scan3A_65 = %scan3A_60 to %scan3A_62 step %scan3A_63  : i32 {
        %mul3A_66 = arith.constant 2 : i32
        %mul3A_67 = arith.muli %scan3A_65, %mul3A_66 : i32
        %add3A = arith.constant 0 : i32
        %add3A_68 = arith.addi %add3A, %mul3A_67 : i32
        %add3A_69 = arith.constant 0 : i32
        %add3A_70 = arith.addi %add3A_68, %add3A_69 : i32
        %dma_wait3A = arith.constant 0 : i32
        %dma_wait3A_71 = tpu.memref_slice %arg9[%add3A_70, %dma_wait3A] : memref<40x128xi32, #tpu.memory_space<vmem>> -> memref<1x128xi32, #tpu.memory_space<vmem>>
        %dma_wait3A_72 = tpu.memref_squeeze %dma_wait3A_71 : memref<1x128xi32, #tpu.memory_space<vmem>> -> memref<128xi32, #tpu.memory_space<vmem>>
        %dma_wait3A_73 = arith.constant 0 : i32
        %dma_wait3A_74 = arith.constant 0 : i32
        %dma_wait3A_75 = tpu.memref_slice %arg2[%dma_wait3A_73, %dma_wait3A_74] : memref<10016x128xf32, #tpu.memory_space<hbm>> -> memref<10016x128xf32, #tpu.memory_space<hbm>>
        tpu.wait_indirect_dma semaphore(%arg14 : memref<!tpu.dma_semaphore, #tpu.memory_space<semaphore_mem>>) src(%dma_wait3A_75 : memref<10016x128xf32, #tpu.memory_space<hbm>>) dst(%arg11 : memref<128x128xf32, #tpu.memory_space<vmem>>)
        %add3A_76 = arith.constant 0 : i32
        %add3A_77 = arith.addi %add3A_68, %add3A_76 : i32
        %dma_start3A_78 = arith.constant 0 : i32
        %dma_start3A_79 = tpu.memref_slice %arg10[%add3A_77, %dma_start3A_78] : memref<40x128xi32, #tpu.memory_space<vmem>> -> memref<1x128xi32, #tpu.memory_space<vmem>>
        %dma_start3A_80 = tpu.memref_squeeze %dma_start3A_79 : memref<1x128xi32, #tpu.memory_space<vmem>> -> memref<128xi32, #tpu.memory_space<vmem>>
        %dma_start3A_81 = arith.constant 0 : i32
        %dma_start3A_82 = arith.constant 0 : i32
        %dma_start3A_83 = tpu.memref_slice %arg13[%dma_start3A_81, %dma_start3A_82] : memref<10112x128xf32, #tpu.memory_space<vmem_shared>> -> memref<10112x128xf32, #tpu.memory_space<vmem_shared>>
        tpu.enqueue_indirect_dma source(%arg11 : memref<128x128xf32, #tpu.memory_space<vmem>>) target(%dma_start3A_83 : memref<10112x128xf32, #tpu.memory_space<vmem_shared>>) offsets(%dma_start3A_80 : memref<128xi32, #tpu.memory_space<vmem>>) semaphore(%arg16 : memref<!tpu.dma_semaphore, #tpu.memory_space<semaphore_mem>>) {add = true}
        %add3A_84 = arith.constant 1 : i32
        %add3A_85 = arith.addi %add3A_68, %add3A_84 : i32
        %dma_wait3A_86 = arith.constant 0 : i32
        %dma_wait3A_87 = tpu.memref_slice %arg9[%add3A_85, %dma_wait3A_86] : memref<40x128xi32, #tpu.memory_space<vmem>> -> memref<1x128xi32, #tpu.memory_space<vmem>>
        %dma_wait3A_88 = tpu.memref_squeeze %dma_wait3A_87 : memref<1x128xi32, #tpu.memory_space<vmem>> -> memref<128xi32, #tpu.memory_space<vmem>>
        %dma_wait3A_89 = arith.constant 0 : i32
        %dma_wait3A_90 = arith.constant 0 : i32
        %dma_wait3A_91 = tpu.memref_slice %arg2[%dma_wait3A_89, %dma_wait3A_90] : memref<10016x128xf32, #tpu.memory_space<hbm>> -> memref<10016x128xf32, #tpu.memory_space<hbm>>
        tpu.wait_indirect_dma semaphore(%arg15 : memref<!tpu.dma_semaphore, #tpu.memory_space<semaphore_mem>>) src(%dma_wait3A_91 : memref<10016x128xf32, #tpu.memory_space<hbm>>) dst(%arg12 : memref<128x128xf32, #tpu.memory_space<vmem>>)
        %add3A_92 = arith.constant 1 : i32
        %add3A_93 = arith.addi %add3A_68, %add3A_92 : i32
        %dma_start3A_94 = arith.constant 0 : i32
        %dma_start3A_95 = tpu.memref_slice %arg10[%add3A_93, %dma_start3A_94] : memref<40x128xi32, #tpu.memory_space<vmem>> -> memref<1x128xi32, #tpu.memory_space<vmem>>
        %dma_start3A_96 = tpu.memref_squeeze %dma_start3A_95 : memref<1x128xi32, #tpu.memory_space<vmem>> -> memref<128xi32, #tpu.memory_space<vmem>>
        %dma_start3A_97 = arith.constant 0 : i32
        %dma_start3A_98 = arith.constant 0 : i32
        %dma_start3A_99 = tpu.memref_slice %arg13[%dma_start3A_97, %dma_start3A_98] : memref<10112x128xf32, #tpu.memory_space<vmem_shared>> -> memref<10112x128xf32, #tpu.memory_space<vmem_shared>>
        tpu.enqueue_indirect_dma source(%arg12 : memref<128x128xf32, #tpu.memory_space<vmem>>) target(%dma_start3A_99 : memref<10112x128xf32, #tpu.memory_space<vmem_shared>>) offsets(%dma_start3A_96 : memref<128xi32, #tpu.memory_space<vmem>>) semaphore(%arg17 : memref<!tpu.dma_semaphore, #tpu.memory_space<semaphore_mem>>) {add = true}
        %add3A_100 = arith.constant 0 : i32
        %add3A_101 = arith.addi %add3A_68, %add3A_100 : i32
        %dma_wait3A_102 = arith.constant 0 : i32
        %dma_wait3A_103 = tpu.memref_slice %arg10[%add3A_101, %dma_wait3A_102] : memref<40x128xi32, #tpu.memory_space<vmem>> -> memref<1x128xi32, #tpu.memory_space<vmem>>
        %dma_wait3A_104 = tpu.memref_squeeze %dma_wait3A_103 : memref<1x128xi32, #tpu.memory_space<vmem>> -> memref<128xi32, #tpu.memory_space<vmem>>
        %dma_wait3A_105 = arith.constant 0 : i32
        %dma_wait3A_106 = arith.constant 0 : i32
        %dma_wait3A_107 = tpu.memref_slice %arg13[%dma_wait3A_105, %dma_wait3A_106] : memref<10112x128xf32, #tpu.memory_space<vmem_shared>> -> memref<10112x128xf32, #tpu.memory_space<vmem_shared>>
        tpu.wait_indirect_dma semaphore(%arg16 : memref<!tpu.dma_semaphore, #tpu.memory_space<semaphore_mem>>) src(%arg11 : memref<128x128xf32, #tpu.memory_space<vmem>>) dst(%dma_wait3A_107 : memref<10112x128xf32, #tpu.memory_space<vmem_shared>>)
        %add3A_108 = arith.constant 0 : i32
        %add3A_109 = arith.addi %add3A_68, %add3A_108 : i32
        %add3A_110 = arith.constant 2 : i32
        %add3A_111 = arith.addi %add3A_109, %add3A_110 : i32
        %lt3A = arith.constant 40 : i32
        %lt3A_112 = arith.cmpi slt, %add3A_111, %lt3A : i32
        %convert_element_type3A_113 = arith.extui %lt3A_112 : i1 to i32
        %cond3A_114 = arith.constant 0 : i32
        %cond3A_115 = arith.cmpi ne, %convert_element_type3A_113, %cond3A_114 : i32
        scf.if %cond3A_115 {
          %add3A_133 = arith.constant 0 : i32
          %add3A_134 = arith.addi %add3A_68, %add3A_133 : i32
          %add3A_135 = arith.constant 2 : i32
          %add3A_136 = arith.addi %add3A_134, %add3A_135 : i32
          %dma_start3A_137 = arith.constant 0 : i32
          %dma_start3A_138 = tpu.memref_slice %arg9[%add3A_136, %dma_start3A_137] : memref<40x128xi32, #tpu.memory_space<vmem>> -> memref<1x128xi32, #tpu.memory_space<vmem>>
          %dma_start3A_139 = tpu.memref_squeeze %dma_start3A_138 : memref<1x128xi32, #tpu.memory_space<vmem>> -> memref<128xi32, #tpu.memory_space<vmem>>
          %dma_start3A_140 = arith.constant 0 : i32
          %dma_start3A_141 = arith.constant 0 : i32
          %dma_start3A_142 = tpu.memref_slice %arg2[%dma_start3A_140, %dma_start3A_141] : memref<10016x128xf32, #tpu.memory_space<hbm>> -> memref<10016x128xf32, #tpu.memory_space<hbm>>
          tpu.enqueue_indirect_dma source(%dma_start3A_142 : memref<10016x128xf32, #tpu.memory_space<hbm>>) target(%arg11 : memref<128x128xf32, #tpu.memory_space<vmem>>) offsets(%dma_start3A_139 : memref<128xi32, #tpu.memory_space<vmem>>) semaphore(%arg14 : memref<!tpu.dma_semaphore, #tpu.memory_space<semaphore_mem>>)
        } else {
        }
        %add3A_116 = arith.constant 1 : i32
        %add3A_117 = arith.addi %add3A_68, %add3A_116 : i32
        %dma_wait3A_118 = arith.constant 0 : i32
        %dma_wait3A_119 = tpu.memref_slice %arg10[%add3A_117, %dma_wait3A_118] : memref<40x128xi32, #tpu.memory_space<vmem>> -> memref<1x128xi32, #tpu.memory_space<vmem>>
        %dma_wait3A_120 = tpu.memref_squeeze %dma_wait3A_119 : memref<1x128xi32, #tpu.memory_space<vmem>> -> memref<128xi32, #tpu.memory_space<vmem>>
        %dma_wait3A_121 = arith.constant 0 : i32
        %dma_wait3A_122 = arith.constant 0 : i32
        %dma_wait3A_123 = tpu.memref_slice %arg13[%dma_wait3A_121, %dma_wait3A_122] : memref<10112x128xf32, #tpu.memory_space<vmem_shared>> -> memref<10112x128xf32, #tpu.memory_space<vmem_shared>>
        tpu.wait_indirect_dma semaphore(%arg17 : memref<!tpu.dma_semaphore, #tpu.memory_space<semaphore_mem>>) src(%arg12 : memref<128x128xf32, #tpu.memory_space<vmem>>) dst(%dma_wait3A_123 : memref<10112x128xf32, #tpu.memory_space<vmem_shared>>)
        %add3A_124 = arith.constant 1 : i32
        %add3A_125 = arith.addi %add3A_68, %add3A_124 : i32
        %add3A_126 = arith.constant 2 : i32
        %add3A_127 = arith.addi %add3A_125, %add3A_126 : i32
        %lt3A_128 = arith.constant 40 : i32
        %lt3A_129 = arith.cmpi slt, %add3A_127, %lt3A_128 : i32
        %convert_element_type3A_130 = arith.extui %lt3A_129 : i1 to i32
        %cond3A_131 = arith.constant 0 : i32
        %cond3A_132 = arith.cmpi ne, %convert_element_type3A_130, %cond3A_131 : i32
        scf.if %cond3A_132 {
          %add3A_133 = arith.constant 1 : i32
          %add3A_134 = arith.addi %add3A_68, %add3A_133 : i32
          %add3A_135 = arith.constant 2 : i32
          %add3A_136 = arith.addi %add3A_134, %add3A_135 : i32
          %dma_start3A_137 = arith.constant 0 : i32
          %dma_start3A_138 = tpu.memref_slice %arg9[%add3A_136, %dma_start3A_137] : memref<40x128xi32, #tpu.memory_space<vmem>> -> memref<1x128xi32, #tpu.memory_space<vmem>>
          %dma_start3A_139 = tpu.memref_squeeze %dma_start3A_138 : memref<1x128xi32, #tpu.memory_space<vmem>> -> memref<128xi32, #tpu.memory_space<vmem>>
          %dma_start3A_140 = arith.constant 0 : i32
          %dma_start3A_141 = arith.constant 0 : i32
          %dma_start3A_142 = tpu.memref_slice %arg2[%dma_start3A_140, %dma_start3A_141] : memref<10016x128xf32, #tpu.memory_space<hbm>> -> memref<10016x128xf32, #tpu.memory_space<hbm>>
          tpu.enqueue_indirect_dma source(%dma_start3A_142 : memref<10016x128xf32, #tpu.memory_space<hbm>>) target(%arg12 : memref<128x128xf32, #tpu.memory_space<vmem>>) offsets(%dma_start3A_139 : memref<128xi32, #tpu.memory_space<vmem>>) semaphore(%arg15 : memref<!tpu.dma_semaphore, #tpu.memory_space<semaphore_mem>>)
        } else {
        }
      }
      %scan3A_64 = arith.constant 20 : i32
    } else {
    }
    %ne3A = arith.constant 0 : i32
    %ne3A_3 = arith.cmpi ne, %arg0, %ne3A : i32
    %convert_element_type3A_4 = arith.extui %ne3A_3 : i1 to i32
    %cond3A_5 = arith.constant 0 : i32
    %cond3A_6 = arith.cmpi ne, %convert_element_type3A_4, %cond3A_5 : i32
    scf.if %cond3A_6 {
      "tpu.region"() ({
        %run_scoped3A = tpu.sem_alloc : memref<!tpu.dma_semaphore, #tpu.memory_space<semaphore_mem>>
        %dma_start3A_27 = arith.constant 0 : i32
        %dma_start3A_28 = arith.constant 0 : i32
        %dma_start3A_29 = tpu.memref_slice %arg9[%dma_start3A_27, %dma_start3A_28] : memref<40x128xi32, #tpu.memory_space<vmem>> -> memref<40x128xi32, #tpu.memory_space<vmem>>
        %dma_start3A_30 = arith.constant 0 : i32
        %dma_start3A_31 = arith.constant 0 : i32
        %dma_start3A_32 = tpu.memref_slice %arg5[%arg1, %dma_start3A_30, %dma_start3A_31] : memref<16x40x128xi32, #tpu.memory_space<hbm>> -> memref<1x40x128xi32, #tpu.memory_space<hbm>>
        %dma_start3A_33 = tpu.memref_squeeze %dma_start3A_32 : memref<1x40x128xi32, #tpu.memory_space<hbm>> -> memref<40x128xi32, #tpu.memory_space<hbm>>
        %dma_start3A_34 = arith.constant 0 : i32
        %dma_start3A_35 = arith.constant 0 : i32
        %dma_start3A_36 = tpu.memref_slice %arg9[%dma_start3A_34, %dma_start3A_35] : memref<40x128xi32, #tpu.memory_space<vmem>> -> memref<40x128xi32, #tpu.memory_space<vmem>>
        %dma_start3A_37 = arith.constant 0 : i32
        %dma_start3A_38 = arith.constant 0 : i32
        %dma_start3A_39 = tpu.memref_slice %arg5[%arg1, %dma_start3A_37, %dma_start3A_38] : memref<16x40x128xi32, #tpu.memory_space<hbm>> -> memref<1x40x128xi32, #tpu.memory_space<hbm>>
        %dma_start3A_40 = tpu.memref_squeeze %dma_start3A_39 : memref<1x40x128xi32, #tpu.memory_space<hbm>> -> memref<40x128xi32, #tpu.memory_space<hbm>>
        tpu.enqueue_dma source(%dma_start3A_40 : memref<40x128xi32, #tpu.memory_space<hbm>>) target(%dma_start3A_36 : memref<40x128xi32, #tpu.memory_space<vmem>>) target_semaphore(%run_scoped3A : memref<!tpu.dma_semaphore, #tpu.memory_space<semaphore_mem>>)
        %dma_wait3A = arith.constant 0 : i32
        %dma_wait3A_41 = arith.constant 0 : i32
        %dma_wait3A_42 = tpu.memref_slice %arg9[%dma_wait3A, %dma_wait3A_41] : memref<40x128xi32, #tpu.memory_space<vmem>> -> memref<40x128xi32, #tpu.memory_space<vmem>>
        %dma_wait3A_43 = arith.constant 0 : i32
        %dma_wait3A_44 = arith.constant 0 : i32
        %dma_wait3A_45 = tpu.memref_slice %arg5[%arg1, %dma_wait3A_43, %dma_wait3A_44] : memref<16x40x128xi32, #tpu.memory_space<hbm>> -> memref<1x40x128xi32, #tpu.memory_space<hbm>>
        %dma_wait3A_46 = tpu.memref_squeeze %dma_wait3A_45 : memref<1x40x128xi32, #tpu.memory_space<hbm>> -> memref<40x128xi32, #tpu.memory_space<hbm>>
        %dma_wait3A_47 = arith.constant 0 : i32
        %dma_wait3A_48 = arith.constant 0 : i32
        %dma_wait3A_49 = tpu.memref_slice %arg9[%dma_wait3A_47, %dma_wait3A_48] : memref<40x128xi32, #tpu.memory_space<vmem>> -> memref<40x128xi32, #tpu.memory_space<vmem>>
        %dma_wait3A_50 = arith.constant 0 : i32
        %dma_wait3A_51 = arith.constant 0 : i32
        %dma_wait3A_52 = tpu.memref_slice %arg5[%arg1, %dma_wait3A_50, %dma_wait3A_51] : memref<16x40x128xi32, #tpu.memory_space<hbm>> -> memref<1x40x128xi32, #tpu.memory_space<hbm>>
        %dma_wait3A_53 = tpu.memref_squeeze %dma_wait3A_52 : memref<1x40x128xi32, #tpu.memory_space<hbm>> -> memref<40x128xi32, #tpu.memory_space<hbm>>
        tpu.wait_dma2 semaphore(%run_scoped3A : memref<!tpu.dma_semaphore, #tpu.memory_space<semaphore_mem>>) src(%dma_wait3A_53 : memref<40x128xi32, #tpu.memory_space<hbm>>) dst(%dma_wait3A_49 : memref<40x128xi32, #tpu.memory_space<vmem>>)
        tpu.yield
      }) : () -> ()
      "tpu.region"() ({
        %run_scoped3A = tpu.sem_alloc : memref<!tpu.dma_semaphore, #tpu.memory_space<semaphore_mem>>
        %dma_start3A_27 = arith.constant 0 : i32
        %dma_start3A_28 = arith.constant 0 : i32
        %dma_start3A_29 = tpu.memref_slice %arg10[%dma_start3A_27, %dma_start3A_28] : memref<40x128xi32, #tpu.memory_space<vmem>> -> memref<40x128xi32, #tpu.memory_space<vmem>>
        %dma_start3A_30 = arith.constant 0 : i32
        %dma_start3A_31 = arith.constant 0 : i32
        %dma_start3A_32 = tpu.memref_slice %arg6[%arg1, %dma_start3A_30, %dma_start3A_31] : memref<16x40x128xi32, #tpu.memory_space<hbm>> -> memref<1x40x128xi32, #tpu.memory_space<hbm>>
        %dma_start3A_33 = tpu.memref_squeeze %dma_start3A_32 : memref<1x40x128xi32, #tpu.memory_space<hbm>> -> memref<40x128xi32, #tpu.memory_space<hbm>>
        %dma_start3A_34 = arith.constant 0 : i32
        %dma_start3A_35 = arith.constant 0 : i32
        %dma_start3A_36 = tpu.memref_slice %arg10[%dma_start3A_34, %dma_start3A_35] : memref<40x128xi32, #tpu.memory_space<vmem>> -> memref<40x128xi32, #tpu.memory_space<vmem>>
        %dma_start3A_37 = arith.constant 0 : i32
        %dma_start3A_38 = arith.constant 0 : i32
        %dma_start3A_39 = tpu.memref_slice %arg6[%arg1, %dma_start3A_37, %dma_start3A_38] : memref<16x40x128xi32, #tpu.memory_space<hbm>> -> memref<1x40x128xi32, #tpu.memory_space<hbm>>
        %dma_start3A_40 = tpu.memref_squeeze %dma_start3A_39 : memref<1x40x128xi32, #tpu.memory_space<hbm>> -> memref<40x128xi32, #tpu.memory_space<hbm>>
        tpu.enqueue_dma source(%dma_start3A_40 : memref<40x128xi32, #tpu.memory_space<hbm>>) target(%dma_start3A_36 : memref<40x128xi32, #tpu.memory_space<vmem>>) target_semaphore(%run_scoped3A : memref<!tpu.dma_semaphore, #tpu.memory_space<semaphore_mem>>)
        %dma_wait3A = arith.constant 0 : i32
        %dma_wait3A_41 = arith.constant 0 : i32
        %dma_wait3A_42 = tpu.memref_slice %arg10[%dma_wait3A, %dma_wait3A_41] : memref<40x128xi32, #tpu.memory_space<vmem>> -> memref<40x128xi32, #tpu.memory_space<vmem>>
        %dma_wait3A_43 = arith.constant 0 : i32
        %dma_wait3A_44 = arith.constant 0 : i32
        %dma_wait3A_45 = tpu.memref_slice %arg6[%arg1, %dma_wait3A_43, %dma_wait3A_44] : memref<16x40x128xi32, #tpu.memory_space<hbm>> -> memref<1x40x128xi32, #tpu.memory_space<hbm>>
        %dma_wait3A_46 = tpu.memref_squeeze %dma_wait3A_45 : memref<1x40x128xi32, #tpu.memory_space<hbm>> -> memref<40x128xi32, #tpu.memory_space<hbm>>
        %dma_wait3A_47 = arith.constant 0 : i32
        %dma_wait3A_48 = arith.constant 0 : i32
        %dma_wait3A_49 = tpu.memref_slice %arg10[%dma_wait3A_47, %dma_wait3A_48] : memref<40x128xi32, #tpu.memory_space<vmem>> -> memref<40x128xi32, #tpu.memory_space<vmem>>
        %dma_wait3A_50 = arith.constant 0 : i32
        %dma_wait3A_51 = arith.constant 0 : i32
        %dma_wait3A_52 = tpu.memref_slice %arg6[%arg1, %dma_wait3A_50, %dma_wait3A_51] : memref<16x40x128xi32, #tpu.memory_space<hbm>> -> memref<1x40x128xi32, #tpu.memory_space<hbm>>
        %dma_wait3A_53 = tpu.memref_squeeze %dma_wait3A_52 : memref<1x40x128xi32, #tpu.memory_space<hbm>> -> memref<40x128xi32, #tpu.memory_space<hbm>>
        tpu.wait_dma2 semaphore(%run_scoped3A : memref<!tpu.dma_semaphore, #tpu.memory_space<semaphore_mem>>) src(%dma_wait3A_53 : memref<40x128xi32, #tpu.memory_space<hbm>>) dst(%dma_wait3A_49 : memref<40x128xi32, #tpu.memory_space<vmem>>)
        tpu.yield
      }) : () -> ()
      %dma_start3A = arith.constant 0 : i32
      %dma_start3A_10 = arith.constant 0 : i32
      %dma_start3A_11 = tpu.memref_slice %arg9[%dma_start3A, %dma_start3A_10] : memref<40x128xi32, #tpu.memory_space<vmem>> -> memref<1x128xi32, #tpu.memory_space<vmem>>
      %dma_start3A_12 = tpu.memref_squeeze %dma_start3A_11 : memref<1x128xi32, #tpu.memory_space<vmem>> -> memref<128xi32, #tpu.memory_space<vmem>>
      %dma_start3A_13 = arith.constant 0 : i32
      %dma_start3A_14 = arith.constant 0 : i32
      %dma_start3A_15 = tpu.memref_slice %arg2[%dma_start3A_13, %dma_start3A_14] : memref<10016x128xf32, #tpu.memory_space<hbm>> -> memref<10016x128xf32, #tpu.memory_space<hbm>>
      tpu.enqueue_indirect_dma source(%dma_start3A_15 : memref<10016x128xf32, #tpu.memory_space<hbm>>) target(%arg11 : memref<128x128xf32, #tpu.memory_space<vmem>>) offsets(%dma_start3A_12 : memref<128xi32, #tpu.memory_space<vmem>>) semaphore(%arg14 : memref<!tpu.dma_semaphore, #tpu.memory_space<semaphore_mem>>)
      %dma_start3A_16 = arith.constant 1 : i32
      %dma_start3A_17 = arith.constant 0 : i32
      %dma_start3A_18 = tpu.memref_slice %arg9[%dma_start3A_16, %dma_start3A_17] : memref<40x128xi32, #tpu.memory_space<vmem>> -> memref<1x128xi32, #tpu.memory_space<vmem>>
      %dma_start3A_19 = tpu.memref_squeeze %dma_start3A_18 : memref<1x128xi32, #tpu.memory_space<vmem>> -> memref<128xi32, #tpu.memory_space<vmem>>
      %dma_start3A_20 = arith.constant 0 : i32
      %dma_start3A_21 = arith.constant 0 : i32
      %dma_start3A_22 = tpu.memref_slice %arg2[%dma_start3A_20, %dma_start3A_21] : memref<10016x128xf32, #tpu.memory_space<hbm>> -> memref<10016x128xf32, #tpu.memory_space<hbm>>
      tpu.enqueue_indirect_dma source(%dma_start3A_22 : memref<10016x128xf32, #tpu.memory_space<hbm>>) target(%arg12 : memref<128x128xf32, #tpu.memory_space<vmem>>) offsets(%dma_start3A_19 : memref<128xi32, #tpu.memory_space<vmem>>) semaphore(%arg15 : memref<!tpu.dma_semaphore, #tpu.memory_space<semaphore_mem>>)
      %scan3A = arith.constant 0 : i32
      %scan3A_23 = arith.constant 20 : i32
      %scan3A_24 = arith.addi %scan3A, %scan3A_23 : i32
      %scan3A_25 = arith.constant 1 : i32
      scf.for %scan3A_27 = %scan3A to %scan3A_24 step %scan3A_25  : i32 {
        %mul3A_28 = arith.constant 2 : i32
        %mul3A_29 = arith.muli %scan3A_27, %mul3A_28 : i32
        %add3A = arith.constant 0 : i32
        %add3A_30 = arith.addi %add3A, %mul3A_29 : i32
        %add3A_31 = arith.constant 0 : i32
        %add3A_32 = arith.addi %add3A_30, %add3A_31 : i32
        %dma_wait3A = arith.constant 0 : i32
        %dma_wait3A_33 = tpu.memref_slice %arg9[%add3A_32, %dma_wait3A] : memref<40x128xi32, #tpu.memory_space<vmem>> -> memref<1x128xi32, #tpu.memory_space<vmem>>
        %dma_wait3A_34 = tpu.memref_squeeze %dma_wait3A_33 : memref<1x128xi32, #tpu.memory_space<vmem>> -> memref<128xi32, #tpu.memory_space<vmem>>
        %dma_wait3A_35 = arith.constant 0 : i32
        %dma_wait3A_36 = arith.constant 0 : i32
        %dma_wait3A_37 = tpu.memref_slice %arg2[%dma_wait3A_35, %dma_wait3A_36] : memref<10016x128xf32, #tpu.memory_space<hbm>> -> memref<10016x128xf32, #tpu.memory_space<hbm>>
        tpu.wait_indirect_dma semaphore(%arg14 : memref<!tpu.dma_semaphore, #tpu.memory_space<semaphore_mem>>) src(%dma_wait3A_37 : memref<10016x128xf32, #tpu.memory_space<hbm>>) dst(%arg11 : memref<128x128xf32, #tpu.memory_space<vmem>>)
        %add3A_38 = arith.constant 0 : i32
        %add3A_39 = arith.addi %add3A_30, %add3A_38 : i32
        %dma_start3A_40 = arith.constant 0 : i32
        %dma_start3A_41 = tpu.memref_slice %arg10[%add3A_39, %dma_start3A_40] : memref<40x128xi32, #tpu.memory_space<vmem>> -> memref<1x128xi32, #tpu.memory_space<vmem>>
        %dma_start3A_42 = tpu.memref_squeeze %dma_start3A_41 : memref<1x128xi32, #tpu.memory_space<vmem>> -> memref<128xi32, #tpu.memory_space<vmem>>
        %dma_start3A_43 = arith.constant 0 : i32
        %dma_start3A_44 = arith.constant 0 : i32
        %dma_start3A_45 = tpu.memref_slice %arg13[%dma_start3A_43, %dma_start3A_44] : memref<10112x128xf32, #tpu.memory_space<vmem_shared>> -> memref<10112x128xf32, #tpu.memory_space<vmem_shared>>
        tpu.enqueue_indirect_dma source(%arg11 : memref<128x128xf32, #tpu.memory_space<vmem>>) target(%dma_start3A_45 : memref<10112x128xf32, #tpu.memory_space<vmem_shared>>) offsets(%dma_start3A_42 : memref<128xi32, #tpu.memory_space<vmem>>) semaphore(%arg16 : memref<!tpu.dma_semaphore, #tpu.memory_space<semaphore_mem>>) {add = true}
        %add3A_46 = arith.constant 1 : i32
        %add3A_47 = arith.addi %add3A_30, %add3A_46 : i32
        %dma_wait3A_48 = arith.constant 0 : i32
        %dma_wait3A_49 = tpu.memref_slice %arg9[%add3A_47, %dma_wait3A_48] : memref<40x128xi32, #tpu.memory_space<vmem>> -> memref<1x128xi32, #tpu.memory_space<vmem>>
        %dma_wait3A_50 = tpu.memref_squeeze %dma_wait3A_49 : memref<1x128xi32, #tpu.memory_space<vmem>> -> memref<128xi32, #tpu.memory_space<vmem>>
        %dma_wait3A_51 = arith.constant 0 : i32
        %dma_wait3A_52 = arith.constant 0 : i32
        %dma_wait3A_53 = tpu.memref_slice %arg2[%dma_wait3A_51, %dma_wait3A_52] : memref<10016x128xf32, #tpu.memory_space<hbm>> -> memref<10016x128xf32, #tpu.memory_space<hbm>>
        tpu.wait_indirect_dma semaphore(%arg15 : memref<!tpu.dma_semaphore, #tpu.memory_space<semaphore_mem>>) src(%dma_wait3A_53 : memref<10016x128xf32, #tpu.memory_space<hbm>>) dst(%arg12 : memref<128x128xf32, #tpu.memory_space<vmem>>)
        %add3A_54 = arith.constant 1 : i32
        %add3A_55 = arith.addi %add3A_30, %add3A_54 : i32
        %dma_start3A_56 = arith.constant 0 : i32
        %dma_start3A_57 = tpu.memref_slice %arg10[%add3A_55, %dma_start3A_56] : memref<40x128xi32, #tpu.memory_space<vmem>> -> memref<1x128xi32, #tpu.memory_space<vmem>>
        %dma_start3A_58 = tpu.memref_squeeze %dma_start3A_57 : memref<1x128xi32, #tpu.memory_space<vmem>> -> memref<128xi32, #tpu.memory_space<vmem>>
        %dma_start3A_59 = arith.constant 0 : i32
        %dma_start3A_60 = arith.constant 0 : i32
        %dma_start3A_61 = tpu.memref_slice %arg13[%dma_start3A_59, %dma_start3A_60] : memref<10112x128xf32, #tpu.memory_space<vmem_shared>> -> memref<10112x128xf32, #tpu.memory_space<vmem_shared>>
        tpu.enqueue_indirect_dma source(%arg12 : memref<128x128xf32, #tpu.memory_space<vmem>>) target(%dma_start3A_61 : memref<10112x128xf32, #tpu.memory_space<vmem_shared>>) offsets(%dma_start3A_58 : memref<128xi32, #tpu.memory_space<vmem>>) semaphore(%arg17 : memref<!tpu.dma_semaphore, #tpu.memory_space<semaphore_mem>>) {add = true}
        %add3A_62 = arith.constant 0 : i32
        %add3A_63 = arith.addi %add3A_30, %add3A_62 : i32
        %dma_wait3A_64 = arith.constant 0 : i32
        %dma_wait3A_65 = tpu.memref_slice %arg10[%add3A_63, %dma_wait3A_64] : memref<40x128xi32, #tpu.memory_space<vmem>> -> memref<1x128xi32, #tpu.memory_space<vmem>>
        %dma_wait3A_66 = tpu.memref_squeeze %dma_wait3A_65 : memref<1x128xi32, #tpu.memory_space<vmem>> -> memref<128xi32, #tpu.memory_space<vmem>>
        %dma_wait3A_67 = arith.constant 0 : i32
        %dma_wait3A_68 = arith.constant 0 : i32
        %dma_wait3A_69 = tpu.memref_slice %arg13[%dma_wait3A_67, %dma_wait3A_68] : memref<10112x128xf32, #tpu.memory_space<vmem_shared>> -> memref<10112x128xf32, #tpu.memory_space<vmem_shared>>
        tpu.wait_indirect_dma semaphore(%arg16 : memref<!tpu.dma_semaphore, #tpu.memory_space<semaphore_mem>>) src(%arg11 : memref<128x128xf32, #tpu.memory_space<vmem>>) dst(%dma_wait3A_69 : memref<10112x128xf32, #tpu.memory_space<vmem_shared>>)
        %add3A_70 = arith.constant 0 : i32
        %add3A_71 = arith.addi %add3A_30, %add3A_70 : i32
        %add3A_72 = arith.constant 2 : i32
        %add3A_73 = arith.addi %add3A_71, %add3A_72 : i32
        %lt3A = arith.constant 40 : i32
        %lt3A_74 = arith.cmpi slt, %add3A_73, %lt3A : i32
        %convert_element_type3A_75 = arith.extui %lt3A_74 : i1 to i32
        %cond3A_76 = arith.constant 0 : i32
        %cond3A_77 = arith.cmpi ne, %convert_element_type3A_75, %cond3A_76 : i32
        scf.if %cond3A_77 {
          %add3A_95 = arith.constant 0 : i32
          %add3A_96 = arith.addi %add3A_30, %add3A_95 : i32
          %add3A_97 = arith.constant 2 : i32
          %add3A_98 = arith.addi %add3A_96, %add3A_97 : i32
          %dma_start3A_99 = arith.constant 0 : i32
          %dma_start3A_100 = tpu.memref_slice %arg9[%add3A_98, %dma_start3A_99] : memref<40x128xi32, #tpu.memory_space<vmem>> -> memref<1x128xi32, #tpu.memory_space<vmem>>
          %dma_start3A_101 = tpu.memref_squeeze %dma_start3A_100 : memref<1x128xi32, #tpu.memory_space<vmem>> -> memref<128xi32, #tpu.memory_space<vmem>>
          %dma_start3A_102 = arith.constant 0 : i32
          %dma_start3A_103 = arith.constant 0 : i32
          %dma_start3A_104 = tpu.memref_slice %arg2[%dma_start3A_102, %dma_start3A_103] : memref<10016x128xf32, #tpu.memory_space<hbm>> -> memref<10016x128xf32, #tpu.memory_space<hbm>>
          tpu.enqueue_indirect_dma source(%dma_start3A_104 : memref<10016x128xf32, #tpu.memory_space<hbm>>) target(%arg11 : memref<128x128xf32, #tpu.memory_space<vmem>>) offsets(%dma_start3A_101 : memref<128xi32, #tpu.memory_space<vmem>>) semaphore(%arg14 : memref<!tpu.dma_semaphore, #tpu.memory_space<semaphore_mem>>)
        } else {
        }
        %add3A_78 = arith.constant 1 : i32
        %add3A_79 = arith.addi %add3A_30, %add3A_78 : i32
        %dma_wait3A_80 = arith.constant 0 : i32
        %dma_wait3A_81 = tpu.memref_slice %arg10[%add3A_79, %dma_wait3A_80] : memref<40x128xi32, #tpu.memory_space<vmem>> -> memref<1x128xi32, #tpu.memory_space<vmem>>
        %dma_wait3A_82 = tpu.memref_squeeze %dma_wait3A_81 : memref<1x128xi32, #tpu.memory_space<vmem>> -> memref<128xi32, #tpu.memory_space<vmem>>
        %dma_wait3A_83 = arith.constant 0 : i32
        %dma_wait3A_84 = arith.constant 0 : i32
        %dma_wait3A_85 = tpu.memref_slice %arg13[%dma_wait3A_83, %dma_wait3A_84] : memref<10112x128xf32, #tpu.memory_space<vmem_shared>> -> memref<10112x128xf32, #tpu.memory_space<vmem_shared>>
        tpu.wait_indirect_dma semaphore(%arg17 : memref<!tpu.dma_semaphore, #tpu.memory_space<semaphore_mem>>) src(%arg12 : memref<128x128xf32, #tpu.memory_space<vmem>>) dst(%dma_wait3A_85 : memref<10112x128xf32, #tpu.memory_space<vmem_shared>>)
        %add3A_86 = arith.constant 1 : i32
        %add3A_87 = arith.addi %add3A_30, %add3A_86 : i32
        %add3A_88 = arith.constant 2 : i32
        %add3A_89 = arith.addi %add3A_87, %add3A_88 : i32
        %lt3A_90 = arith.constant 40 : i32
        %lt3A_91 = arith.cmpi slt, %add3A_89, %lt3A_90 : i32
        %convert_element_type3A_92 = arith.extui %lt3A_91 : i1 to i32
        %cond3A_93 = arith.constant 0 : i32
        %cond3A_94 = arith.cmpi ne, %convert_element_type3A_92, %cond3A_93 : i32
        scf.if %cond3A_94 {
          %add3A_95 = arith.constant 1 : i32
          %add3A_96 = arith.addi %add3A_30, %add3A_95 : i32
          %add3A_97 = arith.constant 2 : i32
          %add3A_98 = arith.addi %add3A_96, %add3A_97 : i32
          %dma_start3A_99 = arith.constant 0 : i32
          %dma_start3A_100 = tpu.memref_slice %arg9[%add3A_98, %dma_start3A_99] : memref<40x128xi32, #tpu.memory_space<vmem>> -> memref<1x128xi32, #tpu.memory_space<vmem>>
          %dma_start3A_101 = tpu.memref_squeeze %dma_start3A_100 : memref<1x128xi32, #tpu.memory_space<vmem>> -> memref<128xi32, #tpu.memory_space<vmem>>
          %dma_start3A_102 = arith.constant 0 : i32
          %dma_start3A_103 = arith.constant 0 : i32
          %dma_start3A_104 = tpu.memref_slice %arg2[%dma_start3A_102, %dma_start3A_103] : memref<10016x128xf32, #tpu.memory_space<hbm>> -> memref<10016x128xf32, #tpu.memory_space<hbm>>
          tpu.enqueue_indirect_dma source(%dma_start3A_104 : memref<10016x128xf32, #tpu.memory_space<hbm>>) target(%arg12 : memref<128x128xf32, #tpu.memory_space<vmem>>) offsets(%dma_start3A_101 : memref<128xi32, #tpu.memory_space<vmem>>) semaphore(%arg15 : memref<!tpu.dma_semaphore, #tpu.memory_space<semaphore_mem>>)
        } else {
        }
      }
      %scan3A_26 = arith.constant 20 : i32
    } else {
    }
    %barrier3A_7 = arith.constant 0 : index
    tpu.barrier barrier_id(%barrier3A_7)
    %mul3A_8 = arith.constant 632 : i32
    %mul3A_9 = arith.muli %arg1, %mul3A_8 : i32
    "tpu.region"() ({
      %run_scoped3A = tpu.sem_alloc : memref<!tpu.dma_semaphore, #tpu.memory_space<semaphore_mem>>
      %dma_start3A = arith.constant 0 : i32
      %dma_start3A_10 = tpu.memref_slice %arg8[%arg0, %mul3A_9, %dma_start3A] : memref<2x10112x128xf32, #tpu.memory_space<hbm>> -> memref<1x632x128xf32, #tpu.memory_space<hbm>>
      %dma_start3A_11 = tpu.memref_squeeze %dma_start3A_10 : memref<1x632x128xf32, #tpu.memory_space<hbm>> -> memref<632x128xf32, #tpu.memory_space<hbm>>
      %dma_start3A_12 = arith.constant 0 : i32
      %dma_start3A_13 = tpu.memref_slice %arg13[%mul3A_9, %dma_start3A_12] : memref<10112x128xf32, #tpu.memory_space<vmem_shared>> -> memref<632x128xf32, #tpu.memory_space<vmem_shared>>
      tpu.enqueue_dma source(%dma_start3A_13 : memref<632x128xf32, #tpu.memory_space<vmem_shared>>) target(%dma_start3A_11 : memref<632x128xf32, #tpu.memory_space<hbm>>) target_semaphore(%run_scoped3A : memref<!tpu.dma_semaphore, #tpu.memory_space<semaphore_mem>>)
      %dma_wait3A = arith.constant 0 : i32
      %dma_wait3A_14 = tpu.memref_slice %arg8[%arg0, %mul3A_9, %dma_wait3A] : memref<2x10112x128xf32, #tpu.memory_space<hbm>> -> memref<1x632x128xf32, #tpu.memory_space<hbm>>
      %dma_wait3A_15 = tpu.memref_squeeze %dma_wait3A_14 : memref<1x632x128xf32, #tpu.memory_space<hbm>> -> memref<632x128xf32, #tpu.memory_space<hbm>>
      %dma_wait3A_16 = arith.constant 0 : i32
      %dma_wait3A_17 = tpu.memref_slice %arg13[%mul3A_9, %dma_wait3A_16] : memref<10112x128xf32, #tpu.memory_space<vmem_shared>> -> memref<632x128xf32, #tpu.memory_space<vmem_shared>>
      tpu.wait_dma2 semaphore(%run_scoped3A : memref<!tpu.dma_semaphore, #tpu.memory_space<semaphore_mem>>) src(%dma_wait3A_17 : memref<632x128xf32, #tpu.memory_space<vmem_shared>>) dst(%dma_wait3A_15 : memref<632x128xf32, #tpu.memory_space<hbm>>)
      tpu.yield
    }) : () -> ()
    return
  }
}

#map = affine_map<(d0, d1) -> (0, 0, 0, 0)>
#map1 = affine_map<(d0, d1) -> (0, 0)>
#map2 = affine_map<(d0, d1) -> (0, 0, 0)>
module attributes {stable_mosaic.version = 14 : i64} {
  func.func @_deg_kernel(%arg0: i32, %arg1: i32, %arg2: memref<2x16x160x128xi32, #tpu.memory_space<hbm>>, %arg3: memref<128x128xf32, #tpu.memory_space<hbm>>, %arg4: memref<632x128xf32, #tpu.memory_space<hbm>>, %arg5: memref<2x10112x128xf32, #tpu.memory_space<hbm>>, %arg6: memref<160x128xi32, #tpu.memory_space<vmem>>, %arg7: memref<128x128xf32, #tpu.memory_space<vmem>>, %arg8: memref<10112x128xf32, #tpu.memory_space<vmem_shared>>, %arg9: memref<!tpu.dma_semaphore, #tpu.memory_space<semaphore_mem>>) attributes {dimension_semantics = [#tpu.dimension_semantics<core_parallel>, #tpu.dimension_semantics<subcore_parallel>], iteration_bounds = array<i64: 2, 16>, scalar_prefetch = 0 : i64, scratch_operands = 4 : i64, tpu.core_type = #tpu.core_type<sc_vector_subcore>, window_params = [{transform_indices = #map}, {transform_indices = #map1}, {transform_indices = #map1}, {transform_indices = #map2}]} {
    "tpu.region"() ({
      %run_scoped3A = tpu.sem_alloc : memref<!tpu.dma_semaphore, #tpu.memory_space<semaphore_mem>>
      %dma_start3A = arith.constant 0 : i32
      %dma_start3A_13 = arith.constant 0 : i32
      %dma_start3A_14 = tpu.memref_slice %arg2[%arg0, %arg1, %dma_start3A, %dma_start3A_13] : memref<2x16x160x128xi32, #tpu.memory_space<hbm>> -> memref<1x1x160x128xi32, #tpu.memory_space<hbm>>
      %dma_start3A_15 = tpu.memref_squeeze %dma_start3A_14 : memref<1x1x160x128xi32, #tpu.memory_space<hbm>> -> memref<160x128xi32, #tpu.memory_space<hbm>>
      %dma_start3A_16 = arith.constant 0 : i32
      %dma_start3A_17 = arith.constant 0 : i32
      %dma_start3A_18 = tpu.memref_slice %arg2[%arg0, %arg1, %dma_start3A_16, %dma_start3A_17] : memref<2x16x160x128xi32, #tpu.memory_space<hbm>> -> memref<1x1x160x128xi32, #tpu.memory_space<hbm>>
      %dma_start3A_19 = tpu.memref_squeeze %dma_start3A_18 : memref<1x1x160x128xi32, #tpu.memory_space<hbm>> -> memref<160x128xi32, #tpu.memory_space<hbm>>
      tpu.enqueue_dma source(%dma_start3A_19 : memref<160x128xi32, #tpu.memory_space<hbm>>) target(%arg6 : memref<160x128xi32, #tpu.memory_space<vmem>>) target_semaphore(%run_scoped3A : memref<!tpu.dma_semaphore, #tpu.memory_space<semaphore_mem>>)
      %dma_wait3A = arith.constant 0 : i32
      %dma_wait3A_20 = arith.constant 0 : i32
      %dma_wait3A_21 = tpu.memref_slice %arg2[%arg0, %arg1, %dma_wait3A, %dma_wait3A_20] : memref<2x16x160x128xi32, #tpu.memory_space<hbm>> -> memref<1x1x160x128xi32, #tpu.memory_space<hbm>>
      %dma_wait3A_22 = tpu.memref_squeeze %dma_wait3A_21 : memref<1x1x160x128xi32, #tpu.memory_space<hbm>> -> memref<160x128xi32, #tpu.memory_space<hbm>>
      %dma_wait3A_23 = arith.constant 0 : i32
      %dma_wait3A_24 = arith.constant 0 : i32
      %dma_wait3A_25 = tpu.memref_slice %arg2[%arg0, %arg1, %dma_wait3A_23, %dma_wait3A_24] : memref<2x16x160x128xi32, #tpu.memory_space<hbm>> -> memref<1x1x160x128xi32, #tpu.memory_space<hbm>>
      %dma_wait3A_26 = tpu.memref_squeeze %dma_wait3A_25 : memref<1x1x160x128xi32, #tpu.memory_space<hbm>> -> memref<160x128xi32, #tpu.memory_space<hbm>>
      tpu.wait_dma2 semaphore(%run_scoped3A : memref<!tpu.dma_semaphore, #tpu.memory_space<semaphore_mem>>) src(%dma_wait3A_26 : memref<160x128xi32, #tpu.memory_space<hbm>>) dst(%arg6 : memref<160x128xi32, #tpu.memory_space<vmem>>)
      tpu.yield
    }) : () -> ()
    "tpu.region"() ({
      %run_scoped3A = tpu.sem_alloc : memref<!tpu.dma_semaphore, #tpu.memory_space<semaphore_mem>>
      tpu.enqueue_dma source(%arg3 : memref<128x128xf32, #tpu.memory_space<hbm>>) target(%arg7 : memref<128x128xf32, #tpu.memory_space<vmem>>) target_semaphore(%run_scoped3A : memref<!tpu.dma_semaphore, #tpu.memory_space<semaphore_mem>>)
      tpu.wait_dma2 semaphore(%run_scoped3A : memref<!tpu.dma_semaphore, #tpu.memory_space<semaphore_mem>>) src(%arg3 : memref<128x128xf32, #tpu.memory_space<hbm>>) dst(%arg7 : memref<128x128xf32, #tpu.memory_space<vmem>>)
      tpu.yield
    }) : () -> ()
    %mul3A = arith.constant 632 : i32
    %mul3A_0 = arith.muli %arg1, %mul3A : i32
    "tpu.region"() ({
      %run_scoped3A = tpu.sem_alloc : memref<!tpu.dma_semaphore, #tpu.memory_space<semaphore_mem>>
      %dma_start3A = arith.constant 0 : i32
      %dma_start3A_13 = tpu.memref_slice %arg8[%mul3A_0, %dma_start3A] : memref<10112x128xf32, #tpu.memory_space<vmem_shared>> -> memref<632x128xf32, #tpu.memory_space<vmem_shared>>
      tpu.enqueue_dma source(%arg4 : memref<632x128xf32, #tpu.memory_space<hbm>>) target(%dma_start3A_13 : memref<632x128xf32, #tpu.memory_space<vmem_shared>>) target_semaphore(%run_scoped3A : memref<!tpu.dma_semaphore, #tpu.memory_space<semaphore_mem>>)
      %dma_wait3A = arith.constant 0 : i32
      %dma_wait3A_14 = tpu.memref_slice %arg8[%mul3A_0, %dma_wait3A] : memref<10112x128xf32, #tpu.memory_space<vmem_shared>> -> memref<632x128xf32, #tpu.memory_space<vmem_shared>>
      tpu.wait_dma2 semaphore(%run_scoped3A : memref<!tpu.dma_semaphore, #tpu.memory_space<semaphore_mem>>) src(%arg4 : memref<632x128xf32, #tpu.memory_space<hbm>>) dst(%dma_wait3A_14 : memref<632x128xf32, #tpu.memory_space<vmem_shared>>)
      tpu.yield
    }) : () -> ()
    %barrier3A = arith.constant 0 : index
    tpu.barrier barrier_id(%barrier3A)
    %scan3A = arith.constant 0 : i32
    %scan3A_1 = arith.constant 160 : i32
    %scan3A_2 = arith.addi %scan3A, %scan3A_1 : i32
    %scan3A_3 = arith.constant 1 : i32
    scf.for %scan3A_13 = %scan3A to %scan3A_2 step %scan3A_3  : i32 {
      %mul3A_14 = arith.constant 1 : i32
      %mul3A_15 = arith.muli %scan3A_13, %mul3A_14 : i32
      %add3A = arith.constant 0 : i32
      %add3A_16 = arith.addi %add3A, %mul3A_15 : i32
      %dma_start3A = arith.constant 0 : i32
      %dma_start3A_17 = tpu.memref_slice %arg6[%add3A_16, %dma_start3A] : memref<160x128xi32, #tpu.memory_space<vmem>> -> memref<1x128xi32, #tpu.memory_space<vmem>>
      %dma_start3A_18 = tpu.memref_squeeze %dma_start3A_17 : memref<1x128xi32, #tpu.memory_space<vmem>> -> memref<128xi32, #tpu.memory_space<vmem>>
      %dma_start3A_19 = arith.constant 0 : i32
      %dma_start3A_20 = arith.constant 0 : i32
      %dma_start3A_21 = tpu.memref_slice %arg8[%dma_start3A_19, %dma_start3A_20] : memref<10112x128xf32, #tpu.memory_space<vmem_shared>> -> memref<10112x128xf32, #tpu.memory_space<vmem_shared>>
      tpu.enqueue_indirect_dma source(%arg7 : memref<128x128xf32, #tpu.memory_space<vmem>>) target(%dma_start3A_21 : memref<10112x128xf32, #tpu.memory_space<vmem_shared>>) offsets(%dma_start3A_18 : memref<128xi32, #tpu.memory_space<vmem>>) semaphore(%arg9 : memref<!tpu.dma_semaphore, #tpu.memory_space<semaphore_mem>>) {add = true}
      %ge3A = arith.constant 8 : i32
      %ge3A_22 = arith.cmpi sge, %add3A_16, %ge3A : i32
      %convert_element_type3A = arith.extui %ge3A_22 : i1 to i32
      %cond3A = arith.constant 0 : i32
      %cond3A_23 = arith.cmpi ne, %convert_element_type3A, %cond3A : i32
      scf.if %cond3A_23 {
        %sub3A = arith.constant 8 : i32
        %sub3A_24 = arith.subi %add3A_16, %sub3A : i32
        %dma_wait3A = arith.constant 0 : i32
        %dma_wait3A_25 = tpu.memref_slice %arg6[%sub3A_24, %dma_wait3A] : memref<160x128xi32, #tpu.memory_space<vmem>> -> memref<1x128xi32, #tpu.memory_space<vmem>>
        %dma_wait3A_26 = tpu.memref_squeeze %dma_wait3A_25 : memref<1x128xi32, #tpu.memory_space<vmem>> -> memref<128xi32, #tpu.memory_space<vmem>>
        %dma_wait3A_27 = arith.constant 0 : i32
        %dma_wait3A_28 = arith.constant 0 : i32
        %dma_wait3A_29 = tpu.memref_slice %arg8[%dma_wait3A_27, %dma_wait3A_28] : memref<10112x128xf32, #tpu.memory_space<vmem_shared>> -> memref<10112x128xf32, #tpu.memory_space<vmem_shared>>
        tpu.wait_indirect_dma semaphore(%arg9 : memref<!tpu.dma_semaphore, #tpu.memory_space<semaphore_mem>>) src(%arg7 : memref<128x128xf32, #tpu.memory_space<vmem>>) dst(%dma_wait3A_29 : memref<10112x128xf32, #tpu.memory_space<vmem_shared>>)
      } else {
      }
    }
    %scan3A_4 = arith.constant 160 : i32
    %scan3A_5 = arith.constant 0 : i32
    %scan3A_6 = arith.constant 8 : i32
    %scan3A_7 = arith.addi %scan3A_5, %scan3A_6 : i32
    %scan3A_8 = arith.constant 1 : i32
    scf.for %scan3A_13 = %scan3A_5 to %scan3A_7 step %scan3A_8  : i32 {
      %mul3A_14 = arith.constant 1 : i32
      %mul3A_15 = arith.muli %scan3A_13, %mul3A_14 : i32
      %add3A = arith.constant 152 : i32
      %add3A_16 = arith.addi %add3A, %mul3A_15 : i32
      %dma_wait3A = arith.constant 0 : i32
      %dma_wait3A_17 = tpu.memref_slice %arg6[%add3A_16, %dma_wait3A] : memref<160x128xi32, #tpu.memory_space<vmem>> -> memref<1x128xi32, #tpu.memory_space<vmem>>
      %dma_wait3A_18 = tpu.memref_squeeze %dma_wait3A_17 : memref<1x128xi32, #tpu.memory_space<vmem>> -> memref<128xi32, #tpu.memory_space<vmem>>
      %dma_wait3A_19 = arith.constant 0 : i32
      %dma_wait3A_20 = arith.constant 0 : i32
      %dma_wait3A_21 = tpu.memref_slice %arg8[%dma_wait3A_19, %dma_wait3A_20] : memref<10112x128xf32, #tpu.memory_space<vmem_shared>> -> memref<10112x128xf32, #tpu.memory_space<vmem_shared>>
      tpu.wait_indirect_dma semaphore(%arg9 : memref<!tpu.dma_semaphore, #tpu.memory_space<semaphore_mem>>) src(%arg7 : memref<128x128xf32, #tpu.memory_space<vmem>>) dst(%dma_wait3A_21 : memref<10112x128xf32, #tpu.memory_space<vmem_shared>>)
    }
    %scan3A_9 = arith.constant 8 : i32
    %barrier3A_10 = arith.constant 0 : index
    tpu.barrier barrier_id(%barrier3A_10)
    %mul3A_11 = arith.constant 632 : i32
    %mul3A_12 = arith.muli %arg1, %mul3A_11 : i32
    "tpu.region"() ({
      %run_scoped3A = tpu.sem_alloc : memref<!tpu.dma_semaphore, #tpu.memory_space<semaphore_mem>>
      %dma_start3A = arith.constant 0 : i32
      %dma_start3A_13 = tpu.memref_slice %arg5[%arg0, %mul3A_12, %dma_start3A] : memref<2x10112x128xf32, #tpu.memory_space<hbm>> -> memref<1x632x128xf32, #tpu.memory_space<hbm>>
      %dma_start3A_14 = tpu.memref_squeeze %dma_start3A_13 : memref<1x632x128xf32, #tpu.memory_space<hbm>> -> memref<632x128xf32, #tpu.memory_space<hbm>>
      %dma_start3A_15 = arith.constant 0 : i32
      %dma_start3A_16 = tpu.memref_slice %arg8[%mul3A_12, %dma_start3A_15] : memref<10112x128xf32, #tpu.memory_space<vmem_shared>> -> memref<632x128xf32, #tpu.memory_space<vmem_shared>>
      tpu.enqueue_dma source(%dma_start3A_16 : memref<632x128xf32, #tpu.memory_space<vmem_shared>>) target(%dma_start3A_14 : memref<632x128xf32, #tpu.memory_space<hbm>>) target_semaphore(%run_scoped3A : memref<!tpu.dma_semaphore, #tpu.memory_space<semaphore_mem>>)
      %dma_wait3A = arith.constant 0 : i32
      %dma_wait3A_17 = tpu.memref_slice %arg5[%arg0, %mul3A_12, %dma_wait3A] : memref<2x10112x128xf32, #tpu.memory_space<hbm>> -> memref<1x632x128xf32, #tpu.memory_space<hbm>>
      %dma_wait3A_18 = tpu.memref_squeeze %dma_wait3A_17 : memref<1x632x128xf32, #tpu.memory_space<hbm>> -> memref<632x128xf32, #tpu.memory_space<hbm>>
      %dma_wait3A_19 = arith.constant 0 : i32
      %dma_wait3A_20 = tpu.memref_slice %arg8[%mul3A_12, %dma_wait3A_19] : memref<10112x128xf32, #tpu.memory_space<vmem_shared>> -> memref<632x128xf32, #tpu.memory_space<vmem_shared>>
      tpu.wait_dma2 semaphore(%run_scoped3A : memref<!tpu.dma_semaphore, #tpu.memory_space<semaphore_mem>>) src(%dma_wait3A_20 : memref<632x128xf32, #tpu.memory_space<vmem_shared>>) dst(%dma_wait3A_18 : memref<632x128xf32, #tpu.memory_space<hbm>>)
      tpu.yield
    }) : () -> ()
    return
  }
}

#map = affine_map<(d0, d1) -> (0, 0)>
#map1 = affine_map<(d0, d1) -> (0, 0, 0)>
module attributes {stable_mosaic.version = 14 : i64} {
  func.func @_segsum_kernel(%arg0: i32, %arg1: i32, %arg2: memref<10016x128xf32, #tpu.memory_space<hbm>>, %arg3: memref<16x120x128xi32, #tpu.memory_space<hbm>>, %arg4: memref<16x120x128xi32, #tpu.memory_space<hbm>>, %arg5: memref<16x40x128xi32, #tpu.memory_space<hbm>>, %arg6: memref<16x40x128xi32, #tpu.memory_space<hbm>>, %arg7: memref<632x128xf32, #tpu.memory_space<hbm>>, %arg8: memref<2x10112x128xf32, #tpu.memory_space<hbm>>, %arg9: memref<40x128xi32, #tpu.memory_space<vmem>>, %arg10: memref<40x128xi32, #tpu.memory_space<vmem>>, %arg11: memref<128x128xf32, #tpu.memory_space<vmem>>, %arg12: memref<128x128xf32, #tpu.memory_space<vmem>>, %arg13: memref<10112x128xf32, #tpu.memory_space<vmem_shared>>, %arg14: memref<!tpu.dma_semaphore, #tpu.memory_space<semaphore_mem>>, %arg15: memref<!tpu.dma_semaphore, #tpu.memory_space<semaphore_mem>>, %arg16: memref<!tpu.dma_semaphore, #tpu.memory_space<semaphore_mem>>, %arg17: memref<!tpu.dma_semaphore, #tpu.memory_space<semaphore_mem>>) attributes {dimension_semantics = [#tpu.dimension_semantics<core_parallel>, #tpu.dimension_semantics<subcore_parallel>], iteration_bounds = array<i64: 2, 16>, scalar_prefetch = 0 : i64, scratch_operands = 9 : i64, tpu.core_type = #tpu.core_type<sc_vector_subcore>, window_params = [{transform_indices = #map}, {transform_indices = #map1}, {transform_indices = #map1}, {transform_indices = #map1}, {transform_indices = #map1}, {transform_indices = #map}, {transform_indices = #map1}]} {
    %mul3A = arith.constant 632 : i32
    %mul3A_0 = arith.muli %arg1, %mul3A : i32
    "tpu.region"() ({
      %run_scoped3A = tpu.sem_alloc : memref<!tpu.dma_semaphore, #tpu.memory_space<semaphore_mem>>
      %dma_start3A = arith.constant 0 : i32
      %dma_start3A_10 = tpu.memref_slice %arg13[%mul3A_0, %dma_start3A] : memref<10112x128xf32, #tpu.memory_space<vmem_shared>> -> memref<632x128xf32, #tpu.memory_space<vmem_shared>>
      tpu.enqueue_dma source(%arg7 : memref<632x128xf32, #tpu.memory_space<hbm>>) target(%dma_start3A_10 : memref<632x128xf32, #tpu.memory_space<vmem_shared>>) target_semaphore(%run_scoped3A : memref<!tpu.dma_semaphore, #tpu.memory_space<semaphore_mem>>)
      %dma_wait3A = arith.constant 0 : i32
      %dma_wait3A_11 = tpu.memref_slice %arg13[%mul3A_0, %dma_wait3A] : memref<10112x128xf32, #tpu.memory_space<vmem_shared>> -> memref<632x128xf32, #tpu.memory_space<vmem_shared>>
      tpu.wait_dma2 semaphore(%run_scoped3A : memref<!tpu.dma_semaphore, #tpu.memory_space<semaphore_mem>>) src(%arg7 : memref<632x128xf32, #tpu.memory_space<hbm>>) dst(%dma_wait3A_11 : memref<632x128xf32, #tpu.memory_space<vmem_shared>>)
      tpu.yield
    }) : () -> ()
    %barrier3A = arith.constant 0 : index
    tpu.barrier barrier_id(%barrier3A)
    %eq3A = arith.constant 0 : i32
    %eq3A_1 = arith.cmpi eq, %arg0, %eq3A : i32
    %convert_element_type3A = arith.extui %eq3A_1 : i1 to i32
    %cond3A = arith.constant 0 : i32
    %cond3A_2 = arith.cmpi ne, %convert_element_type3A, %cond3A : i32
    scf.if %cond3A_2 {
      "tpu.region"() ({
        %run_scoped3A = tpu.sem_alloc : memref<!tpu.dma_semaphore, #tpu.memory_space<semaphore_mem>>
        %dma_start3A_65 = arith.constant 0 : i32
        %dma_start3A_66 = arith.constant 0 : i32
        %dma_start3A_67 = tpu.memref_slice %arg9[%dma_start3A_65, %dma_start3A_66] : memref<40x128xi32, #tpu.memory_space<vmem>> -> memref<40x128xi32, #tpu.memory_space<vmem>>
        %dma_start3A_68 = arith.constant 0 : i32
        %dma_start3A_69 = arith.constant 0 : i32
        %dma_start3A_70 = tpu.memref_slice %arg3[%arg1, %dma_start3A_68, %dma_start3A_69] : memref<16x120x128xi32, #tpu.memory_space<hbm>> -> memref<1x40x128xi32, #tpu.memory_space<hbm>>
        %dma_start3A_71 = tpu.memref_squeeze %dma_start3A_70 : memref<1x40x128xi32, #tpu.memory_space<hbm>> -> memref<40x128xi32, #tpu.memory_space<hbm>>
        %dma_start3A_72 = arith.constant 0 : i32
        %dma_start3A_73 = arith.constant 0 : i32
        %dma_start3A_74 = tpu.memref_slice %arg9[%dma_start3A_72, %dma_start3A_73] : memref<40x128xi32, #tpu.memory_space<vmem>> -> memref<40x128xi32, #tpu.memory_space<vmem>>
        %dma_start3A_75 = arith.constant 0 : i32
        %dma_start3A_76 = arith.constant 0 : i32
        %dma_start3A_77 = tpu.memref_slice %arg3[%arg1, %dma_start3A_75, %dma_start3A_76] : memref<16x120x128xi32, #tpu.memory_space<hbm>> -> memref<1x40x128xi32, #tpu.memory_space<hbm>>
        %dma_start3A_78 = tpu.memref_squeeze %dma_start3A_77 : memref<1x40x128xi32, #tpu.memory_space<hbm>> -> memref<40x128xi32, #tpu.memory_space<hbm>>
        tpu.enqueue_dma source(%dma_start3A_78 : memref<40x128xi32, #tpu.memory_space<hbm>>) target(%dma_start3A_74 : memref<40x128xi32, #tpu.memory_space<vmem>>) target_semaphore(%run_scoped3A : memref<!tpu.dma_semaphore, #tpu.memory_space<semaphore_mem>>)
        %dma_wait3A = arith.constant 0 : i32
        %dma_wait3A_79 = arith.constant 0 : i32
        %dma_wait3A_80 = tpu.memref_slice %arg9[%dma_wait3A, %dma_wait3A_79] : memref<40x128xi32, #tpu.memory_space<vmem>> -> memref<40x128xi32, #tpu.memory_space<vmem>>
        %dma_wait3A_81 = arith.constant 0 : i32
        %dma_wait3A_82 = arith.constant 0 : i32
        %dma_wait3A_83 = tpu.memref_slice %arg3[%arg1, %dma_wait3A_81, %dma_wait3A_82] : memref<16x120x128xi32, #tpu.memory_space<hbm>> -> memref<1x40x128xi32, #tpu.memory_space<hbm>>
        %dma_wait3A_84 = tpu.memref_squeeze %dma_wait3A_83 : memref<1x40x128xi32, #tpu.memory_space<hbm>> -> memref<40x128xi32, #tpu.memory_space<hbm>>
        %dma_wait3A_85 = arith.constant 0 : i32
        %dma_wait3A_86 = arith.constant 0 : i32
        %dma_wait3A_87 = tpu.memref_slice %arg9[%dma_wait3A_85, %dma_wait3A_86] : memref<40x128xi32, #tpu.memory_space<vmem>> -> memref<40x128xi32, #tpu.memory_space<vmem>>
        %dma_wait3A_88 = arith.constant 0 : i32
        %dma_wait3A_89 = arith.constant 0 : i32
        %dma_wait3A_90 = tpu.memref_slice %arg3[%arg1, %dma_wait3A_88, %dma_wait3A_89] : memref<16x120x128xi32, #tpu.memory_space<hbm>> -> memref<1x40x128xi32, #tpu.memory_space<hbm>>
        %dma_wait3A_91 = tpu.memref_squeeze %dma_wait3A_90 : memref<1x40x128xi32, #tpu.memory_space<hbm>> -> memref<40x128xi32, #tpu.memory_space<hbm>>
        tpu.wait_dma2 semaphore(%run_scoped3A : memref<!tpu.dma_semaphore, #tpu.memory_space<semaphore_mem>>) src(%dma_wait3A_91 : memref<40x128xi32, #tpu.memory_space<hbm>>) dst(%dma_wait3A_87 : memref<40x128xi32, #tpu.memory_space<vmem>>)
        tpu.yield
      }) : () -> ()
      "tpu.region"() ({
        %run_scoped3A = tpu.sem_alloc : memref<!tpu.dma_semaphore, #tpu.memory_space<semaphore_mem>>
        %dma_start3A_65 = arith.constant 0 : i32
        %dma_start3A_66 = arith.constant 0 : i32
        %dma_start3A_67 = tpu.memref_slice %arg10[%dma_start3A_65, %dma_start3A_66] : memref<40x128xi32, #tpu.memory_space<vmem>> -> memref<40x128xi32, #tpu.memory_space<vmem>>
        %dma_start3A_68 = arith.constant 0 : i32
        %dma_start3A_69 = arith.constant 0 : i32
        %dma_start3A_70 = tpu.memref_slice %arg4[%arg1, %dma_start3A_68, %dma_start3A_69] : memref<16x120x128xi32, #tpu.memory_space<hbm>> -> memref<1x40x128xi32, #tpu.memory_space<hbm>>
        %dma_start3A_71 = tpu.memref_squeeze %dma_start3A_70 : memref<1x40x128xi32, #tpu.memory_space<hbm>> -> memref<40x128xi32, #tpu.memory_space<hbm>>
        %dma_start3A_72 = arith.constant 0 : i32
        %dma_start3A_73 = arith.constant 0 : i32
        %dma_start3A_74 = tpu.memref_slice %arg10[%dma_start3A_72, %dma_start3A_73] : memref<40x128xi32, #tpu.memory_space<vmem>> -> memref<40x128xi32, #tpu.memory_space<vmem>>
        %dma_start3A_75 = arith.constant 0 : i32
        %dma_start3A_76 = arith.constant 0 : i32
        %dma_start3A_77 = tpu.memref_slice %arg4[%arg1, %dma_start3A_75, %dma_start3A_76] : memref<16x120x128xi32, #tpu.memory_space<hbm>> -> memref<1x40x128xi32, #tpu.memory_space<hbm>>
        %dma_start3A_78 = tpu.memref_squeeze %dma_start3A_77 : memref<1x40x128xi32, #tpu.memory_space<hbm>> -> memref<40x128xi32, #tpu.memory_space<hbm>>
        tpu.enqueue_dma source(%dma_start3A_78 : memref<40x128xi32, #tpu.memory_space<hbm>>) target(%dma_start3A_74 : memref<40x128xi32, #tpu.memory_space<vmem>>) target_semaphore(%run_scoped3A : memref<!tpu.dma_semaphore, #tpu.memory_space<semaphore_mem>>)
        %dma_wait3A = arith.constant 0 : i32
        %dma_wait3A_79 = arith.constant 0 : i32
        %dma_wait3A_80 = tpu.memref_slice %arg10[%dma_wait3A, %dma_wait3A_79] : memref<40x128xi32, #tpu.memory_space<vmem>> -> memref<40x128xi32, #tpu.memory_space<vmem>>
        %dma_wait3A_81 = arith.constant 0 : i32
        %dma_wait3A_82 = arith.constant 0 : i32
        %dma_wait3A_83 = tpu.memref_slice %arg4[%arg1, %dma_wait3A_81, %dma_wait3A_82] : memref<16x120x128xi32, #tpu.memory_space<hbm>> -> memref<1x40x128xi32, #tpu.memory_space<hbm>>
        %dma_wait3A_84 = tpu.memref_squeeze %dma_wait3A_83 : memref<1x40x128xi32, #tpu.memory_space<hbm>> -> memref<40x128xi32, #tpu.memory_space<hbm>>
        %dma_wait3A_85 = arith.constant 0 : i32
        %dma_wait3A_86 = arith.constant 0 : i32
        %dma_wait3A_87 = tpu.memref_slice %arg10[%dma_wait3A_85, %dma_wait3A_86] : memref<40x128xi32, #tpu.memory_space<vmem>> -> memref<40x128xi32, #tpu.memory_space<vmem>>
        %dma_wait3A_88 = arith.constant 0 : i32
        %dma_wait3A_89 = arith.constant 0 : i32
        %dma_wait3A_90 = tpu.memref_slice %arg4[%arg1, %dma_wait3A_88, %dma_wait3A_89] : memref<16x120x128xi32, #tpu.memory_space<hbm>> -> memref<1x40x128xi32, #tpu.memory_space<hbm>>
        %dma_wait3A_91 = tpu.memref_squeeze %dma_wait3A_90 : memref<1x40x128xi32, #tpu.memory_space<hbm>> -> memref<40x128xi32, #tpu.memory_space<hbm>>
        tpu.wait_dma2 semaphore(%run_scoped3A : memref<!tpu.dma_semaphore, #tpu.memory_space<semaphore_mem>>) src(%dma_wait3A_91 : memref<40x128xi32, #tpu.memory_space<hbm>>) dst(%dma_wait3A_87 : memref<40x128xi32, #tpu.memory_space<vmem>>)
        tpu.yield
      }) : () -> ()
      %dma_start3A = arith.constant 0 : i32
      %dma_start3A_10 = arith.constant 0 : i32
      %dma_start3A_11 = tpu.memref_slice %arg9[%dma_start3A, %dma_start3A_10] : memref<40x128xi32, #tpu.memory_space<vmem>> -> memref<1x128xi32, #tpu.memory_space<vmem>>
      %dma_start3A_12 = tpu.memref_squeeze %dma_start3A_11 : memref<1x128xi32, #tpu.memory_space<vmem>> -> memref<128xi32, #tpu.memory_space<vmem>>
      %dma_start3A_13 = arith.constant 0 : i32
      %dma_start3A_14 = arith.constant 0 : i32
      %dma_start3A_15 = tpu.memref_slice %arg2[%dma_start3A_13, %dma_start3A_14] : memref<10016x128xf32, #tpu.memory_space<hbm>> -> memref<10016x128xf32, #tpu.memory_space<hbm>>
      tpu.enqueue_indirect_dma source(%dma_start3A_15 : memref<10016x128xf32, #tpu.memory_space<hbm>>) target(%arg11 : memref<128x128xf32, #tpu.memory_space<vmem>>) offsets(%dma_start3A_12 : memref<128xi32, #tpu.memory_space<vmem>>) semaphore(%arg14 : memref<!tpu.dma_semaphore, #tpu.memory_space<semaphore_mem>>)
      %dma_start3A_16 = arith.constant 1 : i32
      %dma_start3A_17 = arith.constant 0 : i32
      %dma_start3A_18 = tpu.memref_slice %arg9[%dma_start3A_16, %dma_start3A_17] : memref<40x128xi32, #tpu.memory_space<vmem>> -> memref<1x128xi32, #tpu.memory_space<vmem>>
      %dma_start3A_19 = tpu.memref_squeeze %dma_start3A_18 : memref<1x128xi32, #tpu.memory_space<vmem>> -> memref<128xi32, #tpu.memory_space<vmem>>
      %dma_start3A_20 = arith.constant 0 : i32
      %dma_start3A_21 = arith.constant 0 : i32
      %dma_start3A_22 = tpu.memref_slice %arg2[%dma_start3A_20, %dma_start3A_21] : memref<10016x128xf32, #tpu.memory_space<hbm>> -> memref<10016x128xf32, #tpu.memory_space<hbm>>
      tpu.enqueue_indirect_dma source(%dma_start3A_22 : memref<10016x128xf32, #tpu.memory_space<hbm>>) target(%arg12 : memref<128x128xf32, #tpu.memory_space<vmem>>) offsets(%dma_start3A_19 : memref<128xi32, #tpu.memory_space<vmem>>) semaphore(%arg15 : memref<!tpu.dma_semaphore, #tpu.memory_space<semaphore_mem>>)
      %scan3A = arith.constant 0 : i32
      %scan3A_23 = arith.constant 20 : i32
      %scan3A_24 = arith.addi %scan3A, %scan3A_23 : i32
      %scan3A_25 = arith.constant 1 : i32
      scf.for %scan3A_65 = %scan3A to %scan3A_24 step %scan3A_25  : i32 {
        %mul3A_66 = arith.constant 2 : i32
        %mul3A_67 = arith.muli %scan3A_65, %mul3A_66 : i32
        %add3A = arith.constant 0 : i32
        %add3A_68 = arith.addi %add3A, %mul3A_67 : i32
        %add3A_69 = arith.constant 0 : i32
        %add3A_70 = arith.addi %add3A_68, %add3A_69 : i32
        %dma_wait3A = arith.constant 0 : i32
        %dma_wait3A_71 = tpu.memref_slice %arg9[%add3A_70, %dma_wait3A] : memref<40x128xi32, #tpu.memory_space<vmem>> -> memref<1x128xi32, #tpu.memory_space<vmem>>
        %dma_wait3A_72 = tpu.memref_squeeze %dma_wait3A_71 : memref<1x128xi32, #tpu.memory_space<vmem>> -> memref<128xi32, #tpu.memory_space<vmem>>
        %dma_wait3A_73 = arith.constant 0 : i32
        %dma_wait3A_74 = arith.constant 0 : i32
        %dma_wait3A_75 = tpu.memref_slice %arg2[%dma_wait3A_73, %dma_wait3A_74] : memref<10016x128xf32, #tpu.memory_space<hbm>> -> memref<10016x128xf32, #tpu.memory_space<hbm>>
        tpu.wait_indirect_dma semaphore(%arg14 : memref<!tpu.dma_semaphore, #tpu.memory_space<semaphore_mem>>) src(%dma_wait3A_75 : memref<10016x128xf32, #tpu.memory_space<hbm>>) dst(%arg11 : memref<128x128xf32, #tpu.memory_space<vmem>>)
        %add3A_76 = arith.constant 0 : i32
        %add3A_77 = arith.addi %add3A_68, %add3A_76 : i32
        %dma_start3A_78 = arith.constant 0 : i32
        %dma_start3A_79 = tpu.memref_slice %arg10[%add3A_77, %dma_start3A_78] : memref<40x128xi32, #tpu.memory_space<vmem>> -> memref<1x128xi32, #tpu.memory_space<vmem>>
        %dma_start3A_80 = tpu.memref_squeeze %dma_start3A_79 : memref<1x128xi32, #tpu.memory_space<vmem>> -> memref<128xi32, #tpu.memory_space<vmem>>
        %dma_start3A_81 = arith.constant 0 : i32
        %dma_start3A_82 = arith.constant 0 : i32
        %dma_start3A_83 = tpu.memref_slice %arg13[%dma_start3A_81, %dma_start3A_82] : memref<10112x128xf32, #tpu.memory_space<vmem_shared>> -> memref<10112x128xf32, #tpu.memory_space<vmem_shared>>
        tpu.enqueue_indirect_dma source(%arg11 : memref<128x128xf32, #tpu.memory_space<vmem>>) target(%dma_start3A_83 : memref<10112x128xf32, #tpu.memory_space<vmem_shared>>) offsets(%dma_start3A_80 : memref<128xi32, #tpu.memory_space<vmem>>) semaphore(%arg16 : memref<!tpu.dma_semaphore, #tpu.memory_space<semaphore_mem>>) {add = true}
        %add3A_84 = arith.constant 1 : i32
        %add3A_85 = arith.addi %add3A_68, %add3A_84 : i32
        %dma_wait3A_86 = arith.constant 0 : i32
        %dma_wait3A_87 = tpu.memref_slice %arg9[%add3A_85, %dma_wait3A_86] : memref<40x128xi32, #tpu.memory_space<vmem>> -> memref<1x128xi32, #tpu.memory_space<vmem>>
        %dma_wait3A_88 = tpu.memref_squeeze %dma_wait3A_87 : memref<1x128xi32, #tpu.memory_space<vmem>> -> memref<128xi32, #tpu.memory_space<vmem>>
        %dma_wait3A_89 = arith.constant 0 : i32
        %dma_wait3A_90 = arith.constant 0 : i32
        %dma_wait3A_91 = tpu.memref_slice %arg2[%dma_wait3A_89, %dma_wait3A_90] : memref<10016x128xf32, #tpu.memory_space<hbm>> -> memref<10016x128xf32, #tpu.memory_space<hbm>>
        tpu.wait_indirect_dma semaphore(%arg15 : memref<!tpu.dma_semaphore, #tpu.memory_space<semaphore_mem>>) src(%dma_wait3A_91 : memref<10016x128xf32, #tpu.memory_space<hbm>>) dst(%arg12 : memref<128x128xf32, #tpu.memory_space<vmem>>)
        %add3A_92 = arith.constant 1 : i32
        %add3A_93 = arith.addi %add3A_68, %add3A_92 : i32
        %dma_start3A_94 = arith.constant 0 : i32
        %dma_start3A_95 = tpu.memref_slice %arg10[%add3A_93, %dma_start3A_94] : memref<40x128xi32, #tpu.memory_space<vmem>> -> memref<1x128xi32, #tpu.memory_space<vmem>>
        %dma_start3A_96 = tpu.memref_squeeze %dma_start3A_95 : memref<1x128xi32, #tpu.memory_space<vmem>> -> memref<128xi32, #tpu.memory_space<vmem>>
        %dma_start3A_97 = arith.constant 0 : i32
        %dma_start3A_98 = arith.constant 0 : i32
        %dma_start3A_99 = tpu.memref_slice %arg13[%dma_start3A_97, %dma_start3A_98] : memref<10112x128xf32, #tpu.memory_space<vmem_shared>> -> memref<10112x128xf32, #tpu.memory_space<vmem_shared>>
        tpu.enqueue_indirect_dma source(%arg12 : memref<128x128xf32, #tpu.memory_space<vmem>>) target(%dma_start3A_99 : memref<10112x128xf32, #tpu.memory_space<vmem_shared>>) offsets(%dma_start3A_96 : memref<128xi32, #tpu.memory_space<vmem>>) semaphore(%arg17 : memref<!tpu.dma_semaphore, #tpu.memory_space<semaphore_mem>>) {add = true}
        %add3A_100 = arith.constant 0 : i32
        %add3A_101 = arith.addi %add3A_68, %add3A_100 : i32
        %dma_wait3A_102 = arith.constant 0 : i32
        %dma_wait3A_103 = tpu.memref_slice %arg10[%add3A_101, %dma_wait3A_102] : memref<40x128xi32, #tpu.memory_space<vmem>> -> memref<1x128xi32, #tpu.memory_space<vmem>>
        %dma_wait3A_104 = tpu.memref_squeeze %dma_wait3A_103 : memref<1x128xi32, #tpu.memory_space<vmem>> -> memref<128xi32, #tpu.memory_space<vmem>>
        %dma_wait3A_105 = arith.constant 0 : i32
        %dma_wait3A_106 = arith.constant 0 : i32
        %dma_wait3A_107 = tpu.memref_slice %arg13[%dma_wait3A_105, %dma_wait3A_106] : memref<10112x128xf32, #tpu.memory_space<vmem_shared>> -> memref<10112x128xf32, #tpu.memory_space<vmem_shared>>
        tpu.wait_indirect_dma semaphore(%arg16 : memref<!tpu.dma_semaphore, #tpu.memory_space<semaphore_mem>>) src(%arg11 : memref<128x128xf32, #tpu.memory_space<vmem>>) dst(%dma_wait3A_107 : memref<10112x128xf32, #tpu.memory_space<vmem_shared>>)
        %add3A_108 = arith.constant 0 : i32
        %add3A_109 = arith.addi %add3A_68, %add3A_108 : i32
        %add3A_110 = arith.constant 2 : i32
        %add3A_111 = arith.addi %add3A_109, %add3A_110 : i32
        %lt3A = arith.constant 40 : i32
        %lt3A_112 = arith.cmpi slt, %add3A_111, %lt3A : i32
        %convert_element_type3A_113 = arith.extui %lt3A_112 : i1 to i32
        %cond3A_114 = arith.constant 0 : i32
        %cond3A_115 = arith.cmpi ne, %convert_element_type3A_113, %cond3A_114 : i32
        scf.if %cond3A_115 {
          %add3A_133 = arith.constant 0 : i32
          %add3A_134 = arith.addi %add3A_68, %add3A_133 : i32
          %add3A_135 = arith.constant 2 : i32
          %add3A_136 = arith.addi %add3A_134, %add3A_135 : i32
          %dma_start3A_137 = arith.constant 0 : i32
          %dma_start3A_138 = tpu.memref_slice %arg9[%add3A_136, %dma_start3A_137] : memref<40x128xi32, #tpu.memory_space<vmem>> -> memref<1x128xi32, #tpu.memory_space<vmem>>
          %dma_start3A_139 = tpu.memref_squeeze %dma_start3A_138 : memref<1x128xi32, #tpu.memory_space<vmem>> -> memref<128xi32, #tpu.memory_space<vmem>>
          %dma_start3A_140 = arith.constant 0 : i32
          %dma_start3A_141 = arith.constant 0 : i32
          %dma_start3A_142 = tpu.memref_slice %arg2[%dma_start3A_140, %dma_start3A_141] : memref<10016x128xf32, #tpu.memory_space<hbm>> -> memref<10016x128xf32, #tpu.memory_space<hbm>>
          tpu.enqueue_indirect_dma source(%dma_start3A_142 : memref<10016x128xf32, #tpu.memory_space<hbm>>) target(%arg11 : memref<128x128xf32, #tpu.memory_space<vmem>>) offsets(%dma_start3A_139 : memref<128xi32, #tpu.memory_space<vmem>>) semaphore(%arg14 : memref<!tpu.dma_semaphore, #tpu.memory_space<semaphore_mem>>)
        } else {
        }
        %add3A_116 = arith.constant 1 : i32
        %add3A_117 = arith.addi %add3A_68, %add3A_116 : i32
        %dma_wait3A_118 = arith.constant 0 : i32
        %dma_wait3A_119 = tpu.memref_slice %arg10[%add3A_117, %dma_wait3A_118] : memref<40x128xi32, #tpu.memory_space<vmem>> -> memref<1x128xi32, #tpu.memory_space<vmem>>
        %dma_wait3A_120 = tpu.memref_squeeze %dma_wait3A_119 : memref<1x128xi32, #tpu.memory_space<vmem>> -> memref<128xi32, #tpu.memory_space<vmem>>
        %dma_wait3A_121 = arith.constant 0 : i32
        %dma_wait3A_122 = arith.constant 0 : i32
        %dma_wait3A_123 = tpu.memref_slice %arg13[%dma_wait3A_121, %dma_wait3A_122] : memref<10112x128xf32, #tpu.memory_space<vmem_shared>> -> memref<10112x128xf32, #tpu.memory_space<vmem_shared>>
        tpu.wait_indirect_dma semaphore(%arg17 : memref<!tpu.dma_semaphore, #tpu.memory_space<semaphore_mem>>) src(%arg12 : memref<128x128xf32, #tpu.memory_space<vmem>>) dst(%dma_wait3A_123 : memref<10112x128xf32, #tpu.memory_space<vmem_shared>>)
        %add3A_124 = arith.constant 1 : i32
        %add3A_125 = arith.addi %add3A_68, %add3A_124 : i32
        %add3A_126 = arith.constant 2 : i32
        %add3A_127 = arith.addi %add3A_125, %add3A_126 : i32
        %lt3A_128 = arith.constant 40 : i32
        %lt3A_129 = arith.cmpi slt, %add3A_127, %lt3A_128 : i32
        %convert_element_type3A_130 = arith.extui %lt3A_129 : i1 to i32
        %cond3A_131 = arith.constant 0 : i32
        %cond3A_132 = arith.cmpi ne, %convert_element_type3A_130, %cond3A_131 : i32
        scf.if %cond3A_132 {
          %add3A_133 = arith.constant 1 : i32
          %add3A_134 = arith.addi %add3A_68, %add3A_133 : i32
          %add3A_135 = arith.constant 2 : i32
          %add3A_136 = arith.addi %add3A_134, %add3A_135 : i32
          %dma_start3A_137 = arith.constant 0 : i32
          %dma_start3A_138 = tpu.memref_slice %arg9[%add3A_136, %dma_start3A_137] : memref<40x128xi32, #tpu.memory_space<vmem>> -> memref<1x128xi32, #tpu.memory_space<vmem>>
          %dma_start3A_139 = tpu.memref_squeeze %dma_start3A_138 : memref<1x128xi32, #tpu.memory_space<vmem>> -> memref<128xi32, #tpu.memory_space<vmem>>
          %dma_start3A_140 = arith.constant 0 : i32
          %dma_start3A_141 = arith.constant 0 : i32
          %dma_start3A_142 = tpu.memref_slice %arg2[%dma_start3A_140, %dma_start3A_141] : memref<10016x128xf32, #tpu.memory_space<hbm>> -> memref<10016x128xf32, #tpu.memory_space<hbm>>
          tpu.enqueue_indirect_dma source(%dma_start3A_142 : memref<10016x128xf32, #tpu.memory_space<hbm>>) target(%arg12 : memref<128x128xf32, #tpu.memory_space<vmem>>) offsets(%dma_start3A_139 : memref<128xi32, #tpu.memory_space<vmem>>) semaphore(%arg15 : memref<!tpu.dma_semaphore, #tpu.memory_space<semaphore_mem>>)
        } else {
        }
      }
      %scan3A_26 = arith.constant 20 : i32
      "tpu.region"() ({
        %run_scoped3A = tpu.sem_alloc : memref<!tpu.dma_semaphore, #tpu.memory_space<semaphore_mem>>
        %dma_start3A_65 = arith.constant 0 : i32
        %dma_start3A_66 = arith.constant 0 : i32
        %dma_start3A_67 = tpu.memref_slice %arg9[%dma_start3A_65, %dma_start3A_66] : memref<40x128xi32, #tpu.memory_space<vmem>> -> memref<40x128xi32, #tpu.memory_space<vmem>>
        %dma_start3A_68 = arith.constant 40 : i32
        %dma_start3A_69 = arith.constant 0 : i32
        %dma_start3A_70 = tpu.memref_slice %arg3[%arg1, %dma_start3A_68, %dma_start3A_69] : memref<16x120x128xi32, #tpu.memory_space<hbm>> -> memref<1x40x128xi32, #tpu.memory_space<hbm>>
        %dma_start3A_71 = tpu.memref_squeeze %dma_start3A_70 : memref<1x40x128xi32, #tpu.memory_space<hbm>> -> memref<40x128xi32, #tpu.memory_space<hbm>>
        %dma_start3A_72 = arith.constant 0 : i32
        %dma_start3A_73 = arith.constant 0 : i32
        %dma_start3A_74 = tpu.memref_slice %arg9[%dma_start3A_72, %dma_start3A_73] : memref<40x128xi32, #tpu.memory_space<vmem>> -> memref<40x128xi32, #tpu.memory_space<vmem>>
        %dma_start3A_75 = arith.constant 40 : i32
        %dma_start3A_76 = arith.constant 0 : i32
        %dma_start3A_77 = tpu.memref_slice %arg3[%arg1, %dma_start3A_75, %dma_start3A_76] : memref<16x120x128xi32, #tpu.memory_space<hbm>> -> memref<1x40x128xi32, #tpu.memory_space<hbm>>
        %dma_start3A_78 = tpu.memref_squeeze %dma_start3A_77 : memref<1x40x128xi32, #tpu.memory_space<hbm>> -> memref<40x128xi32, #tpu.memory_space<hbm>>
        tpu.enqueue_dma source(%dma_start3A_78 : memref<40x128xi32, #tpu.memory_space<hbm>>) target(%dma_start3A_74 : memref<40x128xi32, #tpu.memory_space<vmem>>) target_semaphore(%run_scoped3A : memref<!tpu.dma_semaphore, #tpu.memory_space<semaphore_mem>>)
        %dma_wait3A = arith.constant 0 : i32
        %dma_wait3A_79 = arith.constant 0 : i32
        %dma_wait3A_80 = tpu.memref_slice %arg9[%dma_wait3A, %dma_wait3A_79] : memref<40x128xi32, #tpu.memory_space<vmem>> -> memref<40x128xi32, #tpu.memory_space<vmem>>
        %dma_wait3A_81 = arith.constant 40 : i32
        %dma_wait3A_82 = arith.constant 0 : i32
        %dma_wait3A_83 = tpu.memref_slice %arg3[%arg1, %dma_wait3A_81, %dma_wait3A_82] : memref<16x120x128xi32, #tpu.memory_space<hbm>> -> memref<1x40x128xi32, #tpu.memory_space<hbm>>
        %dma_wait3A_84 = tpu.memref_squeeze %dma_wait3A_83 : memref<1x40x128xi32, #tpu.memory_space<hbm>> -> memref<40x128xi32, #tpu.memory_space<hbm>>
        %dma_wait3A_85 = arith.constant 0 : i32
        %dma_wait3A_86 = arith.constant 0 : i32
        %dma_wait3A_87 = tpu.memref_slice %arg9[%dma_wait3A_85, %dma_wait3A_86] : memref<40x128xi32, #tpu.memory_space<vmem>> -> memref<40x128xi32, #tpu.memory_space<vmem>>
        %dma_wait3A_88 = arith.constant 40 : i32
        %dma_wait3A_89 = arith.constant 0 : i32
        %dma_wait3A_90 = tpu.memref_slice %arg3[%arg1, %dma_wait3A_88, %dma_wait3A_89] : memref<16x120x128xi32, #tpu.memory_space<hbm>> -> memref<1x40x128xi32, #tpu.memory_space<hbm>>
        %dma_wait3A_91 = tpu.memref_squeeze %dma_wait3A_90 : memref<1x40x128xi32, #tpu.memory_space<hbm>> -> memref<40x128xi32, #tpu.memory_space<hbm>>
        tpu.wait_dma2 semaphore(%run_scoped3A : memref<!tpu.dma_semaphore, #tpu.memory_space<semaphore_mem>>) src(%dma_wait3A_91 : memref<40x128xi32, #tpu.memory_space<hbm>>) dst(%dma_wait3A_87 : memref<40x128xi32, #tpu.memory_space<vmem>>)
        tpu.yield
      }) : () -> ()
      "tpu.region"() ({
        %run_scoped3A = tpu.sem_alloc : memref<!tpu.dma_semaphore, #tpu.memory_space<semaphore_mem>>
        %dma_start3A_65 = arith.constant 0 : i32
        %dma_start3A_66 = arith.constant 0 : i32
        %dma_start3A_67 = tpu.memref_slice %arg10[%dma_start3A_65, %dma_start3A_66] : memref<40x128xi32, #tpu.memory_space<vmem>> -> memref<40x128xi32, #tpu.memory_space<vmem>>
        %dma_start3A_68 = arith.constant 40 : i32
        %dma_start3A_69 = arith.constant 0 : i32
        %dma_start3A_70 = tpu.memref_slice %arg4[%arg1, %dma_start3A_68, %dma_start3A_69] : memref<16x120x128xi32, #tpu.memory_space<hbm>> -> memref<1x40x128xi32, #tpu.memory_space<hbm>>
        %dma_start3A_71 = tpu.memref_squeeze %dma_start3A_70 : memref<1x40x128xi32, #tpu.memory_space<hbm>> -> memref<40x128xi32, #tpu.memory_space<hbm>>
        %dma_start3A_72 = arith.constant 0 : i32
        %dma_start3A_73 = arith.constant 0 : i32
        %dma_start3A_74 = tpu.memref_slice %arg10[%dma_start3A_72, %dma_start3A_73] : memref<40x128xi32, #tpu.memory_space<vmem>> -> memref<40x128xi32, #tpu.memory_space<vmem>>
        %dma_start3A_75 = arith.constant 40 : i32
        %dma_start3A_76 = arith.constant 0 : i32
        %dma_start3A_77 = tpu.memref_slice %arg4[%arg1, %dma_start3A_75, %dma_start3A_76] : memref<16x120x128xi32, #tpu.memory_space<hbm>> -> memref<1x40x128xi32, #tpu.memory_space<hbm>>
        %dma_start3A_78 = tpu.memref_squeeze %dma_start3A_77 : memref<1x40x128xi32, #tpu.memory_space<hbm>> -> memref<40x128xi32, #tpu.memory_space<hbm>>
        tpu.enqueue_dma source(%dma_start3A_78 : memref<40x128xi32, #tpu.memory_space<hbm>>) target(%dma_start3A_74 : memref<40x128xi32, #tpu.memory_space<vmem>>) target_semaphore(%run_scoped3A : memref<!tpu.dma_semaphore, #tpu.memory_space<semaphore_mem>>)
        %dma_wait3A = arith.constant 0 : i32
        %dma_wait3A_79 = arith.constant 0 : i32
        %dma_wait3A_80 = tpu.memref_slice %arg10[%dma_wait3A, %dma_wait3A_79] : memref<40x128xi32, #tpu.memory_space<vmem>> -> memref<40x128xi32, #tpu.memory_space<vmem>>
        %dma_wait3A_81 = arith.constant 40 : i32
        %dma_wait3A_82 = arith.constant 0 : i32
        %dma_wait3A_83 = tpu.memref_slice %arg4[%arg1, %dma_wait3A_81, %dma_wait3A_82] : memref<16x120x128xi32, #tpu.memory_space<hbm>> -> memref<1x40x128xi32, #tpu.memory_space<hbm>>
        %dma_wait3A_84 = tpu.memref_squeeze %dma_wait3A_83 : memref<1x40x128xi32, #tpu.memory_space<hbm>> -> memref<40x128xi32, #tpu.memory_space<hbm>>
        %dma_wait3A_85 = arith.constant 0 : i32
        %dma_wait3A_86 = arith.constant 0 : i32
        %dma_wait3A_87 = tpu.memref_slice %arg10[%dma_wait3A_85, %dma_wait3A_86] : memref<40x128xi32, #tpu.memory_space<vmem>> -> memref<40x128xi32, #tpu.memory_space<vmem>>
        %dma_wait3A_88 = arith.constant 40 : i32
        %dma_wait3A_89 = arith.constant 0 : i32
        %dma_wait3A_90 = tpu.memref_slice %arg4[%arg1, %dma_wait3A_88, %dma_wait3A_89] : memref<16x120x128xi32, #tpu.memory_space<hbm>> -> memref<1x40x128xi32, #tpu.memory_space<hbm>>
        %dma_wait3A_91 = tpu.memref_squeeze %dma_wait3A_90 : memref<1x40x128xi32, #tpu.memory_space<hbm>> -> memref<40x128xi32, #tpu.memory_space<hbm>>
        tpu.wait_dma2 semaphore(%run_scoped3A : memref<!tpu.dma_semaphore, #tpu.memory_space<semaphore_mem>>) src(%dma_wait3A_91 : memref<40x128xi32, #tpu.memory_space<hbm>>) dst(%dma_wait3A_87 : memref<40x128xi32, #tpu.memory_space<vmem>>)
        tpu.yield
      }) : () -> ()
      %dma_start3A_27 = arith.constant 0 : i32
      %dma_start3A_28 = arith.constant 0 : i32
      %dma_start3A_29 = tpu.memref_slice %arg9[%dma_start3A_27, %dma_start3A_28] : memref<40x128xi32, #tpu.memory_space<vmem>> -> memref<1x128xi32, #tpu.memory_space<vmem>>
      %dma_start3A_30 = tpu.memref_squeeze %dma_start3A_29 : memref<1x128xi32, #tpu.memory_space<vmem>> -> memref<128xi32, #tpu.memory_space<vmem>>
      %dma_start3A_31 = arith.constant 0 : i32
      %dma_start3A_32 = arith.constant 0 : i32
      %dma_start3A_33 = tpu.memref_slice %arg2[%dma_start3A_31, %dma_start3A_32] : memref<10016x128xf32, #tpu.memory_space<hbm>> -> memref<10016x128xf32, #tpu.memory_space<hbm>>
      tpu.enqueue_indirect_dma source(%dma_start3A_33 : memref<10016x128xf32, #tpu.memory_space<hbm>>) target(%arg11 : memref<128x128xf32, #tpu.memory_space<vmem>>) offsets(%dma_start3A_30 : memref<128xi32, #tpu.memory_space<vmem>>) semaphore(%arg14 : memref<!tpu.dma_semaphore, #tpu.memory_space<semaphore_mem>>)
      %dma_start3A_34 = arith.constant 1 : i32
      %dma_start3A_35 = arith.constant 0 : i32
      %dma_start3A_36 = tpu.memref_slice %arg9[%dma_start3A_34, %dma_start3A_35] : memref<40x128xi32, #tpu.memory_space<vmem>> -> memref<1x128xi32, #tpu.memory_space<vmem>>
      %dma_start3A_37 = tpu.memref_squeeze %dma_start3A_36 : memref<1x128xi32, #tpu.memory_space<vmem>> -> memref<128xi32, #tpu.memory_space<vmem>>
      %dma_start3A_38 = arith.constant 0 : i32
      %dma_start3A_39 = arith.constant 0 : i32
      %dma_start3A_40 = tpu.memref_slice %arg2[%dma_start3A_38, %dma_start3A_39] : memref<10016x128xf32, #tpu.memory_space<hbm>> -> memref<10016x128xf32, #tpu.memory_space<hbm>>
      tpu.enqueue_indirect_dma source(%dma_start3A_40 : memref<10016x128xf32, #tpu.memory_space<hbm>>) target(%arg12 : memref<128x128xf32, #tpu.memory_space<vmem>>) offsets(%dma_start3A_37 : memref<128xi32, #tpu.memory_space<vmem>>) semaphore(%arg15 : memref<!tpu.dma_semaphore, #tpu.memory_space<semaphore_mem>>)
      %scan3A_41 = arith.constant 0 : i32
      %scan3A_42 = arith.constant 20 : i32
      %scan3A_43 = arith.addi %scan3A_41, %scan3A_42 : i32
      %scan3A_44 = arith.constant 1 : i32
      scf.for %scan3A_65 = %scan3A_41 to %scan3A_43 step %scan3A_44  : i32 {
        %mul3A_66 = arith.constant 2 : i32
        %mul3A_67 = arith.muli %scan3A_65, %mul3A_66 : i32
        %add3A = arith.constant 0 : i32
        %add3A_68 = arith.addi %add3A, %mul3A_67 : i32
        %add3A_69 = arith.constant 0 : i32
        %add3A_70 = arith.addi %add3A_68, %add3A_69 : i32
        %dma_wait3A = arith.constant 0 : i32
        %dma_wait3A_71 = tpu.memref_slice %arg9[%add3A_70, %dma_wait3A] : memref<40x128xi32, #tpu.memory_space<vmem>> -> memref<1x128xi32, #tpu.memory_space<vmem>>
        %dma_wait3A_72 = tpu.memref_squeeze %dma_wait3A_71 : memref<1x128xi32, #tpu.memory_space<vmem>> -> memref<128xi32, #tpu.memory_space<vmem>>
        %dma_wait3A_73 = arith.constant 0 : i32
        %dma_wait3A_74 = arith.constant 0 : i32
        %dma_wait3A_75 = tpu.memref_slice %arg2[%dma_wait3A_73, %dma_wait3A_74] : memref<10016x128xf32, #tpu.memory_space<hbm>> -> memref<10016x128xf32, #tpu.memory_space<hbm>>
        tpu.wait_indirect_dma semaphore(%arg14 : memref<!tpu.dma_semaphore, #tpu.memory_space<semaphore_mem>>) src(%dma_wait3A_75 : memref<10016x128xf32, #tpu.memory_space<hbm>>) dst(%arg11 : memref<128x128xf32, #tpu.memory_space<vmem>>)
        %add3A_76 = arith.constant 0 : i32
        %add3A_77 = arith.addi %add3A_68, %add3A_76 : i32
        %dma_start3A_78 = arith.constant 0 : i32
        %dma_start3A_79 = tpu.memref_slice %arg10[%add3A_77, %dma_start3A_78] : memref<40x128xi32, #tpu.memory_space<vmem>> -> memref<1x128xi32, #tpu.memory_space<vmem>>
        %dma_start3A_80 = tpu.memref_squeeze %dma_start3A_79 : memref<1x128xi32, #tpu.memory_space<vmem>> -> memref<128xi32, #tpu.memory_space<vmem>>
        %dma_start3A_81 = arith.constant 0 : i32
        %dma_start3A_82 = arith.constant 0 : i32
        %dma_start3A_83 = tpu.memref_slice %arg13[%dma_start3A_81, %dma_start3A_82] : memref<10112x128xf32, #tpu.memory_space<vmem_shared>> -> memref<10112x128xf32, #tpu.memory_space<vmem_shared>>
        tpu.enqueue_indirect_dma source(%arg11 : memref<128x128xf32, #tpu.memory_space<vmem>>) target(%dma_start3A_83 : memref<10112x128xf32, #tpu.memory_space<vmem_shared>>) offsets(%dma_start3A_80 : memref<128xi32, #tpu.memory_space<vmem>>) semaphore(%arg16 : memref<!tpu.dma_semaphore, #tpu.memory_space<semaphore_mem>>) {add = true}
        %add3A_84 = arith.constant 1 : i32
        %add3A_85 = arith.addi %add3A_68, %add3A_84 : i32
        %dma_wait3A_86 = arith.constant 0 : i32
        %dma_wait3A_87 = tpu.memref_slice %arg9[%add3A_85, %dma_wait3A_86] : memref<40x128xi32, #tpu.memory_space<vmem>> -> memref<1x128xi32, #tpu.memory_space<vmem>>
        %dma_wait3A_88 = tpu.memref_squeeze %dma_wait3A_87 : memref<1x128xi32, #tpu.memory_space<vmem>> -> memref<128xi32, #tpu.memory_space<vmem>>
        %dma_wait3A_89 = arith.constant 0 : i32
        %dma_wait3A_90 = arith.constant 0 : i32
        %dma_wait3A_91 = tpu.memref_slice %arg2[%dma_wait3A_89, %dma_wait3A_90] : memref<10016x128xf32, #tpu.memory_space<hbm>> -> memref<10016x128xf32, #tpu.memory_space<hbm>>
        tpu.wait_indirect_dma semaphore(%arg15 : memref<!tpu.dma_semaphore, #tpu.memory_space<semaphore_mem>>) src(%dma_wait3A_91 : memref<10016x128xf32, #tpu.memory_space<hbm>>) dst(%arg12 : memref<128x128xf32, #tpu.memory_space<vmem>>)
        %add3A_92 = arith.constant 1 : i32
        %add3A_93 = arith.addi %add3A_68, %add3A_92 : i32
        %dma_start3A_94 = arith.constant 0 : i32
        %dma_start3A_95 = tpu.memref_slice %arg10[%add3A_93, %dma_start3A_94] : memref<40x128xi32, #tpu.memory_space<vmem>> -> memref<1x128xi32, #tpu.memory_space<vmem>>
        %dma_start3A_96 = tpu.memref_squeeze %dma_start3A_95 : memref<1x128xi32, #tpu.memory_space<vmem>> -> memref<128xi32, #tpu.memory_space<vmem>>
        %dma_start3A_97 = arith.constant 0 : i32
        %dma_start3A_98 = arith.constant 0 : i32
        %dma_start3A_99 = tpu.memref_slice %arg13[%dma_start3A_97, %dma_start3A_98] : memref<10112x128xf32, #tpu.memory_space<vmem_shared>> -> memref<10112x128xf32, #tpu.memory_space<vmem_shared>>
        tpu.enqueue_indirect_dma source(%arg12 : memref<128x128xf32, #tpu.memory_space<vmem>>) target(%dma_start3A_99 : memref<10112x128xf32, #tpu.memory_space<vmem_shared>>) offsets(%dma_start3A_96 : memref<128xi32, #tpu.memory_space<vmem>>) semaphore(%arg17 : memref<!tpu.dma_semaphore, #tpu.memory_space<semaphore_mem>>) {add = true}
        %add3A_100 = arith.constant 0 : i32
        %add3A_101 = arith.addi %add3A_68, %add3A_100 : i32
        %dma_wait3A_102 = arith.constant 0 : i32
        %dma_wait3A_103 = tpu.memref_slice %arg10[%add3A_101, %dma_wait3A_102] : memref<40x128xi32, #tpu.memory_space<vmem>> -> memref<1x128xi32, #tpu.memory_space<vmem>>
        %dma_wait3A_104 = tpu.memref_squeeze %dma_wait3A_103 : memref<1x128xi32, #tpu.memory_space<vmem>> -> memref<128xi32, #tpu.memory_space<vmem>>
        %dma_wait3A_105 = arith.constant 0 : i32
        %dma_wait3A_106 = arith.constant 0 : i32
        %dma_wait3A_107 = tpu.memref_slice %arg13[%dma_wait3A_105, %dma_wait3A_106] : memref<10112x128xf32, #tpu.memory_space<vmem_shared>> -> memref<10112x128xf32, #tpu.memory_space<vmem_shared>>
        tpu.wait_indirect_dma semaphore(%arg16 : memref<!tpu.dma_semaphore, #tpu.memory_space<semaphore_mem>>) src(%arg11 : memref<128x128xf32, #tpu.memory_space<vmem>>) dst(%dma_wait3A_107 : memref<10112x128xf32, #tpu.memory_space<vmem_shared>>)
        %add3A_108 = arith.constant 0 : i32
        %add3A_109 = arith.addi %add3A_68, %add3A_108 : i32
        %add3A_110 = arith.constant 2 : i32
        %add3A_111 = arith.addi %add3A_109, %add3A_110 : i32
        %lt3A = arith.constant 40 : i32
        %lt3A_112 = arith.cmpi slt, %add3A_111, %lt3A : i32
        %convert_element_type3A_113 = arith.extui %lt3A_112 : i1 to i32
        %cond3A_114 = arith.constant 0 : i32
        %cond3A_115 = arith.cmpi ne, %convert_element_type3A_113, %cond3A_114 : i32
        scf.if %cond3A_115 {
          %add3A_133 = arith.constant 0 : i32
          %add3A_134 = arith.addi %add3A_68, %add3A_133 : i32
          %add3A_135 = arith.constant 2 : i32
          %add3A_136 = arith.addi %add3A_134, %add3A_135 : i32
          %dma_start3A_137 = arith.constant 0 : i32
          %dma_start3A_138 = tpu.memref_slice %arg9[%add3A_136, %dma_start3A_137] : memref<40x128xi32, #tpu.memory_space<vmem>> -> memref<1x128xi32, #tpu.memory_space<vmem>>
          %dma_start3A_139 = tpu.memref_squeeze %dma_start3A_138 : memref<1x128xi32, #tpu.memory_space<vmem>> -> memref<128xi32, #tpu.memory_space<vmem>>
          %dma_start3A_140 = arith.constant 0 : i32
          %dma_start3A_141 = arith.constant 0 : i32
          %dma_start3A_142 = tpu.memref_slice %arg2[%dma_start3A_140, %dma_start3A_141] : memref<10016x128xf32, #tpu.memory_space<hbm>> -> memref<10016x128xf32, #tpu.memory_space<hbm>>
          tpu.enqueue_indirect_dma source(%dma_start3A_142 : memref<10016x128xf32, #tpu.memory_space<hbm>>) target(%arg11 : memref<128x128xf32, #tpu.memory_space<vmem>>) offsets(%dma_start3A_139 : memref<128xi32, #tpu.memory_space<vmem>>) semaphore(%arg14 : memref<!tpu.dma_semaphore, #tpu.memory_space<semaphore_mem>>)
        } else {
        }
        %add3A_116 = arith.constant 1 : i32
        %add3A_117 = arith.addi %add3A_68, %add3A_116 : i32
        %dma_wait3A_118 = arith.constant 0 : i32
        %dma_wait3A_119 = tpu.memref_slice %arg10[%add3A_117, %dma_wait3A_118] : memref<40x128xi32, #tpu.memory_space<vmem>> -> memref<1x128xi32, #tpu.memory_space<vmem>>
        %dma_wait3A_120 = tpu.memref_squeeze %dma_wait3A_119 : memref<1x128xi32, #tpu.memory_space<vmem>> -> memref<128xi32, #tpu.memory_space<vmem>>
        %dma_wait3A_121 = arith.constant 0 : i32
        %dma_wait3A_122 = arith.constant 0 : i32
        %dma_wait3A_123 = tpu.memref_slice %arg13[%dma_wait3A_121, %dma_wait3A_122] : memref<10112x128xf32, #tpu.memory_space<vmem_shared>> -> memref<10112x128xf32, #tpu.memory_space<vmem_shared>>
        tpu.wait_indirect_dma semaphore(%arg17 : memref<!tpu.dma_semaphore, #tpu.memory_space<semaphore_mem>>) src(%arg12 : memref<128x128xf32, #tpu.memory_space<vmem>>) dst(%dma_wait3A_123 : memref<10112x128xf32, #tpu.memory_space<vmem_shared>>)
        %add3A_124 = arith.constant 1 : i32
        %add3A_125 = arith.addi %add3A_68, %add3A_124 : i32
        %add3A_126 = arith.constant 2 : i32
        %add3A_127 = arith.addi %add3A_125, %add3A_126 : i32
        %lt3A_128 = arith.constant 40 : i32
        %lt3A_129 = arith.cmpi slt, %add3A_127, %lt3A_128 : i32
        %convert_element_type3A_130 = arith.extui %lt3A_129 : i1 to i32
        %cond3A_131 = arith.constant 0 : i32
        %cond3A_132 = arith.cmpi ne, %convert_element_type3A_130, %cond3A_131 : i32
        scf.if %cond3A_132 {
          %add3A_133 = arith.constant 1 : i32
          %add3A_134 = arith.addi %add3A_68, %add3A_133 : i32
          %add3A_135 = arith.constant 2 : i32
          %add3A_136 = arith.addi %add3A_134, %add3A_135 : i32
          %dma_start3A_137 = arith.constant 0 : i32
          %dma_start3A_138 = tpu.memref_slice %arg9[%add3A_136, %dma_start3A_137] : memref<40x128xi32, #tpu.memory_space<vmem>> -> memref<1x128xi32, #tpu.memory_space<vmem>>
          %dma_start3A_139 = tpu.memref_squeeze %dma_start3A_138 : memref<1x128xi32, #tpu.memory_space<vmem>> -> memref<128xi32, #tpu.memory_space<vmem>>
          %dma_start3A_140 = arith.constant 0 : i32
          %dma_start3A_141 = arith.constant 0 : i32
          %dma_start3A_142 = tpu.memref_slice %arg2[%dma_start3A_140, %dma_start3A_141] : memref<10016x128xf32, #tpu.memory_space<hbm>> -> memref<10016x128xf32, #tpu.memory_space<hbm>>
          tpu.enqueue_indirect_dma source(%dma_start3A_142 : memref<10016x128xf32, #tpu.memory_space<hbm>>) target(%arg12 : memref<128x128xf32, #tpu.memory_space<vmem>>) offsets(%dma_start3A_139 : memref<128xi32, #tpu.memory_space<vmem>>) semaphore(%arg15 : memref<!tpu.dma_semaphore, #tpu.memory_space<semaphore_mem>>)
        } else {
        }
      }
      %scan3A_45 = arith.constant 20 : i32
      "tpu.region"() ({
        %run_scoped3A = tpu.sem_alloc : memref<!tpu.dma_semaphore, #tpu.memory_space<semaphore_mem>>
        %dma_start3A_65 = arith.constant 0 : i32
        %dma_start3A_66 = arith.constant 0 : i32
        %dma_start3A_67 = tpu.memref_slice %arg9[%dma_start3A_65, %dma_start3A_66] : memref<40x128xi32, #tpu.memory_space<vmem>> -> memref<40x128xi32, #tpu.memory_space<vmem>>
        %dma_start3A_68 = arith.constant 80 : i32
        %dma_start3A_69 = arith.constant 0 : i32
        %dma_start3A_70 = tpu.memref_slice %arg3[%arg1, %dma_start3A_68, %dma_start3A_69] : memref<16x120x128xi32, #tpu.memory_space<hbm>> -> memref<1x40x128xi32, #tpu.memory_space<hbm>>
        %dma_start3A_71 = tpu.memref_squeeze %dma_start3A_70 : memref<1x40x128xi32, #tpu.memory_space<hbm>> -> memref<40x128xi32, #tpu.memory_space<hbm>>
        %dma_start3A_72 = arith.constant 0 : i32
        %dma_start3A_73 = arith.constant 0 : i32
        %dma_start3A_74 = tpu.memref_slice %arg9[%dma_start3A_72, %dma_start3A_73] : memref<40x128xi32, #tpu.memory_space<vmem>> -> memref<40x128xi32, #tpu.memory_space<vmem>>
        %dma_start3A_75 = arith.constant 80 : i32
        %dma_start3A_76 = arith.constant 0 : i32
        %dma_start3A_77 = tpu.memref_slice %arg3[%arg1, %dma_start3A_75, %dma_start3A_76] : memref<16x120x128xi32, #tpu.memory_space<hbm>> -> memref<1x40x128xi32, #tpu.memory_space<hbm>>
        %dma_start3A_78 = tpu.memref_squeeze %dma_start3A_77 : memref<1x40x128xi32, #tpu.memory_space<hbm>> -> memref<40x128xi32, #tpu.memory_space<hbm>>
        tpu.enqueue_dma source(%dma_start3A_78 : memref<40x128xi32, #tpu.memory_space<hbm>>) target(%dma_start3A_74 : memref<40x128xi32, #tpu.memory_space<vmem>>) target_semaphore(%run_scoped3A : memref<!tpu.dma_semaphore, #tpu.memory_space<semaphore_mem>>)
        %dma_wait3A = arith.constant 0 : i32
        %dma_wait3A_79 = arith.constant 0 : i32
        %dma_wait3A_80 = tpu.memref_slice %arg9[%dma_wait3A, %dma_wait3A_79] : memref<40x128xi32, #tpu.memory_space<vmem>> -> memref<40x128xi32, #tpu.memory_space<vmem>>
        %dma_wait3A_81 = arith.constant 80 : i32
        %dma_wait3A_82 = arith.constant 0 : i32
        %dma_wait3A_83 = tpu.memref_slice %arg3[%arg1, %dma_wait3A_81, %dma_wait3A_82] : memref<16x120x128xi32, #tpu.memory_space<hbm>> -> memref<1x40x128xi32, #tpu.memory_space<hbm>>
        %dma_wait3A_84 = tpu.memref_squeeze %dma_wait3A_83 : memref<1x40x128xi32, #tpu.memory_space<hbm>> -> memref<40x128xi32, #tpu.memory_space<hbm>>
        %dma_wait3A_85 = arith.constant 0 : i32
        %dma_wait3A_86 = arith.constant 0 : i32
        %dma_wait3A_87 = tpu.memref_slice %arg9[%dma_wait3A_85, %dma_wait3A_86] : memref<40x128xi32, #tpu.memory_space<vmem>> -> memref<40x128xi32, #tpu.memory_space<vmem>>
        %dma_wait3A_88 = arith.constant 80 : i32
        %dma_wait3A_89 = arith.constant 0 : i32
        %dma_wait3A_90 = tpu.memref_slice %arg3[%arg1, %dma_wait3A_88, %dma_wait3A_89] : memref<16x120x128xi32, #tpu.memory_space<hbm>> -> memref<1x40x128xi32, #tpu.memory_space<hbm>>
        %dma_wait3A_91 = tpu.memref_squeeze %dma_wait3A_90 : memref<1x40x128xi32, #tpu.memory_space<hbm>> -> memref<40x128xi32, #tpu.memory_space<hbm>>
        tpu.wait_dma2 semaphore(%run_scoped3A : memref<!tpu.dma_semaphore, #tpu.memory_space<semaphore_mem>>) src(%dma_wait3A_91 : memref<40x128xi32, #tpu.memory_space<hbm>>) dst(%dma_wait3A_87 : memref<40x128xi32, #tpu.memory_space<vmem>>)
        tpu.yield
      }) : () -> ()
      "tpu.region"() ({
        %run_scoped3A = tpu.sem_alloc : memref<!tpu.dma_semaphore, #tpu.memory_space<semaphore_mem>>
        %dma_start3A_65 = arith.constant 0 : i32
        %dma_start3A_66 = arith.constant 0 : i32
        %dma_start3A_67 = tpu.memref_slice %arg10[%dma_start3A_65, %dma_start3A_66] : memref<40x128xi32, #tpu.memory_space<vmem>> -> memref<40x128xi32, #tpu.memory_space<vmem>>
        %dma_start3A_68 = arith.constant 80 : i32
        %dma_start3A_69 = arith.constant 0 : i32
        %dma_start3A_70 = tpu.memref_slice %arg4[%arg1, %dma_start3A_68, %dma_start3A_69] : memref<16x120x128xi32, #tpu.memory_space<hbm>> -> memref<1x40x128xi32, #tpu.memory_space<hbm>>
        %dma_start3A_71 = tpu.memref_squeeze %dma_start3A_70 : memref<1x40x128xi32, #tpu.memory_space<hbm>> -> memref<40x128xi32, #tpu.memory_space<hbm>>
        %dma_start3A_72 = arith.constant 0 : i32
        %dma_start3A_73 = arith.constant 0 : i32
        %dma_start3A_74 = tpu.memref_slice %arg10[%dma_start3A_72, %dma_start3A_73] : memref<40x128xi32, #tpu.memory_space<vmem>> -> memref<40x128xi32, #tpu.memory_space<vmem>>
        %dma_start3A_75 = arith.constant 80 : i32
        %dma_start3A_76 = arith.constant 0 : i32
        %dma_start3A_77 = tpu.memref_slice %arg4[%arg1, %dma_start3A_75, %dma_start3A_76] : memref<16x120x128xi32, #tpu.memory_space<hbm>> -> memref<1x40x128xi32, #tpu.memory_space<hbm>>
        %dma_start3A_78 = tpu.memref_squeeze %dma_start3A_77 : memref<1x40x128xi32, #tpu.memory_space<hbm>> -> memref<40x128xi32, #tpu.memory_space<hbm>>
        tpu.enqueue_dma source(%dma_start3A_78 : memref<40x128xi32, #tpu.memory_space<hbm>>) target(%dma_start3A_74 : memref<40x128xi32, #tpu.memory_space<vmem>>) target_semaphore(%run_scoped3A : memref<!tpu.dma_semaphore, #tpu.memory_space<semaphore_mem>>)
        %dma_wait3A = arith.constant 0 : i32
        %dma_wait3A_79 = arith.constant 0 : i32
        %dma_wait3A_80 = tpu.memref_slice %arg10[%dma_wait3A, %dma_wait3A_79] : memref<40x128xi32, #tpu.memory_space<vmem>> -> memref<40x128xi32, #tpu.memory_space<vmem>>
        %dma_wait3A_81 = arith.constant 80 : i32
        %dma_wait3A_82 = arith.constant 0 : i32
        %dma_wait3A_83 = tpu.memref_slice %arg4[%arg1, %dma_wait3A_81, %dma_wait3A_82] : memref<16x120x128xi32, #tpu.memory_space<hbm>> -> memref<1x40x128xi32, #tpu.memory_space<hbm>>
        %dma_wait3A_84 = tpu.memref_squeeze %dma_wait3A_83 : memref<1x40x128xi32, #tpu.memory_space<hbm>> -> memref<40x128xi32, #tpu.memory_space<hbm>>
        %dma_wait3A_85 = arith.constant 0 : i32
        %dma_wait3A_86 = arith.constant 0 : i32
        %dma_wait3A_87 = tpu.memref_slice %arg10[%dma_wait3A_85, %dma_wait3A_86] : memref<40x128xi32, #tpu.memory_space<vmem>> -> memref<40x128xi32, #tpu.memory_space<vmem>>
        %dma_wait3A_88 = arith.constant 80 : i32
        %dma_wait3A_89 = arith.constant 0 : i32
        %dma_wait3A_90 = tpu.memref_slice %arg4[%arg1, %dma_wait3A_88, %dma_wait3A_89] : memref<16x120x128xi32, #tpu.memory_space<hbm>> -> memref<1x40x128xi32, #tpu.memory_space<hbm>>
        %dma_wait3A_91 = tpu.memref_squeeze %dma_wait3A_90 : memref<1x40x128xi32, #tpu.memory_space<hbm>> -> memref<40x128xi32, #tpu.memory_space<hbm>>
        tpu.wait_dma2 semaphore(%run_scoped3A : memref<!tpu.dma_semaphore, #tpu.memory_space<semaphore_mem>>) src(%dma_wait3A_91 : memref<40x128xi32, #tpu.memory_space<hbm>>) dst(%dma_wait3A_87 : memref<40x128xi32, #tpu.memory_space<vmem>>)
        tpu.yield
      }) : () -> ()
      %dma_start3A_46 = arith.constant 0 : i32
      %dma_start3A_47 = arith.constant 0 : i32
      %dma_start3A_48 = tpu.memref_slice %arg9[%dma_start3A_46, %dma_start3A_47] : memref<40x128xi32, #tpu.memory_space<vmem>> -> memref<1x128xi32, #tpu.memory_space<vmem>>
      %dma_start3A_49 = tpu.memref_squeeze %dma_start3A_48 : memref<1x128xi32, #tpu.memory_space<vmem>> -> memref<128xi32, #tpu.memory_space<vmem>>
      %dma_start3A_50 = arith.constant 0 : i32
      %dma_start3A_51 = arith.constant 0 : i32
      %dma_start3A_52 = tpu.memref_slice %arg2[%dma_start3A_50, %dma_start3A_51] : memref<10016x128xf32, #tpu.memory_space<hbm>> -> memref<10016x128xf32, #tpu.memory_space<hbm>>
      tpu.enqueue_indirect_dma source(%dma_start3A_52 : memref<10016x128xf32, #tpu.memory_space<hbm>>) target(%arg11 : memref<128x128xf32, #tpu.memory_space<vmem>>) offsets(%dma_start3A_49 : memref<128xi32, #tpu.memory_space<vmem>>) semaphore(%arg14 : memref<!tpu.dma_semaphore, #tpu.memory_space<semaphore_mem>>)
      %dma_start3A_53 = arith.constant 1 : i32
      %dma_start3A_54 = arith.constant 0 : i32
      %dma_start3A_55 = tpu.memref_slice %arg9[%dma_start3A_53, %dma_start3A_54] : memref<40x128xi32, #tpu.memory_space<vmem>> -> memref<1x128xi32, #tpu.memory_space<vmem>>
      %dma_start3A_56 = tpu.memref_squeeze %dma_start3A_55 : memref<1x128xi32, #tpu.memory_space<vmem>> -> memref<128xi32, #tpu.memory_space<vmem>>
      %dma_start3A_57 = arith.constant 0 : i32
      %dma_start3A_58 = arith.constant 0 : i32
      %dma_start3A_59 = tpu.memref_slice %arg2[%dma_start3A_57, %dma_start3A_58] : memref<10016x128xf32, #tpu.memory_space<hbm>> -> memref<10016x128xf32, #tpu.memory_space<hbm>>
      tpu.enqueue_indirect_dma source(%dma_start3A_59 : memref<10016x128xf32, #tpu.memory_space<hbm>>) target(%arg12 : memref<128x128xf32, #tpu.memory_space<vmem>>) offsets(%dma_start3A_56 : memref<128xi32, #tpu.memory_space<vmem>>) semaphore(%arg15 : memref<!tpu.dma_semaphore, #tpu.memory_space<semaphore_mem>>)
      %scan3A_60 = arith.constant 0 : i32
      %scan3A_61 = arith.constant 20 : i32
      %scan3A_62 = arith.addi %scan3A_60, %scan3A_61 : i32
      %scan3A_63 = arith.constant 1 : i32
      scf.for %scan3A_65 = %scan3A_60 to %scan3A_62 step %scan3A_63  : i32 {
        %mul3A_66 = arith.constant 2 : i32
        %mul3A_67 = arith.muli %scan3A_65, %mul3A_66 : i32
        %add3A = arith.constant 0 : i32
        %add3A_68 = arith.addi %add3A, %mul3A_67 : i32
        %add3A_69 = arith.constant 0 : i32
        %add3A_70 = arith.addi %add3A_68, %add3A_69 : i32
        %dma_wait3A = arith.constant 0 : i32
        %dma_wait3A_71 = tpu.memref_slice %arg9[%add3A_70, %dma_wait3A] : memref<40x128xi32, #tpu.memory_space<vmem>> -> memref<1x128xi32, #tpu.memory_space<vmem>>
        %dma_wait3A_72 = tpu.memref_squeeze %dma_wait3A_71 : memref<1x128xi32, #tpu.memory_space<vmem>> -> memref<128xi32, #tpu.memory_space<vmem>>
        %dma_wait3A_73 = arith.constant 0 : i32
        %dma_wait3A_74 = arith.constant 0 : i32
        %dma_wait3A_75 = tpu.memref_slice %arg2[%dma_wait3A_73, %dma_wait3A_74] : memref<10016x128xf32, #tpu.memory_space<hbm>> -> memref<10016x128xf32, #tpu.memory_space<hbm>>
        tpu.wait_indirect_dma semaphore(%arg14 : memref<!tpu.dma_semaphore, #tpu.memory_space<semaphore_mem>>) src(%dma_wait3A_75 : memref<10016x128xf32, #tpu.memory_space<hbm>>) dst(%arg11 : memref<128x128xf32, #tpu.memory_space<vmem>>)
        %add3A_76 = arith.constant 0 : i32
        %add3A_77 = arith.addi %add3A_68, %add3A_76 : i32
        %dma_start3A_78 = arith.constant 0 : i32
        %dma_start3A_79 = tpu.memref_slice %arg10[%add3A_77, %dma_start3A_78] : memref<40x128xi32, #tpu.memory_space<vmem>> -> memref<1x128xi32, #tpu.memory_space<vmem>>
        %dma_start3A_80 = tpu.memref_squeeze %dma_start3A_79 : memref<1x128xi32, #tpu.memory_space<vmem>> -> memref<128xi32, #tpu.memory_space<vmem>>
        %dma_start3A_81 = arith.constant 0 : i32
        %dma_start3A_82 = arith.constant 0 : i32
        %dma_start3A_83 = tpu.memref_slice %arg13[%dma_start3A_81, %dma_start3A_82] : memref<10112x128xf32, #tpu.memory_space<vmem_shared>> -> memref<10112x128xf32, #tpu.memory_space<vmem_shared>>
        tpu.enqueue_indirect_dma source(%arg11 : memref<128x128xf32, #tpu.memory_space<vmem>>) target(%dma_start3A_83 : memref<10112x128xf32, #tpu.memory_space<vmem_shared>>) offsets(%dma_start3A_80 : memref<128xi32, #tpu.memory_space<vmem>>) semaphore(%arg16 : memref<!tpu.dma_semaphore, #tpu.memory_space<semaphore_mem>>) {add = true}
        %add3A_84 = arith.constant 1 : i32
        %add3A_85 = arith.addi %add3A_68, %add3A_84 : i32
        %dma_wait3A_86 = arith.constant 0 : i32
        %dma_wait3A_87 = tpu.memref_slice %arg9[%add3A_85, %dma_wait3A_86] : memref<40x128xi32, #tpu.memory_space<vmem>> -> memref<1x128xi32, #tpu.memory_space<vmem>>
        %dma_wait3A_88 = tpu.memref_squeeze %dma_wait3A_87 : memref<1x128xi32, #tpu.memory_space<vmem>> -> memref<128xi32, #tpu.memory_space<vmem>>
        %dma_wait3A_89 = arith.constant 0 : i32
        %dma_wait3A_90 = arith.constant 0 : i32
        %dma_wait3A_91 = tpu.memref_slice %arg2[%dma_wait3A_89, %dma_wait3A_90] : memref<10016x128xf32, #tpu.memory_space<hbm>> -> memref<10016x128xf32, #tpu.memory_space<hbm>>
        tpu.wait_indirect_dma semaphore(%arg15 : memref<!tpu.dma_semaphore, #tpu.memory_space<semaphore_mem>>) src(%dma_wait3A_91 : memref<10016x128xf32, #tpu.memory_space<hbm>>) dst(%arg12 : memref<128x128xf32, #tpu.memory_space<vmem>>)
        %add3A_92 = arith.constant 1 : i32
        %add3A_93 = arith.addi %add3A_68, %add3A_92 : i32
        %dma_start3A_94 = arith.constant 0 : i32
        %dma_start3A_95 = tpu.memref_slice %arg10[%add3A_93, %dma_start3A_94] : memref<40x128xi32, #tpu.memory_space<vmem>> -> memref<1x128xi32, #tpu.memory_space<vmem>>
        %dma_start3A_96 = tpu.memref_squeeze %dma_start3A_95 : memref<1x128xi32, #tpu.memory_space<vmem>> -> memref<128xi32, #tpu.memory_space<vmem>>
        %dma_start3A_97 = arith.constant 0 : i32
        %dma_start3A_98 = arith.constant 0 : i32
        %dma_start3A_99 = tpu.memref_slice %arg13[%dma_start3A_97, %dma_start3A_98] : memref<10112x128xf32, #tpu.memory_space<vmem_shared>> -> memref<10112x128xf32, #tpu.memory_space<vmem_shared>>
        tpu.enqueue_indirect_dma source(%arg12 : memref<128x128xf32, #tpu.memory_space<vmem>>) target(%dma_start3A_99 : memref<10112x128xf32, #tpu.memory_space<vmem_shared>>) offsets(%dma_start3A_96 : memref<128xi32, #tpu.memory_space<vmem>>) semaphore(%arg17 : memref<!tpu.dma_semaphore, #tpu.memory_space<semaphore_mem>>) {add = true}
        %add3A_100 = arith.constant 0 : i32
        %add3A_101 = arith.addi %add3A_68, %add3A_100 : i32
        %dma_wait3A_102 = arith.constant 0 : i32
        %dma_wait3A_103 = tpu.memref_slice %arg10[%add3A_101, %dma_wait3A_102] : memref<40x128xi32, #tpu.memory_space<vmem>> -> memref<1x128xi32, #tpu.memory_space<vmem>>
        %dma_wait3A_104 = tpu.memref_squeeze %dma_wait3A_103 : memref<1x128xi32, #tpu.memory_space<vmem>> -> memref<128xi32, #tpu.memory_space<vmem>>
        %dma_wait3A_105 = arith.constant 0 : i32
        %dma_wait3A_106 = arith.constant 0 : i32
        %dma_wait3A_107 = tpu.memref_slice %arg13[%dma_wait3A_105, %dma_wait3A_106] : memref<10112x128xf32, #tpu.memory_space<vmem_shared>> -> memref<10112x128xf32, #tpu.memory_space<vmem_shared>>
        tpu.wait_indirect_dma semaphore(%arg16 : memref<!tpu.dma_semaphore, #tpu.memory_space<semaphore_mem>>) src(%arg11 : memref<128x128xf32, #tpu.memory_space<vmem>>) dst(%dma_wait3A_107 : memref<10112x128xf32, #tpu.memory_space<vmem_shared>>)
        %add3A_108 = arith.constant 0 : i32
        %add3A_109 = arith.addi %add3A_68, %add3A_108 : i32
        %add3A_110 = arith.constant 2 : i32
        %add3A_111 = arith.addi %add3A_109, %add3A_110 : i32
        %lt3A = arith.constant 40 : i32
        %lt3A_112 = arith.cmpi slt, %add3A_111, %lt3A : i32
        %convert_element_type3A_113 = arith.extui %lt3A_112 : i1 to i32
        %cond3A_114 = arith.constant 0 : i32
        %cond3A_115 = arith.cmpi ne, %convert_element_type3A_113, %cond3A_114 : i32
        scf.if %cond3A_115 {
          %add3A_133 = arith.constant 0 : i32
          %add3A_134 = arith.addi %add3A_68, %add3A_133 : i32
          %add3A_135 = arith.constant 2 : i32
          %add3A_136 = arith.addi %add3A_134, %add3A_135 : i32
          %dma_start3A_137 = arith.constant 0 : i32
          %dma_start3A_138 = tpu.memref_slice %arg9[%add3A_136, %dma_start3A_137] : memref<40x128xi32, #tpu.memory_space<vmem>> -> memref<1x128xi32, #tpu.memory_space<vmem>>
          %dma_start3A_139 = tpu.memref_squeeze %dma_start3A_138 : memref<1x128xi32, #tpu.memory_space<vmem>> -> memref<128xi32, #tpu.memory_space<vmem>>
          %dma_start3A_140 = arith.constant 0 : i32
          %dma_start3A_141 = arith.constant 0 : i32
          %dma_start3A_142 = tpu.memref_slice %arg2[%dma_start3A_140, %dma_start3A_141] : memref<10016x128xf32, #tpu.memory_space<hbm>> -> memref<10016x128xf32, #tpu.memory_space<hbm>>
          tpu.enqueue_indirect_dma source(%dma_start3A_142 : memref<10016x128xf32, #tpu.memory_space<hbm>>) target(%arg11 : memref<128x128xf32, #tpu.memory_space<vmem>>) offsets(%dma_start3A_139 : memref<128xi32, #tpu.memory_space<vmem>>) semaphore(%arg14 : memref<!tpu.dma_semaphore, #tpu.memory_space<semaphore_mem>>)
        } else {
        }
        %add3A_116 = arith.constant 1 : i32
        %add3A_117 = arith.addi %add3A_68, %add3A_116 : i32
        %dma_wait3A_118 = arith.constant 0 : i32
        %dma_wait3A_119 = tpu.memref_slice %arg10[%add3A_117, %dma_wait3A_118] : memref<40x128xi32, #tpu.memory_space<vmem>> -> memref<1x128xi32, #tpu.memory_space<vmem>>
        %dma_wait3A_120 = tpu.memref_squeeze %dma_wait3A_119 : memref<1x128xi32, #tpu.memory_space<vmem>> -> memref<128xi32, #tpu.memory_space<vmem>>
        %dma_wait3A_121 = arith.constant 0 : i32
        %dma_wait3A_122 = arith.constant 0 : i32
        %dma_wait3A_123 = tpu.memref_slice %arg13[%dma_wait3A_121, %dma_wait3A_122] : memref<10112x128xf32, #tpu.memory_space<vmem_shared>> -> memref<10112x128xf32, #tpu.memory_space<vmem_shared>>
        tpu.wait_indirect_dma semaphore(%arg17 : memref<!tpu.dma_semaphore, #tpu.memory_space<semaphore_mem>>) src(%arg12 : memref<128x128xf32, #tpu.memory_space<vmem>>) dst(%dma_wait3A_123 : memref<10112x128xf32, #tpu.memory_space<vmem_shared>>)
        %add3A_124 = arith.constant 1 : i32
        %add3A_125 = arith.addi %add3A_68, %add3A_124 : i32
        %add3A_126 = arith.constant 2 : i32
        %add3A_127 = arith.addi %add3A_125, %add3A_126 : i32
        %lt3A_128 = arith.constant 40 : i32
        %lt3A_129 = arith.cmpi slt, %add3A_127, %lt3A_128 : i32
        %convert_element_type3A_130 = arith.extui %lt3A_129 : i1 to i32
        %cond3A_131 = arith.constant 0 : i32
        %cond3A_132 = arith.cmpi ne, %convert_element_type3A_130, %cond3A_131 : i32
        scf.if %cond3A_132 {
          %add3A_133 = arith.constant 1 : i32
          %add3A_134 = arith.addi %add3A_68, %add3A_133 : i32
          %add3A_135 = arith.constant 2 : i32
          %add3A_136 = arith.addi %add3A_134, %add3A_135 : i32
          %dma_start3A_137 = arith.constant 0 : i32
          %dma_start3A_138 = tpu.memref_slice %arg9[%add3A_136, %dma_start3A_137] : memref<40x128xi32, #tpu.memory_space<vmem>> -> memref<1x128xi32, #tpu.memory_space<vmem>>
          %dma_start3A_139 = tpu.memref_squeeze %dma_start3A_138 : memref<1x128xi32, #tpu.memory_space<vmem>> -> memref<128xi32, #tpu.memory_space<vmem>>
          %dma_start3A_140 = arith.constant 0 : i32
          %dma_start3A_141 = arith.constant 0 : i32
          %dma_start3A_142 = tpu.memref_slice %arg2[%dma_start3A_140, %dma_start3A_141] : memref<10016x128xf32, #tpu.memory_space<hbm>> -> memref<10016x128xf32, #tpu.memory_space<hbm>>
          tpu.enqueue_indirect_dma source(%dma_start3A_142 : memref<10016x128xf32, #tpu.memory_space<hbm>>) target(%arg12 : memref<128x128xf32, #tpu.memory_space<vmem>>) offsets(%dma_start3A_139 : memref<128xi32, #tpu.memory_space<vmem>>) semaphore(%arg15 : memref<!tpu.dma_semaphore, #tpu.memory_space<semaphore_mem>>)
        } else {
        }
      }
      %scan3A_64 = arith.constant 20 : i32
    } else {
    }
    %ne3A = arith.constant 0 : i32
    %ne3A_3 = arith.cmpi ne, %arg0, %ne3A : i32
    %convert_element_type3A_4 = arith.extui %ne3A_3 : i1 to i32
    %cond3A_5 = arith.constant 0 : i32
    %cond3A_6 = arith.cmpi ne, %convert_element_type3A_4, %cond3A_5 : i32
    scf.if %cond3A_6 {
      "tpu.region"() ({
        %run_scoped3A = tpu.sem_alloc : memref<!tpu.dma_semaphore, #tpu.memory_space<semaphore_mem>>
        %dma_start3A_27 = arith.constant 0 : i32
        %dma_start3A_28 = arith.constant 0 : i32
        %dma_start3A_29 = tpu.memref_slice %arg9[%dma_start3A_27, %dma_start3A_28] : memref<40x128xi32, #tpu.memory_space<vmem>> -> memref<40x128xi32, #tpu.memory_space<vmem>>
        %dma_start3A_30 = arith.constant 0 : i32
        %dma_start3A_31 = arith.constant 0 : i32
        %dma_start3A_32 = tpu.memref_slice %arg5[%arg1, %dma_start3A_30, %dma_start3A_31] : memref<16x40x128xi32, #tpu.memory_space<hbm>> -> memref<1x40x128xi32, #tpu.memory_space<hbm>>
        %dma_start3A_33 = tpu.memref_squeeze %dma_start3A_32 : memref<1x40x128xi32, #tpu.memory_space<hbm>> -> memref<40x128xi32, #tpu.memory_space<hbm>>
        %dma_start3A_34 = arith.constant 0 : i32
        %dma_start3A_35 = arith.constant 0 : i32
        %dma_start3A_36 = tpu.memref_slice %arg9[%dma_start3A_34, %dma_start3A_35] : memref<40x128xi32, #tpu.memory_space<vmem>> -> memref<40x128xi32, #tpu.memory_space<vmem>>
        %dma_start3A_37 = arith.constant 0 : i32
        %dma_start3A_38 = arith.constant 0 : i32
        %dma_start3A_39 = tpu.memref_slice %arg5[%arg1, %dma_start3A_37, %dma_start3A_38] : memref<16x40x128xi32, #tpu.memory_space<hbm>> -> memref<1x40x128xi32, #tpu.memory_space<hbm>>
        %dma_start3A_40 = tpu.memref_squeeze %dma_start3A_39 : memref<1x40x128xi32, #tpu.memory_space<hbm>> -> memref<40x128xi32, #tpu.memory_space<hbm>>
        tpu.enqueue_dma source(%dma_start3A_40 : memref<40x128xi32, #tpu.memory_space<hbm>>) target(%dma_start3A_36 : memref<40x128xi32, #tpu.memory_space<vmem>>) target_semaphore(%run_scoped3A : memref<!tpu.dma_semaphore, #tpu.memory_space<semaphore_mem>>)
        %dma_wait3A = arith.constant 0 : i32
        %dma_wait3A_41 = arith.constant 0 : i32
        %dma_wait3A_42 = tpu.memref_slice %arg9[%dma_wait3A, %dma_wait3A_41] : memref<40x128xi32, #tpu.memory_space<vmem>> -> memref<40x128xi32, #tpu.memory_space<vmem>>
        %dma_wait3A_43 = arith.constant 0 : i32
        %dma_wait3A_44 = arith.constant 0 : i32
        %dma_wait3A_45 = tpu.memref_slice %arg5[%arg1, %dma_wait3A_43, %dma_wait3A_44] : memref<16x40x128xi32, #tpu.memory_space<hbm>> -> memref<1x40x128xi32, #tpu.memory_space<hbm>>
        %dma_wait3A_46 = tpu.memref_squeeze %dma_wait3A_45 : memref<1x40x128xi32, #tpu.memory_space<hbm>> -> memref<40x128xi32, #tpu.memory_space<hbm>>
        %dma_wait3A_47 = arith.constant 0 : i32
        %dma_wait3A_48 = arith.constant 0 : i32
        %dma_wait3A_49 = tpu.memref_slice %arg9[%dma_wait3A_47, %dma_wait3A_48] : memref<40x128xi32, #tpu.memory_space<vmem>> -> memref<40x128xi32, #tpu.memory_space<vmem>>
        %dma_wait3A_50 = arith.constant 0 : i32
        %dma_wait3A_51 = arith.constant 0 : i32
        %dma_wait3A_52 = tpu.memref_slice %arg5[%arg1, %dma_wait3A_50, %dma_wait3A_51] : memref<16x40x128xi32, #tpu.memory_space<hbm>> -> memref<1x40x128xi32, #tpu.memory_space<hbm>>
        %dma_wait3A_53 = tpu.memref_squeeze %dma_wait3A_52 : memref<1x40x128xi32, #tpu.memory_space<hbm>> -> memref<40x128xi32, #tpu.memory_space<hbm>>
        tpu.wait_dma2 semaphore(%run_scoped3A : memref<!tpu.dma_semaphore, #tpu.memory_space<semaphore_mem>>) src(%dma_wait3A_53 : memref<40x128xi32, #tpu.memory_space<hbm>>) dst(%dma_wait3A_49 : memref<40x128xi32, #tpu.memory_space<vmem>>)
        tpu.yield
      }) : () -> ()
      "tpu.region"() ({
        %run_scoped3A = tpu.sem_alloc : memref<!tpu.dma_semaphore, #tpu.memory_space<semaphore_mem>>
        %dma_start3A_27 = arith.constant 0 : i32
        %dma_start3A_28 = arith.constant 0 : i32
        %dma_start3A_29 = tpu.memref_slice %arg10[%dma_start3A_27, %dma_start3A_28] : memref<40x128xi32, #tpu.memory_space<vmem>> -> memref<40x128xi32, #tpu.memory_space<vmem>>
        %dma_start3A_30 = arith.constant 0 : i32
        %dma_start3A_31 = arith.constant 0 : i32
        %dma_start3A_32 = tpu.memref_slice %arg6[%arg1, %dma_start3A_30, %dma_start3A_31] : memref<16x40x128xi32, #tpu.memory_space<hbm>> -> memref<1x40x128xi32, #tpu.memory_space<hbm>>
        %dma_start3A_33 = tpu.memref_squeeze %dma_start3A_32 : memref<1x40x128xi32, #tpu.memory_space<hbm>> -> memref<40x128xi32, #tpu.memory_space<hbm>>
        %dma_start3A_34 = arith.constant 0 : i32
        %dma_start3A_35 = arith.constant 0 : i32
        %dma_start3A_36 = tpu.memref_slice %arg10[%dma_start3A_34, %dma_start3A_35] : memref<40x128xi32, #tpu.memory_space<vmem>> -> memref<40x128xi32, #tpu.memory_space<vmem>>
        %dma_start3A_37 = arith.constant 0 : i32
        %dma_start3A_38 = arith.constant 0 : i32
        %dma_start3A_39 = tpu.memref_slice %arg6[%arg1, %dma_start3A_37, %dma_start3A_38] : memref<16x40x128xi32, #tpu.memory_space<hbm>> -> memref<1x40x128xi32, #tpu.memory_space<hbm>>
        %dma_start3A_40 = tpu.memref_squeeze %dma_start3A_39 : memref<1x40x128xi32, #tpu.memory_space<hbm>> -> memref<40x128xi32, #tpu.memory_space<hbm>>
        tpu.enqueue_dma source(%dma_start3A_40 : memref<40x128xi32, #tpu.memory_space<hbm>>) target(%dma_start3A_36 : memref<40x128xi32, #tpu.memory_space<vmem>>) target_semaphore(%run_scoped3A : memref<!tpu.dma_semaphore, #tpu.memory_space<semaphore_mem>>)
        %dma_wait3A = arith.constant 0 : i32
        %dma_wait3A_41 = arith.constant 0 : i32
        %dma_wait3A_42 = tpu.memref_slice %arg10[%dma_wait3A, %dma_wait3A_41] : memref<40x128xi32, #tpu.memory_space<vmem>> -> memref<40x128xi32, #tpu.memory_space<vmem>>
        %dma_wait3A_43 = arith.constant 0 : i32
        %dma_wait3A_44 = arith.constant 0 : i32
        %dma_wait3A_45 = tpu.memref_slice %arg6[%arg1, %dma_wait3A_43, %dma_wait3A_44] : memref<16x40x128xi32, #tpu.memory_space<hbm>> -> memref<1x40x128xi32, #tpu.memory_space<hbm>>
        %dma_wait3A_46 = tpu.memref_squeeze %dma_wait3A_45 : memref<1x40x128xi32, #tpu.memory_space<hbm>> -> memref<40x128xi32, #tpu.memory_space<hbm>>
        %dma_wait3A_47 = arith.constant 0 : i32
        %dma_wait3A_48 = arith.constant 0 : i32
        %dma_wait3A_49 = tpu.memref_slice %arg10[%dma_wait3A_47, %dma_wait3A_48] : memref<40x128xi32, #tpu.memory_space<vmem>> -> memref<40x128xi32, #tpu.memory_space<vmem>>
        %dma_wait3A_50 = arith.constant 0 : i32
        %dma_wait3A_51 = arith.constant 0 : i32
        %dma_wait3A_52 = tpu.memref_slice %arg6[%arg1, %dma_wait3A_50, %dma_wait3A_51] : memref<16x40x128xi32, #tpu.memory_space<hbm>> -> memref<1x40x128xi32, #tpu.memory_space<hbm>>
        %dma_wait3A_53 = tpu.memref_squeeze %dma_wait3A_52 : memref<1x40x128xi32, #tpu.memory_space<hbm>> -> memref<40x128xi32, #tpu.memory_space<hbm>>
        tpu.wait_dma2 semaphore(%run_scoped3A : memref<!tpu.dma_semaphore, #tpu.memory_space<semaphore_mem>>) src(%dma_wait3A_53 : memref<40x128xi32, #tpu.memory_space<hbm>>) dst(%dma_wait3A_49 : memref<40x128xi32, #tpu.memory_space<vmem>>)
        tpu.yield
      }) : () -> ()
      %dma_start3A = arith.constant 0 : i32
      %dma_start3A_10 = arith.constant 0 : i32
      %dma_start3A_11 = tpu.memref_slice %arg9[%dma_start3A, %dma_start3A_10] : memref<40x128xi32, #tpu.memory_space<vmem>> -> memref<1x128xi32, #tpu.memory_space<vmem>>
      %dma_start3A_12 = tpu.memref_squeeze %dma_start3A_11 : memref<1x128xi32, #tpu.memory_space<vmem>> -> memref<128xi32, #tpu.memory_space<vmem>>
      %dma_start3A_13 = arith.constant 0 : i32
      %dma_start3A_14 = arith.constant 0 : i32
      %dma_start3A_15 = tpu.memref_slice %arg2[%dma_start3A_13, %dma_start3A_14] : memref<10016x128xf32, #tpu.memory_space<hbm>> -> memref<10016x128xf32, #tpu.memory_space<hbm>>
      tpu.enqueue_indirect_dma source(%dma_start3A_15 : memref<10016x128xf32, #tpu.memory_space<hbm>>) target(%arg11 : memref<128x128xf32, #tpu.memory_space<vmem>>) offsets(%dma_start3A_12 : memref<128xi32, #tpu.memory_space<vmem>>) semaphore(%arg14 : memref<!tpu.dma_semaphore, #tpu.memory_space<semaphore_mem>>)
      %dma_start3A_16 = arith.constant 1 : i32
      %dma_start3A_17 = arith.constant 0 : i32
      %dma_start3A_18 = tpu.memref_slice %arg9[%dma_start3A_16, %dma_start3A_17] : memref<40x128xi32, #tpu.memory_space<vmem>> -> memref<1x128xi32, #tpu.memory_space<vmem>>
      %dma_start3A_19 = tpu.memref_squeeze %dma_start3A_18 : memref<1x128xi32, #tpu.memory_space<vmem>> -> memref<128xi32, #tpu.memory_space<vmem>>
      %dma_start3A_20 = arith.constant 0 : i32
      %dma_start3A_21 = arith.constant 0 : i32
      %dma_start3A_22 = tpu.memref_slice %arg2[%dma_start3A_20, %dma_start3A_21] : memref<10016x128xf32, #tpu.memory_space<hbm>> -> memref<10016x128xf32, #tpu.memory_space<hbm>>
      tpu.enqueue_indirect_dma source(%dma_start3A_22 : memref<10016x128xf32, #tpu.memory_space<hbm>>) target(%arg12 : memref<128x128xf32, #tpu.memory_space<vmem>>) offsets(%dma_start3A_19 : memref<128xi32, #tpu.memory_space<vmem>>) semaphore(%arg15 : memref<!tpu.dma_semaphore, #tpu.memory_space<semaphore_mem>>)
      %scan3A = arith.constant 0 : i32
      %scan3A_23 = arith.constant 20 : i32
      %scan3A_24 = arith.addi %scan3A, %scan3A_23 : i32
      %scan3A_25 = arith.constant 1 : i32
      scf.for %scan3A_27 = %scan3A to %scan3A_24 step %scan3A_25  : i32 {
        %mul3A_28 = arith.constant 2 : i32
        %mul3A_29 = arith.muli %scan3A_27, %mul3A_28 : i32
        %add3A = arith.constant 0 : i32
        %add3A_30 = arith.addi %add3A, %mul3A_29 : i32
        %add3A_31 = arith.constant 0 : i32
        %add3A_32 = arith.addi %add3A_30, %add3A_31 : i32
        %dma_wait3A = arith.constant 0 : i32
        %dma_wait3A_33 = tpu.memref_slice %arg9[%add3A_32, %dma_wait3A] : memref<40x128xi32, #tpu.memory_space<vmem>> -> memref<1x128xi32, #tpu.memory_space<vmem>>
        %dma_wait3A_34 = tpu.memref_squeeze %dma_wait3A_33 : memref<1x128xi32, #tpu.memory_space<vmem>> -> memref<128xi32, #tpu.memory_space<vmem>>
        %dma_wait3A_35 = arith.constant 0 : i32
        %dma_wait3A_36 = arith.constant 0 : i32
        %dma_wait3A_37 = tpu.memref_slice %arg2[%dma_wait3A_35, %dma_wait3A_36] : memref<10016x128xf32, #tpu.memory_space<hbm>> -> memref<10016x128xf32, #tpu.memory_space<hbm>>
        tpu.wait_indirect_dma semaphore(%arg14 : memref<!tpu.dma_semaphore, #tpu.memory_space<semaphore_mem>>) src(%dma_wait3A_37 : memref<10016x128xf32, #tpu.memory_space<hbm>>) dst(%arg11 : memref<128x128xf32, #tpu.memory_space<vmem>>)
        %add3A_38 = arith.constant 0 : i32
        %add3A_39 = arith.addi %add3A_30, %add3A_38 : i32
        %dma_start3A_40 = arith.constant 0 : i32
        %dma_start3A_41 = tpu.memref_slice %arg10[%add3A_39, %dma_start3A_40] : memref<40x128xi32, #tpu.memory_space<vmem>> -> memref<1x128xi32, #tpu.memory_space<vmem>>
        %dma_start3A_42 = tpu.memref_squeeze %dma_start3A_41 : memref<1x128xi32, #tpu.memory_space<vmem>> -> memref<128xi32, #tpu.memory_space<vmem>>
        %dma_start3A_43 = arith.constant 0 : i32
        %dma_start3A_44 = arith.constant 0 : i32
        %dma_start3A_45 = tpu.memref_slice %arg13[%dma_start3A_43, %dma_start3A_44] : memref<10112x128xf32, #tpu.memory_space<vmem_shared>> -> memref<10112x128xf32, #tpu.memory_space<vmem_shared>>
        tpu.enqueue_indirect_dma source(%arg11 : memref<128x128xf32, #tpu.memory_space<vmem>>) target(%dma_start3A_45 : memref<10112x128xf32, #tpu.memory_space<vmem_shared>>) offsets(%dma_start3A_42 : memref<128xi32, #tpu.memory_space<vmem>>) semaphore(%arg16 : memref<!tpu.dma_semaphore, #tpu.memory_space<semaphore_mem>>) {add = true}
        %add3A_46 = arith.constant 1 : i32
        %add3A_47 = arith.addi %add3A_30, %add3A_46 : i32
        %dma_wait3A_48 = arith.constant 0 : i32
        %dma_wait3A_49 = tpu.memref_slice %arg9[%add3A_47, %dma_wait3A_48] : memref<40x128xi32, #tpu.memory_space<vmem>> -> memref<1x128xi32, #tpu.memory_space<vmem>>
        %dma_wait3A_50 = tpu.memref_squeeze %dma_wait3A_49 : memref<1x128xi32, #tpu.memory_space<vmem>> -> memref<128xi32, #tpu.memory_space<vmem>>
        %dma_wait3A_51 = arith.constant 0 : i32
        %dma_wait3A_52 = arith.constant 0 : i32
        %dma_wait3A_53 = tpu.memref_slice %arg2[%dma_wait3A_51, %dma_wait3A_52] : memref<10016x128xf32, #tpu.memory_space<hbm>> -> memref<10016x128xf32, #tpu.memory_space<hbm>>
        tpu.wait_indirect_dma semaphore(%arg15 : memref<!tpu.dma_semaphore, #tpu.memory_space<semaphore_mem>>) src(%dma_wait3A_53 : memref<10016x128xf32, #tpu.memory_space<hbm>>) dst(%arg12 : memref<128x128xf32, #tpu.memory_space<vmem>>)
        %add3A_54 = arith.constant 1 : i32
        %add3A_55 = arith.addi %add3A_30, %add3A_54 : i32
        %dma_start3A_56 = arith.constant 0 : i32
        %dma_start3A_57 = tpu.memref_slice %arg10[%add3A_55, %dma_start3A_56] : memref<40x128xi32, #tpu.memory_space<vmem>> -> memref<1x128xi32, #tpu.memory_space<vmem>>
        %dma_start3A_58 = tpu.memref_squeeze %dma_start3A_57 : memref<1x128xi32, #tpu.memory_space<vmem>> -> memref<128xi32, #tpu.memory_space<vmem>>
        %dma_start3A_59 = arith.constant 0 : i32
        %dma_start3A_60 = arith.constant 0 : i32
        %dma_start3A_61 = tpu.memref_slice %arg13[%dma_start3A_59, %dma_start3A_60] : memref<10112x128xf32, #tpu.memory_space<vmem_shared>> -> memref<10112x128xf32, #tpu.memory_space<vmem_shared>>
        tpu.enqueue_indirect_dma source(%arg12 : memref<128x128xf32, #tpu.memory_space<vmem>>) target(%dma_start3A_61 : memref<10112x128xf32, #tpu.memory_space<vmem_shared>>) offsets(%dma_start3A_58 : memref<128xi32, #tpu.memory_space<vmem>>) semaphore(%arg17 : memref<!tpu.dma_semaphore, #tpu.memory_space<semaphore_mem>>) {add = true}
        %add3A_62 = arith.constant 0 : i32
        %add3A_63 = arith.addi %add3A_30, %add3A_62 : i32
        %dma_wait3A_64 = arith.constant 0 : i32
        %dma_wait3A_65 = tpu.memref_slice %arg10[%add3A_63, %dma_wait3A_64] : memref<40x128xi32, #tpu.memory_space<vmem>> -> memref<1x128xi32, #tpu.memory_space<vmem>>
        %dma_wait3A_66 = tpu.memref_squeeze %dma_wait3A_65 : memref<1x128xi32, #tpu.memory_space<vmem>> -> memref<128xi32, #tpu.memory_space<vmem>>
        %dma_wait3A_67 = arith.constant 0 : i32
        %dma_wait3A_68 = arith.constant 0 : i32
        %dma_wait3A_69 = tpu.memref_slice %arg13[%dma_wait3A_67, %dma_wait3A_68] : memref<10112x128xf32, #tpu.memory_space<vmem_shared>> -> memref<10112x128xf32, #tpu.memory_space<vmem_shared>>
        tpu.wait_indirect_dma semaphore(%arg16 : memref<!tpu.dma_semaphore, #tpu.memory_space<semaphore_mem>>) src(%arg11 : memref<128x128xf32, #tpu.memory_space<vmem>>) dst(%dma_wait3A_69 : memref<10112x128xf32, #tpu.memory_space<vmem_shared>>)
        %add3A_70 = arith.constant 0 : i32
        %add3A_71 = arith.addi %add3A_30, %add3A_70 : i32
        %add3A_72 = arith.constant 2 : i32
        %add3A_73 = arith.addi %add3A_71, %add3A_72 : i32
        %lt3A = arith.constant 40 : i32
        %lt3A_74 = arith.cmpi slt, %add3A_73, %lt3A : i32
        %convert_element_type3A_75 = arith.extui %lt3A_74 : i1 to i32
        %cond3A_76 = arith.constant 0 : i32
        %cond3A_77 = arith.cmpi ne, %convert_element_type3A_75, %cond3A_76 : i32
        scf.if %cond3A_77 {
          %add3A_95 = arith.constant 0 : i32
          %add3A_96 = arith.addi %add3A_30, %add3A_95 : i32
          %add3A_97 = arith.constant 2 : i32
          %add3A_98 = arith.addi %add3A_96, %add3A_97 : i32
          %dma_start3A_99 = arith.constant 0 : i32
          %dma_start3A_100 = tpu.memref_slice %arg9[%add3A_98, %dma_start3A_99] : memref<40x128xi32, #tpu.memory_space<vmem>> -> memref<1x128xi32, #tpu.memory_space<vmem>>
          %dma_start3A_101 = tpu.memref_squeeze %dma_start3A_100 : memref<1x128xi32, #tpu.memory_space<vmem>> -> memref<128xi32, #tpu.memory_space<vmem>>
          %dma_start3A_102 = arith.constant 0 : i32
          %dma_start3A_103 = arith.constant 0 : i32
          %dma_start3A_104 = tpu.memref_slice %arg2[%dma_start3A_102, %dma_start3A_103] : memref<10016x128xf32, #tpu.memory_space<hbm>> -> memref<10016x128xf32, #tpu.memory_space<hbm>>
          tpu.enqueue_indirect_dma source(%dma_start3A_104 : memref<10016x128xf32, #tpu.memory_space<hbm>>) target(%arg11 : memref<128x128xf32, #tpu.memory_space<vmem>>) offsets(%dma_start3A_101 : memref<128xi32, #tpu.memory_space<vmem>>) semaphore(%arg14 : memref<!tpu.dma_semaphore, #tpu.memory_space<semaphore_mem>>)
        } else {
        }
        %add3A_78 = arith.constant 1 : i32
        %add3A_79 = arith.addi %add3A_30, %add3A_78 : i32
        %dma_wait3A_80 = arith.constant 0 : i32
        %dma_wait3A_81 = tpu.memref_slice %arg10[%add3A_79, %dma_wait3A_80] : memref<40x128xi32, #tpu.memory_space<vmem>> -> memref<1x128xi32, #tpu.memory_space<vmem>>
        %dma_wait3A_82 = tpu.memref_squeeze %dma_wait3A_81 : memref<1x128xi32, #tpu.memory_space<vmem>> -> memref<128xi32, #tpu.memory_space<vmem>>
        %dma_wait3A_83 = arith.constant 0 : i32
        %dma_wait3A_84 = arith.constant 0 : i32
        %dma_wait3A_85 = tpu.memref_slice %arg13[%dma_wait3A_83, %dma_wait3A_84] : memref<10112x128xf32, #tpu.memory_space<vmem_shared>> -> memref<10112x128xf32, #tpu.memory_space<vmem_shared>>
        tpu.wait_indirect_dma semaphore(%arg17 : memref<!tpu.dma_semaphore, #tpu.memory_space<semaphore_mem>>) src(%arg12 : memref<128x128xf32, #tpu.memory_space<vmem>>) dst(%dma_wait3A_85 : memref<10112x128xf32, #tpu.memory_space<vmem_shared>>)
        %add3A_86 = arith.constant 1 : i32
        %add3A_87 = arith.addi %add3A_30, %add3A_86 : i32
        %add3A_88 = arith.constant 2 : i32
        %add3A_89 = arith.addi %add3A_87, %add3A_88 : i32
        %lt3A_90 = arith.constant 40 : i32
        %lt3A_91 = arith.cmpi slt, %add3A_89, %lt3A_90 : i32
        %convert_element_type3A_92 = arith.extui %lt3A_91 : i1 to i32
        %cond3A_93 = arith.constant 0 : i32
        %cond3A_94 = arith.cmpi ne, %convert_element_type3A_92, %cond3A_93 : i32
        scf.if %cond3A_94 {
          %add3A_95 = arith.constant 1 : i32
          %add3A_96 = arith.addi %add3A_30, %add3A_95 : i32
          %add3A_97 = arith.constant 2 : i32
          %add3A_98 = arith.addi %add3A_96, %add3A_97 : i32
          %dma_start3A_99 = arith.constant 0 : i32
          %dma_start3A_100 = tpu.memref_slice %arg9[%add3A_98, %dma_start3A_99] : memref<40x128xi32, #tpu.memory_space<vmem>> -> memref<1x128xi32, #tpu.memory_space<vmem>>
          %dma_start3A_101 = tpu.memref_squeeze %dma_start3A_100 : memref<1x128xi32, #tpu.memory_space<vmem>> -> memref<128xi32, #tpu.memory_space<vmem>>
          %dma_start3A_102 = arith.constant 0 : i32
          %dma_start3A_103 = arith.constant 0 : i32
          %dma_start3A_104 = tpu.memref_slice %arg2[%dma_start3A_102, %dma_start3A_103] : memref<10016x128xf32, #tpu.memory_space<hbm>> -> memref<10016x128xf32, #tpu.memory_space<hbm>>
          tpu.enqueue_indirect_dma source(%dma_start3A_104 : memref<10016x128xf32, #tpu.memory_space<hbm>>) target(%arg12 : memref<128x128xf32, #tpu.memory_space<vmem>>) offsets(%dma_start3A_101 : memref<128xi32, #tpu.memory_space<vmem>>) semaphore(%arg15 : memref<!tpu.dma_semaphore, #tpu.memory_space<semaphore_mem>>)
        } else {
        }
      }
      %scan3A_26 = arith.constant 20 : i32
    } else {
    }
    %barrier3A_7 = arith.constant 0 : index
    tpu.barrier barrier_id(%barrier3A_7)
    %mul3A_8 = arith.constant 632 : i32
    %mul3A_9 = arith.muli %arg1, %mul3A_8 : i32
    "tpu.region"() ({
      %run_scoped3A = tpu.sem_alloc : memref<!tpu.dma_semaphore, #tpu.memory_space<semaphore_mem>>
      %dma_start3A = arith.constant 0 : i32
      %dma_start3A_10 = tpu.memref_slice %arg8[%arg0, %mul3A_9, %dma_start3A] : memref<2x10112x128xf32, #tpu.memory_space<hbm>> -> memref<1x632x128xf32, #tpu.memory_space<hbm>>
      %dma_start3A_11 = tpu.memref_squeeze %dma_start3A_10 : memref<1x632x128xf32, #tpu.memory_space<hbm>> -> memref<632x128xf32, #tpu.memory_space<hbm>>
      %dma_start3A_12 = arith.constant 0 : i32
      %dma_start3A_13 = tpu.memref_slice %arg13[%mul3A_9, %dma_start3A_12] : memref<10112x128xf32, #tpu.memory_space<vmem_shared>> -> memref<632x128xf32, #tpu.memory_space<vmem_shared>>
      tpu.enqueue_dma source(%dma_start3A_13 : memref<632x128xf32, #tpu.memory_space<vmem_shared>>) target(%dma_start3A_11 : memref<632x128xf32, #tpu.memory_space<hbm>>) target_semaphore(%run_scoped3A : memref<!tpu.dma_semaphore, #tpu.memory_space<semaphore_mem>>)
      %dma_wait3A = arith.constant 0 : i32
      %dma_wait3A_14 = tpu.memref_slice %arg8[%arg0, %mul3A_9, %dma_wait3A] : memref<2x10112x128xf32, #tpu.memory_space<hbm>> -> memref<1x632x128xf32, #tpu.memory_space<hbm>>
      %dma_wait3A_15 = tpu.memref_squeeze %dma_wait3A_14 : memref<1x632x128xf32, #tpu.memory_space<hbm>> -> memref<632x128xf32, #tpu.memory_space<hbm>>
      %dma_wait3A_16 = arith.constant 0 : i32
      %dma_wait3A_17 = tpu.memref_slice %arg13[%mul3A_9, %dma_wait3A_16] : memref<10112x128xf32, #tpu.memory_space<vmem_shared>> -> memref<632x128xf32, #tpu.memory_space<vmem_shared>>
      tpu.wait_dma2 semaphore(%run_scoped3A : memref<!tpu.dma_semaphore, #tpu.memory_space<semaphore_mem>>) src(%dma_wait3A_17 : memref<632x128xf32, #tpu.memory_space<vmem_shared>>) dst(%dma_wait3A_15 : memref<632x128xf32, #tpu.memory_space<hbm>>)
      tpu.yield
    }) : () -> ()
    return
  }
}

module attributes {stable_mosaic.version = 14 : i64} {
  func.func @_norms_body(%arg0: memref<2x10112x128xf32, #tpu.memory_space<vmem>>, %arg1: memref<10112x128xf32, #tpu.memory_space<vmem>>, %arg2: memref<10112x128xf32, #tpu.memory_space<vmem>>) attributes {dimension_semantics = [], scalar_prefetch = 0 : i64, scratch_operands = 0 : i64, tpu.core_type = #tpu.core_type<tc>} {
    %get3A = arith.constant 0 : index
    %get3A_0 = arith.constant 0 : index
    %get3A_1 = arith.constant 0 : index
    %get3A_2 = vector.load %arg0[%get3A, %get3A_0, %get3A_1] : memref<2x10112x128xf32, #tpu.memory_space<vmem>>, vector<2x10112x128xf32>
    %slice3A = vector.extract_strided_slice %get3A_2 {offsets = [0, 0, 0], sizes = [1, 10112, 1], strides = [1, 1, 1]} : vector<2x10112x128xf32> to vector<1x10112x1xf32>
    %squeeze3A = vector.shape_cast %slice3A : vector<1x10112x1xf32> to vector<10112x1xf32>
    %max3A = arith.constant 1.000000e+00 : f32
    %max3A_3 = vector.broadcast %max3A : f32 to vector<10112x1xf32>
    %max3A_4 = arith.maximumf %squeeze3A, %max3A_3 : vector<10112x1xf32>
    %rsqrt3A = math.rsqrt %max3A_4 : vector<10112x1xf32>
    %broadcast_in_dim3A = vector.shape_cast %rsqrt3A : vector<10112x1xf32> to vector<10112x1xf32>
    %broadcast_in_dim3A_5 = vector.broadcast %broadcast_in_dim3A : vector<10112x1xf32> to vector<10112x128xf32>
    %swap3A = arith.constant 0 : index
    %swap3A_6 = arith.constant 0 : index
    %swap3A_7 = vector.load %arg1[%swap3A, %swap3A_6] : memref<10112x128xf32, #tpu.memory_space<vmem>>, vector<10112x128xf32>
    tpu.vector_store %arg1[%swap3A, %swap3A_6], %broadcast_in_dim3A_5 {strides = array<i32>} : memref<10112x128xf32, #tpu.memory_space<vmem>>, vector<10112x128xf32>,
    %slice3A_8 = vector.extract_strided_slice %get3A_2 {offsets = [1, 0, 0], sizes = [1, 10112, 1], strides = [1, 1, 1]} : vector<2x10112x128xf32> to vector<1x10112x1xf32>
    %squeeze3A_9 = vector.shape_cast %slice3A_8 : vector<1x10112x1xf32> to vector<10112x1xf32>
    %max3A_10 = arith.constant 1.000000e+00 : f32
    %max3A_11 = vector.broadcast %max3A_10 : f32 to vector<10112x1xf32>
    %max3A_12 = arith.maximumf %squeeze3A_9, %max3A_11 : vector<10112x1xf32>
    %rsqrt3A_13 = math.rsqrt %max3A_12 : vector<10112x1xf32>
    %broadcast_in_dim3A_14 = vector.shape_cast %rsqrt3A_13 : vector<10112x1xf32> to vector<10112x1xf32>
    %broadcast_in_dim3A_15 = vector.broadcast %broadcast_in_dim3A_14 : vector<10112x1xf32> to vector<10112x128xf32>
    %swap3A_16 = arith.constant 0 : index
    %swap3A_17 = arith.constant 0 : index
    %swap3A_18 = vector.load %arg2[%swap3A_16, %swap3A_17] : memref<10112x128xf32, #tpu.memory_space<vmem>>, vector<10112x128xf32>
    tpu.vector_store %arg2[%swap3A_16, %swap3A_17], %broadcast_in_dim3A_15 {strides = array<i32>} : memref<10112x128xf32, #tpu.memory_space<vmem>>, vector<10112x128xf32>,
    return
  }
}

module attributes {stable_mosaic.version = 14 : i64} {
  func.func @_prep_body(%arg0: memref<10000x128xf32, #tpu.memory_space<vmem>>, %arg1: memref<128x128xf32, #tpu.memory_space<vmem>>, %arg2: memref<1x128xf32, #tpu.memory_space<vmem>>, %arg3: memref<10112x128xf32, #tpu.memory_space<vmem>>, %arg4: memref<10016x128xf32, #tpu.memory_space<vmem>>) attributes {dimension_semantics = [], scalar_prefetch = 0 : i64, scratch_operands = 0 : i64, tpu.core_type = #tpu.core_type<tc>} {
    %get3A = arith.constant 0 : index
    %get3A_0 = arith.constant 0 : index
    %get3A_1 = vector.load %arg0[%get3A, %get3A_0] : memref<10000x128xf32, #tpu.memory_space<vmem>>, vector<10000x128xf32>
    %get3A_2 = arith.constant 0 : index
    %get3A_3 = arith.constant 0 : index
    %get3A_4 = vector.load %arg1[%get3A_2, %get3A_3] : memref<128x128xf32, #tpu.memory_space<vmem>>, vector<128x128xf32>
    %dot_general3A = arith.constant dense<0.000000e+00> : vector<10000x128xf32>
    %dot_general3A_5 = tpu.matmul %get3A_1, %get3A_4, %dot_general3A {dimension_numbers = #tpu.dot_dimension_numbers<[1], [0], [0], [1], [0, 0, 1, 1], [], []>, transpose_lhs_hint = false} : vector<10000x128xf32>, vector<128x128xf32>, vector<10000x128xf32> -> vector<10000x128xf32>
    %get3A_6 = arith.constant 0 : index
    %get3A_7 = arith.constant 0 : index
    %get3A_8 = vector.load %arg2[%get3A_6, %get3A_7] : memref<1x128xf32, #tpu.memory_space<vmem>>, vector<1x128xf32>
    %add3A = vector.broadcast %get3A_8 : vector<1x128xf32> to vector<10000x128xf32>
    %add3A_9 = arith.addf %dot_general3A_5, %add3A : vector<10000x128xf32>
    %get3A_10 = arith.constant 0 : index
    %get3A_11 = arith.constant 0 : index
    %get3A_12 = vector.load %arg3[%get3A_10, %get3A_11] : memref<10112x128xf32, #tpu.memory_space<vmem>>, vector<10000x128xf32>
    %mul3A = arith.mulf %add3A_9, %get3A_12 : vector<10000x128xf32>
    %swap3A = arith.constant 0 : index
    %swap3A_13 = arith.constant 0 : index
    %swap3A_14 = vector.load %arg4[%swap3A, %swap3A_13] : memref<10016x128xf32, #tpu.memory_space<vmem>>, vector<10000x128xf32>
    tpu.vector_store %arg4[%swap3A, %swap3A_13], %mul3A {strides = array<i32>} : memref<10016x128xf32, #tpu.memory_space<vmem>>, vector<10000x128xf32>,
    %broadcast_in_dim3A = arith.constant 0.000000e+00 : f32
    %broadcast_in_dim3A_15 = vector.broadcast %broadcast_in_dim3A : f32 to vector<16x128xf32>
    %swap3A_16 = arith.constant 10000 : index
    %swap3A_17 = arith.constant 0 : index
    %swap3A_18 = vector.load %arg4[%swap3A_16, %swap3A_17] : memref<10016x128xf32, #tpu.memory_space<vmem>>, vector<16x128xf32>
    tpu.vector_store %arg4[%swap3A_16, %swap3A_17], %broadcast_in_dim3A_15 {strides = array<i32>} : memref<10016x128xf32, #tpu.memory_space<vmem>>, vector<16x128xf32>,
    return
  }
}

module attributes {stable_mosaic.version = 14 : i64} {
  func.func @_mid_body(%arg0: memref<2x10112x128xf32, #tpu.memory_space<vmem>>, %arg1: memref<10112x128xf32, #tpu.memory_space<vmem>>, %arg2: memref<1x128xf32, #tpu.memory_space<vmem>>, %arg3: memref<1x128xf32, #tpu.memory_space<vmem>>, %arg4: memref<128x128xf32, #tpu.memory_space<vmem>>, %arg5: memref<1x128xf32, #tpu.memory_space<vmem>>, %arg6: memref<10112x128xf32, #tpu.memory_space<vmem>>, %arg7: memref<10016x128xf32, #tpu.memory_space<vmem>>) attributes {dimension_semantics = [], scalar_prefetch = 0 : i64, scratch_operands = 0 : i64, tpu.core_type = #tpu.core_type<tc>} {
    %get3A = arith.constant 0 : index
    %get3A_0 = arith.constant 0 : index
    %get3A_1 = arith.constant 0 : index
    %get3A_2 = vector.load %arg0[%get3A, %get3A_0, %get3A_1] : memref<2x10112x128xf32, #tpu.memory_space<vmem>>, vector<1x10000x128xf32>
    %get3A_3 = vector.shape_cast %get3A_2 : vector<1x10000x128xf32> to vector<10000x128xf32>
    %get3A_4 = arith.constant 1 : index
    %get3A_5 = arith.constant 0 : index
    %get3A_6 = arith.constant 0 : index
    %get3A_7 = vector.load %arg0[%get3A_4, %get3A_5, %get3A_6] : memref<2x10112x128xf32, #tpu.memory_space<vmem>>, vector<1x10000x128xf32>
    %get3A_8 = vector.shape_cast %get3A_7 : vector<1x10000x128xf32> to vector<10000x128xf32>
    %add3A = arith.addf %get3A_3, %get3A_8 : vector<10000x128xf32>
    %get3A_9 = arith.constant 0 : index
    %get3A_10 = arith.constant 0 : index
    %get3A_11 = vector.load %arg1[%get3A_9, %get3A_10] : memref<10112x128xf32, #tpu.memory_space<vmem>>, vector<10000x128xf32>
    %mul3A = arith.mulf %add3A, %get3A_11 : vector<10000x128xf32>
    %reduce_sum3A = arith.constant dense<0.000000e+00> : vector<128xf32>
    %reduce_sum3A_12 = vector.multi_reduction <add>, %mul3A, %reduce_sum3A [0] : vector<10000x128xf32> to vector<128xf32>
    %broadcast_in_dim3A = vector.shape_cast %reduce_sum3A_12 : vector<128xf32> to vector<1x128xf32>
    %div3A = arith.constant 1.000000e+04 : f32
    %div3A_13 = vector.broadcast %div3A : f32 to vector<1x128xf32>
    %div3A_14 = arith.divf %broadcast_in_dim3A, %div3A_13 : vector<1x128xf32>
    %sub3A = vector.broadcast %div3A_14 : vector<1x128xf32> to vector<10000x128xf32>
    %sub3A_15 = arith.subf %mul3A, %sub3A : vector<10000x128xf32>
    %mul3A_16 = arith.mulf %sub3A_15, %sub3A_15 : vector<10000x128xf32>
    %reduce_sum3A_17 = arith.constant dense<0.000000e+00> : vector<128xf32>
    %reduce_sum3A_18 = vector.multi_reduction <add>, %mul3A_16, %reduce_sum3A_17 [0] : vector<10000x128xf32> to vector<128xf32>
    %broadcast_in_dim3A_19 = vector.shape_cast %reduce_sum3A_18 : vector<128xf32> to vector<1x128xf32>
    %div3A_20 = arith.constant 1.000000e+04 : f32
    %div3A_21 = vector.broadcast %div3A_20 : f32 to vector<1x128xf32>
    %div3A_22 = arith.divf %broadcast_in_dim3A_19, %div3A_21 : vector<1x128xf32>
    %add3A_23 = arith.constant 9.99999974E-6 : f32
    %add3A_24 = vector.broadcast %add3A_23 : f32 to vector<1x128xf32>
    %add3A_25 = arith.addf %div3A_22, %add3A_24 : vector<1x128xf32>
    %rsqrt3A = math.rsqrt %add3A_25 : vector<1x128xf32>
    %mul3A_26 = vector.broadcast %rsqrt3A : vector<1x128xf32> to vector<10000x128xf32>
    %mul3A_27 = arith.mulf %sub3A_15, %mul3A_26 : vector<10000x128xf32>
    %get3A_28 = arith.constant 0 : index
    %get3A_29 = arith.constant 0 : index
    %get3A_30 = vector.load %arg2[%get3A_28, %get3A_29] : memref<1x128xf32, #tpu.memory_space<vmem>>, vector<1x128xf32>
    %mul3A_31 = vector.broadcast %get3A_30 : vector<1x128xf32> to vector<10000x128xf32>
    %mul3A_32 = arith.mulf %mul3A_27, %mul3A_31 : vector<10000x128xf32>
    %get3A_33 = arith.constant 0 : index
    %get3A_34 = arith.constant 0 : index
    %get3A_35 = vector.load %arg3[%get3A_33, %get3A_34] : memref<1x128xf32, #tpu.memory_space<vmem>>, vector<1x128xf32>
    %add3A_36 = vector.broadcast %get3A_35 : vector<1x128xf32> to vector<10000x128xf32>
    %add3A_37 = arith.addf %mul3A_32, %add3A_36 : vector<10000x128xf32>
    %max3A = arith.constant 0.000000e+00 : f32
    %max3A_38 = vector.broadcast %max3A : f32 to vector<10000x128xf32>
    %max3A_39 = arith.maximumf %add3A_37, %max3A_38 : vector<10000x128xf32>
    %mul3A_40 = arith.mulf %max3A_39, %max3A_39 : vector<10000x128xf32>
    %reduce_sum3A_41 = arith.constant dense<0.000000e+00> : vector<10000xf32>
    %reduce_sum3A_42 = vector.multi_reduction <add>, %mul3A_40, %reduce_sum3A_41 [1] : vector<10000x128xf32> to vector<10000xf32>
    %broadcast_in_dim3A_43 = vector.shape_cast %reduce_sum3A_42 : vector<10000xf32> to vector<10000x1xf32>
    %sqrt3A = math.sqrt %broadcast_in_dim3A_43 : vector<10000x1xf32>
    %max3A_44 = arith.constant 9.99999996E-13 : f32
    %max3A_45 = vector.broadcast %max3A_44 : f32 to vector<10000x1xf32>
    %max3A_46 = arith.maximumf %sqrt3A, %max3A_45 : vector<10000x1xf32>
    %div3A_47 = vector.broadcast %max3A_46 : vector<10000x1xf32> to vector<10000x128xf32>
    %div3A_48 = arith.divf %max3A_39, %div3A_47 : vector<10000x128xf32>
    %get3A_49 = arith.constant 0 : index
    %get3A_50 = arith.constant 0 : index
    %get3A_51 = vector.load %arg4[%get3A_49, %get3A_50] : memref<128x128xf32, #tpu.memory_space<vmem>>, vector<128x128xf32>
    %dot_general3A = arith.constant dense<0.000000e+00> : vector<10000x128xf32>
    %dot_general3A_52 = tpu.matmul %div3A_48, %get3A_51, %dot_general3A {dimension_numbers = #tpu.dot_dimension_numbers<[1], [0], [0], [1], [0, 0, 1, 1], [], []>, transpose_lhs_hint = false} : vector<10000x128xf32>, vector<128x128xf32>, vector<10000x128xf32> -> vector<10000x128xf32>
    %get3A_53 = arith.constant 0 : index
    %get3A_54 = arith.constant 0 : index
    %get3A_55 = vector.load %arg5[%get3A_53, %get3A_54] : memref<1x128xf32, #tpu.memory_space<vmem>>, vector<1x128xf32>
    %add3A_56 = vector.broadcast %get3A_55 : vector<1x128xf32> to vector<10000x128xf32>
    %add3A_57 = arith.addf %dot_general3A_52, %add3A_56 : vector<10000x128xf32>
    %get3A_58 = arith.constant 0 : index
    %get3A_59 = arith.constant 0 : index
    %get3A_60 = vector.load %arg6[%get3A_58, %get3A_59] : memref<10112x128xf32, #tpu.memory_space<vmem>>, vector<10000x128xf32>
    %mul3A_61 = arith.mulf %add3A_57, %get3A_60 : vector<10000x128xf32>
    %swap3A = arith.constant 0 : index
    %swap3A_62 = arith.constant 0 : index
    %swap3A_63 = vector.load %arg7[%swap3A, %swap3A_62] : memref<10016x128xf32, #tpu.memory_space<vmem>>, vector<10000x128xf32>
    tpu.vector_store %arg7[%swap3A, %swap3A_62], %mul3A_61 {strides = array<i32>} : memref<10016x128xf32, #tpu.memory_space<vmem>>, vector<10000x128xf32>,
    %broadcast_in_dim3A_64 = arith.constant 0.000000e+00 : f32
    %broadcast_in_dim3A_65 = vector.broadcast %broadcast_in_dim3A_64 : f32 to vector<16x128xf32>
    %swap3A_66 = arith.constant 10000 : index
    %swap3A_67 = arith.constant 0 : index
    %swap3A_68 = vector.load %arg7[%swap3A_66, %swap3A_67] : memref<10016x128xf32, #tpu.memory_space<vmem>>, vector<16x128xf32>
    tpu.vector_store %arg7[%swap3A_66, %swap3A_67], %broadcast_in_dim3A_65 {strides = array<i32>} : memref<10016x128xf32, #tpu.memory_space<vmem>>, vector<16x128xf32>,
    return
  }
}

module attributes {stable_mosaic.version = 14 : i64} {
  func.func @_final_body(%arg0: memref<2x10112x128xf32, #tpu.memory_space<vmem>>, %arg1: memref<10112x128xf32, #tpu.memory_space<vmem>>, %arg2: memref<1x128xf32, #tpu.memory_space<vmem>>, %arg3: memref<1x128xf32, #tpu.memory_space<vmem>>, %arg4: memref<10000x128xf32, #tpu.memory_space<vmem>>) attributes {dimension_semantics = [], scalar_prefetch = 0 : i64, scratch_operands = 0 : i64, tpu.core_type = #tpu.core_type<tc>} {
    %get3A = arith.constant 0 : index
    %get3A_0 = arith.constant 0 : index
    %get3A_1 = arith.constant 0 : index
    %get3A_2 = vector.load %arg0[%get3A, %get3A_0, %get3A_1] : memref<2x10112x128xf32, #tpu.memory_space<vmem>>, vector<1x10000x128xf32>
    %get3A_3 = vector.shape_cast %get3A_2 : vector<1x10000x128xf32> to vector<10000x128xf32>
    %get3A_4 = arith.constant 1 : index
    %get3A_5 = arith.constant 0 : index
    %get3A_6 = arith.constant 0 : index
    %get3A_7 = vector.load %arg0[%get3A_4, %get3A_5, %get3A_6] : memref<2x10112x128xf32, #tpu.memory_space<vmem>>, vector<1x10000x128xf32>
    %get3A_8 = vector.shape_cast %get3A_7 : vector<1x10000x128xf32> to vector<10000x128xf32>
    %add3A = arith.addf %get3A_3, %get3A_8 : vector<10000x128xf32>
    %get3A_9 = arith.constant 0 : index
    %get3A_10 = arith.constant 0 : index
    %get3A_11 = vector.load %arg1[%get3A_9, %get3A_10] : memref<10112x128xf32, #tpu.memory_space<vmem>>, vector<10000x128xf32>
    %mul3A = arith.mulf %add3A, %get3A_11 : vector<10000x128xf32>
    %reduce_sum3A = arith.constant dense<0.000000e+00> : vector<128xf32>
    %reduce_sum3A_12 = vector.multi_reduction <add>, %mul3A, %reduce_sum3A [0] : vector<10000x128xf32> to vector<128xf32>
    %broadcast_in_dim3A = vector.shape_cast %reduce_sum3A_12 : vector<128xf32> to vector<1x128xf32>
    %div3A = arith.constant 1.000000e+04 : f32
    %div3A_13 = vector.broadcast %div3A : f32 to vector<1x128xf32>
    %div3A_14 = arith.divf %broadcast_in_dim3A, %div3A_13 : vector<1x128xf32>
    %sub3A = vector.broadcast %div3A_14 : vector<1x128xf32> to vector<10000x128xf32>
    %sub3A_15 = arith.subf %mul3A, %sub3A : vector<10000x128xf32>
    %mul3A_16 = arith.mulf %sub3A_15, %sub3A_15 : vector<10000x128xf32>
    %reduce_sum3A_17 = arith.constant dense<0.000000e+00> : vector<128xf32>
    %reduce_sum3A_18 = vector.multi_reduction <add>, %mul3A_16, %reduce_sum3A_17 [0] : vector<10000x128xf32> to vector<128xf32>
    %broadcast_in_dim3A_19 = vector.shape_cast %reduce_sum3A_18 : vector<128xf32> to vector<1x128xf32>
    %div3A_20 = arith.constant 1.000000e+04 : f32
    %div3A_21 = vector.broadcast %div3A_20 : f32 to vector<1x128xf32>
    %div3A_22 = arith.divf %broadcast_in_dim3A_19, %div3A_21 : vector<1x128xf32>
    %add3A_23 = arith.constant 9.99999974E-6 : f32
    %add3A_24 = vector.broadcast %add3A_23 : f32 to vector<1x128xf32>
    %add3A_25 = arith.addf %div3A_22, %add3A_24 : vector<1x128xf32>
    %rsqrt3A = math.rsqrt %add3A_25 : vector<1x128xf32>
    %mul3A_26 = vector.broadcast %rsqrt3A : vector<1x128xf32> to vector<10000x128xf32>
    %mul3A_27 = arith.mulf %sub3A_15, %mul3A_26 : vector<10000x128xf32>
    %get3A_28 = arith.constant 0 : index
    %get3A_29 = arith.constant 0 : index
    %get3A_30 = vector.load %arg2[%get3A_28, %get3A_29] : memref<1x128xf32, #tpu.memory_space<vmem>>, vector<1x128xf32>
    %mul3A_31 = vector.broadcast %get3A_30 : vector<1x128xf32> to vector<10000x128xf32>
    %mul3A_32 = arith.mulf %mul3A_27, %mul3A_31 : vector<10000x128xf32>
    %get3A_33 = arith.constant 0 : index
    %get3A_34 = arith.constant 0 : index
    %get3A_35 = vector.load %arg3[%get3A_33, %get3A_34] : memref<1x128xf32, #tpu.memory_space<vmem>>, vector<1x128xf32>
    %add3A_36 = vector.broadcast %get3A_35 : vector<1x128xf32> to vector<10000x128xf32>
    %add3A_37 = arith.addf %mul3A_32, %add3A_36 : vector<10000x128xf32>
    %max3A = arith.constant 0.000000e+00 : f32
    %max3A_38 = vector.broadcast %max3A : f32 to vector<10000x128xf32>
    %max3A_39 = arith.maximumf %add3A_37, %max3A_38 : vector<10000x128xf32>
    %mul3A_40 = arith.mulf %max3A_39, %max3A_39 : vector<10000x128xf32>
    %reduce_sum3A_41 = arith.constant dense<0.000000e+00> : vector<10000xf32>
    %reduce_sum3A_42 = vector.multi_reduction <add>, %mul3A_40, %reduce_sum3A_41 [1] : vector<10000x128xf32> to vector<10000xf32>
    %broadcast_in_dim3A_43 = vector.shape_cast %reduce_sum3A_42 : vector<10000xf32> to vector<10000x1xf32>
    %sqrt3A = math.sqrt %broadcast_in_dim3A_43 : vector<10000x1xf32>
    %max3A_44 = arith.constant 9.99999996E-13 : f32
    %max3A_45 = vector.broadcast %max3A_44 : f32 to vector<10000x1xf32>
    %max3A_46 = arith.maximumf %sqrt3A, %max3A_45 : vector<10000x1xf32>
    %div3A_47 = vector.broadcast %max3A_46 : vector<10000x1xf32> to vector<10000x128xf32>
    %div3A_48 = arith.divf %max3A_39, %div3A_47 : vector<10000x128xf32>
    %mul3A_49 = arith.mulf %div3A_48, %div3A_48 : vector<10000x128xf32>
    %reduce_sum3A_50 = arith.constant dense<0.000000e+00> : vector<10000xf32>
    %reduce_sum3A_51 = vector.multi_reduction <add>, %mul3A_49, %reduce_sum3A_50 [1] : vector<10000x128xf32> to vector<10000xf32>
    %broadcast_in_dim3A_52 = vector.shape_cast %reduce_sum3A_51 : vector<10000xf32> to vector<10000x1xf32>
    %sqrt3A_53 = math.sqrt %broadcast_in_dim3A_52 : vector<10000x1xf32>
    %max3A_54 = arith.constant 9.99999996E-13 : f32
    %max3A_55 = vector.broadcast %max3A_54 : f32 to vector<10000x1xf32>
    %max3A_56 = arith.maximumf %sqrt3A_53, %max3A_55 : vector<10000x1xf32>
    %div3A_57 = vector.broadcast %max3A_56 : vector<10000x1xf32> to vector<10000x128xf32>
    %div3A_58 = arith.divf %div3A_48, %div3A_57 : vector<10000x128xf32>
    %swap3A = arith.constant 0 : index
    %swap3A_59 = arith.constant 0 : index
    %swap3A_60 = vector.load %arg4[%swap3A, %swap3A_59] : memref<10000x128xf32, #tpu.memory_space<vmem>>, vector<10000x128xf32>
    tpu.vector_store %arg4[%swap3A, %swap3A_59], %div3A_58 {strides = array<i32>} : memref<10000x128xf32, #tpu.memory_space<vmem>>, vector<10000x128xf32>,
    return
  }
}

</mosaic_0001>

<sc_bundles>
// kernel: kernel.12.cloned.1.call-start
scs
__scs_entry_jumppad:
0x0: {  	(pc) =	sbr.rel $0x88, $3  }
0x1: {  	(tag) =	ssettag $0x0;
	lr =	simm.s32 $0x1  }
0x2: {  	[smem:$0x3F97] =	sst lr;
	_ =	strace $0xD0000000  }
0x3: {  	_ = 	snop  }
0x4: {  	_ = 	snop  }
0x5: {  	_ = 	snop  }
0x6: {  	_ = 	snop  }
0x7: {  	_ = 	snop  }
__scs_overlays_trampoline_lowered:
0x8: {  	[smem:$0x3FA6] =	sst s0  }
0x9: {  	[smem:$0x3FA7] =	sst s1  }
0xa: {  	[smem:$0x3FA8] =	sst s2  }
0xb: {  	[smem:$0x3FA9] =	sst s3  }
0xc: {  	[smem:$0x3FAA] =	sst s4  }
0xd: {  	[smem:$0x3FAB] =	sst s5  }
0xe: {  	[smem:$0x3FAC] =	sst s6  }
0xf: {  	[smem:$0x3FAD] =	sst s7  }
0x10: {  	[smem:$0x3FAE] =	sst s8  }
0x11: {  	[smem:$0x3FAF] =	sst s9;
	s0 =	simm.s32 @!p0 $0x0  }
0x12: {  	s1 =	sld [smem:$0x3F95];
	s0 =	simm.s32 @p0 $0x1  }
0x13: {  	[smem:$0x3FB0] =	sst s0;
	s0 =	simm.s32 @!p1 $0x0  }
0x14: {  	s2 =	sld [smem:$0x3F94];
	s0 =	simm.s32 @p1 $0x1  }
0x15: {  	[smem:$0x3FB1] =	sst s0;
	s0 =	simm.s32 @!p2 $0x0  }
0x16: {  	s3 =	sld [smem:$0x3FDB];
	s0 =	simm.s32 @p2 $0x1  }
0x17: {  	s4 =	simm.s32 $0x1BF5;
	[smem:$0x3FB3] =	sst s0  }
0x18: {  	s0 =	sld [smem:$0x3F96];
	_ =	swait.ge [sflag:s4], $0x0  }
0x19: {  	s7 =	sld [smem:$0x3F97]  }
0x1a: {  	s8 =	sadd.s32 $0xFFFFE003, lr  }
0x1b: {  	s9 =	sadd.s32 $0xFFFFFEF7, lr;
	s5 =	simm.s32 $0xFFFFFFFF;
	p2 =	slt.u32 s8, $0xFFFFF086  }
0x1c: {  	p1 =	slt.u32 s9, $0xF7A;
	s5 =	simm.s32 @!p2 $0x0  }
0x1d: {  	s5 =	simm.s32 @p1 $0x1;
	p0 =	seq.s32 s7, s2  }
0x1e: {  	s7 =	smul.u32 @!p0 $0xF7A, s2;
	p2 =	seq.s32 @!p0 s5, $0x0  }
0x1f: {  	s9 =	smul.u32 $0xF7A, s1;
	s8 =	simm.s32 @!p0 $0x1BF5;
	p2 =	por !p2, p0  }
0x20: {  	[sflag:s8] =	ssyncset.s32 @!p0 $0xFFFFF086;
	s6 =	sadd.s32 @!p0 s3, s7;
	s7 =	simm.s32 @!p0 $0x108  }
0x21: {  	s3 =	sadd.s32 s3, s9;
	s6 =	sadd.s32 @!p0 $0x88, s6;
	s7 =	simm.s32 @p2 $0x1082  }
0x22: {  	[simem:s7], [sflag:s8] =	dma.local @!p0 [hbm:s6], $0xF7A  }
0x23: {  	s9 =	sor.u32 $0xD0000000, s2;
	s6 =	simm.s32 $0x108;
	_ =	swait.ge @!p0 [sflag:s8], $0x0  }
0x24: {  	s3 =	sadd.s32 $0x88, s3;
	s6 =	simm.s32 @!p1 $0x1082;
	[sflag:s4] =	ssyncset.s32 $0xFFFFF086  }
0x25: {  	[simem:s6], [sflag:s4] =	dma.local [hbm:s3], $0xF7A  }
0x26: {  	[smem:$0x3F97] =	sst s1;
	(tag) =	ssettag s2;
	_ =	strace s9  }
0x27: {  	s1 =	sld [smem:$0x3FA7]  }
0x28: {  	s2 =	sld [smem:$0x3FA8]  }
0x29: {  	s4 =	sld [smem:$0x3FAA]  }
0x2a: {  	p0 =	seq.s32 s5, $0x0;
	s5 =	sld [smem:$0x3FAB]  }
0x2b: {  	s6 =	sld [smem:$0x3FAC]  }
0x2c: {  	s7 =	sld [smem:$0x3FAD]  }
0x2d: {  	s3 =	simm.s32 $0x108;
	s8 =	sld [smem:$0x3FAE]  }
0x2e: {  	s3 =	simm.s32 @!p0 $0x1082;
	s9 =	sld [smem:$0x3FAF]  }
0x2f: {  	lr =	sadd.s32 s0, s3;
	s0 =	sld [smem:$0x3FA6]  }
0x30: {  	s3 =	sld [smem:$0x3FA9]  }
0x31: {  	[smem:$0x3FB2] =	sst s10  }
0x32: {  	s10 =	sld [smem:$0x3FB0];
	_ =	sdelay $0x3  }
0x33: {  	p0 =	seq.s32 s10, $0x1;
	s10 =	sld [smem:$0x3FB2];
	_ =	sdelay $0x3  }
0x34: {  	[smem:$0x3FB2] =	sst s10  }
0x35: {  	s10 =	sld [smem:$0x3FB1];
	_ =	sdelay $0x3  }
0x36: {  	p1 =	seq.s32 s10, $0x1;
	s10 =	sld [smem:$0x3FB2];
	_ =	sdelay $0x3  }
0x37: {  	[smem:$0x3FB2] =	sst s10  }
0x38: {  	s10 =	sld [smem:$0x3FB3]  }
0x39: {  	_ = 	snop;
	(pc) =	sbr.ind lr, $3  }
0x3a: {  	_ = 	snop  }
0x3b: {  	_ = 	snop  }
0x3c: {  	p2 =	seq.s32 s10, $0x1;
	s10 =	sld [smem:$0x3FB2]  }
0x3d: {  	_ =	shalt  }
0x3e: {  	_ =	shalt  }
0x3f: {  	_ =	shalt  }
0x40: {  	_ =	shalt  }
0x41: {  	_ =	shalt  }
0x42: {  	_ =	shalt  }
0x43: {  	_ =	shalt  }
0x44: {  	_ =	shalt  }
0x45: {  	_ =	shalt  }
0x46: {  	_ =	shalt  }
0x47: {  	_ =	shalt  }
0x48: {  	_ =	shalt  }
0x49: {  	_ =	shalt  }
0x4a: {  	_ =	shalt  }
0x4b: {  	_ =	shalt  }
0x4c: {  	_ =	shalt  }
0x4d: {  	_ =	shalt  }
0x4e: {  	_ =	shalt  }
0x4f: {  	_ =	shalt  }
0x50: {  	_ =	shalt  }
0x51: {  	_ =	shalt  }
0x52: {  	_ =	shalt  }
0x53: {  	_ =	shalt  }
0x54: {  	_ =	shalt  }
0x55: {  	_ =	shalt  }
0x56: {  	_ =	shalt  }
0x57: {  	_ =	shalt  }
0x58: {  	_ =	shalt  }
0x59: {  	_ =	shalt  }
0x5a: {  	_ =	shalt  }
0x5b: {  	_ =	shalt  }
0x5c: {  	_ =	shalt  }
0x5d: {  	_ =	shalt  }
0x5e: {  	_ =	shalt  }
0x5f: {  	_ =	shalt  }
0x60: {  	_ =	shalt  }
0x61: {  	_ =	shalt  }
0x62: {  	_ =	shalt  }
0x63: {  	_ =	shalt  }
0x64: {  	_ =	shalt  }
0x65: {  	_ =	shalt  }
0x66: {  	_ =	shalt  }
0x67: {  	_ =	shalt  }
0x68: {  	_ =	shalt  }
0x69: {  	_ =	shalt  }
0x6a: {  	_ =	shalt  }
0x6b: {  	_ =	shalt  }
0x6c: {  	_ =	shalt  }
0x6d: {  	_ =	shalt  }
0x6e: {  	_ =	shalt  }
0x6f: {  	_ =	shalt  }
0x70: {  	_ =	shalt  }
0x71: {  	_ =	shalt  }
0x72: {  	_ =	shalt  }
0x73: {  	_ =	shalt  }
0x74: {  	_ =	shalt  }
0x75: {  	_ =	shalt  }
0x76: {  	_ =	shalt  }
0x77: {  	_ =	shalt  }
0x78: {  	_ =	shalt  }
0x79: {  	_ =	shalt  }
0x7a: {  	_ =	shalt  }
0x7b: {  	_ =	shalt  }
0x7c: {  	_ =	shalt  }
0x7d: {  	_ =	shalt  }
0x7e: {  	_ =	shalt  }
0x7f: {  	_ =	shalt  }
0x80: {  	_ =	shalt  }
0x81: {  	_ =	shalt  }
0x82: {  	_ =	shalt  }
0x83: {  	_ =	shalt  }
0x84: {  	_ =	shalt  }
0x85: {  	_ =	shalt  }
0x86: {  	_ =	shalt  }
0x87: {  	_ =	shalt  }
.Lfunc_end0:
.L_simem_size_0:
called_computation.1_lowered:
.L_overlay_start_0:
0x88: {  	s2 =	sld [smem:$0x3FD9]  }
0x89: {  	s3 =	sld [smem:$0x3FFE];
	_ =	sdelay $0x1  }
0x8a: {  	s1 =	srdreg.scid  }
0x8b: {  	s0 =	sand.u32 $0x1, s1  }
0x8c: {  	s16 =	sshll.u32 s0, $0xA;
	s2 =	sadd.s32 s3, s2  }
0x8d: {  	s2 =	sadd.s32 s2, s16  }
0x8e: {  	[smem:$0x3FBE] =	sst s2  }
0x8f: {  	_ = 	snop  }
0x90: {  	(tm) =	ssettm $0x1  }
0x91: {  	s17 =	sld [smem:$0x3FFB];
	_ =	sdelay $0x3  }
0x92: {  	_ =	strace s17  }
0x93: {  	s2 =	sld [smem:$0x3FFC];
	_ =	sdelay $0x3  }
0x94: {  	_ =	strace s2  }
0x95: {  	s2 =	sld [smem:$0x3FFD];
	_ =	sdelay $0x3  }
0x96: {  	_ =	strace s2  }
0x97: {  	_ =	strace $0x8FFFFFFF  }
0x98: {  	s18 =	sld [smem:$0x3FDB];
	_ =	sdelay $0x1  }
0x99: {  	s19 =	simm.s32 $_scs_section_size  }
0x9a: {  	s4 =	simm.s32 $_size__tile_overlayer_lowered;
	s5 =	simm.s32 $_tile_overlayer_lowered  }
0x9b: {  	s22 =	simm.s32 $0x1BFF;
	s21 =	sshll.u32 s5, $0x1;
	s2 =	sadd.s32 s19, s18  }
0x9c: {  	s6 =	simm.s32 $0x0;
	s20 =	sshll.u32 s4, $0x1;
	s4 =	sadd.s32 s21, s2  }
0x9d: {  	[timem:s6], [sflag:s22] =	dma.local [hbm:s4], s20  }
0x9e: {  	_ =	swait.ge [sflag:s22], s20  }
0x9f: {  	s3 =	ssub.s32 $0x0, s20;
	[sflag:s22] =	ssyncset.done $0x0  }
0xa0: {  	[sflag:s22] =	ssyncadd.s32 s3;
	_ =	sdelay $0x1  }
0xa1: {  	s23 =	simm.s32 $0x1B8B  }
0xa2: {  	_ =	swait.ge [sflag:s23], $0x1  }
0xa3: {  	[sflag:s23] =	ssyncset.done $0x0  }
0xa4: {  	s25 =	simm.s32 $0x1B8E;
	s24 =	sld [smem:$0x3FFE];
	[sflag:s23] =	ssyncadd.s32 $0xFFFFFFFF  }
0xa5: {  	s26 =	simm.s32 $execute0_lowered;
	[smem:$0x3FD2] =	sst s25  }
0xa6: {  	s4 =	sshll.u32 s26, $0x1;
	_ =	strace $0x80000049;
	[dreg:$0x1] =	wrdreg $0xFFFFFFFF  }
0xa7: {  	s28 =	simm.s32 $_size_execute0_lowered;
	s2 =	sadd.s32 s2, s4;
	[dreg:$0x0] =	wrdreg $0x0  }
0xa8: {  	s4 =	sshll.u32 s28, $0x1;
	[dreg:$0x2] =	wrdreg s2  }
0xa9: {  	[dreg:$0x3] =	wrdreg s4  }
0xaa: {  	[dreg:$0x4] =	wrdreg $0xC0  }
0xab: {  	_ =	task [dreg:s6], $0x5FFFF  }
0xac: {  	[dreg:$0x1] =	wrdreg $0xFFFFFFFF  }
0xad: {  	[dreg:$0x0] =	wrdreg $0x60  }
0xae: {  	[dreg:$0x2] =	wrdreg s24  }
0xaf: {  	[dreg:$0x3] =	wrdreg $0xA8000  }
0xb0: {  	[dreg:$0x4] =	wrdreg $0x9  }
0xb1: {  	_ =	task.clear_ibuf [dreg:s6], $0x5FFFF;
	_ =	strace $0x90000049  }
0xb2: {  	s29 =	simm.s32 $0x9;
	_ =	strace $0x8000004B  }
0xb3: {  	_ =	swait.ge [sflag:s29], $0x1  }
0xb4: {  	[sflag:s29] =	ssyncadd.s32 $0xFFFFFFFF  }
0xb5: {  	_ =	strace $0x9000004B  }
0xb6: {  	_ =	sfence  }
0xb7: {  	s30 =	sld [smem:$0x0];
	_ =	sdelay $0x2  }
0xb8: {  	s31 =	sshll.u32 s1, $0xD;
	s1 =	sshrl.u32 s1, $0x2  }
0xb9: {  	s3 =	sand.u32 $0x4000, s31;
	s1 =	sadd.s32 s1, s30  }
0xba: {  	s0 =	sor.u32 s3, s0;
	s1 =	sshll.u32 s1, $0x11  }
0xbb: {  	s0 =	sor.u32 s1, s0  }
0xbc: {  	s0 =	sadd.s32 $0x8F2B, s0  }
0xbd: {  	[sflag:s0] =	ssyncadd.remote.s32 $0x1  }
0xbe: {  	_ =	sfence.sel $0xFFFF  }
0xbf: {  	[dreg:$0x0] =	wrdreg $0xFFFFFFFF;
	(pc) =	sbr.abs _section_cstart, $3  }
0xc0: {  	[dreg:$0x1] =	wrdreg $0xFFFFFFFF  }
0xc1: {  	_ =	task.clear_ibuf [dreg:s6], $0x2FFFF;
	_ =	strace $0x9FFFFFFF  }
0xc2: {  	(tm) =	ssettm $0x7FFFFFFF  }
0xc3: {  	_ =	shalt  }
tec
execute0_lowered:
.L_overlay_start_1:
0x0: {  	(tag) =	ssettag $0x1  }
0x1: {  	s6 =	rddreg [dreg:$0x0]  }
0x2: {  	s1 =	rddreg [dreg:$0x1];
	s2 =	srdreg.scid;
	s3 =	simm.s32 $0x0  }
0x3: {  	s21 =	simm.s32 $0x2800;
	s22 =	simm.s32 $0x6800;
	s23 =	simm.s32 $0x1  }
0x4: {  	s24 =	simm.s32 $0x2;
	s25 =	simm.s32 $0x3;
	s17 =	sand.u32 $0x1, s2  }
0x5: {  	s28 =	simm.s32 $0x2700;
	s2 =	stileid.u32;
	s5 =	smul.u32 $0x13C000, s17  }
0x6: {  	s29 =	simm.s32 $0x2780;
	[smem:$0x7FF] =	sst s3;
	s7 =	smul.u32 $0x13C00, s2  }
0x7: {  	s4 =	sadd.s32 $0x5600, s6;
	s13 =	sadd.s32 $0x60E00, s6;
	s8 =	smul.u32 $0x280, s2  }
0x8: {  	s14 =	sadd.s32 $0x56E00, s6;
	_ =	strace $0x8000004A;
	s9 =	smul.u32 $0x4F000, s2  }
0x9: {  	s26 =	ssub.s32 $0x2, s17;
	s10 =	smul.u32 $0x3C00, s2;
	s31 =	sshll.u32 s2, $0x6  }
0xa: {  	p0 =	sne.s32 s17, $0x0;
	s30 =	sshrl.u32 s26, $0x1;
	s5 =	sadd.s32 s7, s5  }
0xb: {  	s8 =	sadd.s32 s8, s6;
	s9 =	sshrl.u32 s9, $0x2;
	s16 =	ssub.s32 s26, s30  }
0xc: {  	s12 =	sshrl.u32 s10, $0x3;
	s26 =	simm.s32 $0x4;
	s7 =	sshrl.u32 s5, $0x3  }
0xd: {  	s5 =	sadd.s32 $0x2E00, s6;
	s18 =	sadd.s32 s9, s1;
	s9 =	sadd.s32 s13, s12  }
0xe: {  	s19 =	sadd.s32 $0x280, s12;
	s10 =	sadd.s32 s14, s12;
	s20 =	sadd.s32 $0x500, s12  }
.Ltmp0:
0xf: {  	s16 =	smax.u32 s16, $0x1;
	s15 =	sadd.s32 s7, s6;
	(pc) =	sbr.rel .LBB2_1-.Ltmp0, $4  }
0x10: {  	s6 =	sor.u32 $0x1C05, s31;
	s7 =	sadd.s32 $0x5E600, s8;
	s8 =	sadd.s32 $0x54600, s8  }
0x11: {  	s11 =	sadd.s32 s13, s19;
	s12 =	sadd.s32 s14, s19;
	s13 =	sadd.s32 s13, s20  }
0x12: {  	s14 =	sadd.s32 s14, s20;
	s17 =	sshrl.u32 s18, $0x3;
	s18 =	simm.s32 $0x5  }
0x13: {  	s19 =	simm.s32 $0x1400;
	s20 =	simm.s32 $0x80;
	s15 =	sadd.s32 $0x68600, s15  }
.LBB2_11:
0x14: {  	[tilespmem:s22], [sflag:$0x2] =	stream.indirect.gather [hbm4b:s4+s20], $0x80, s31, s20, $0xb8;
	[tilespmem:$0x1E400] =	vst v63  }
.LBB2_12:
0x15: {  	_ =	swait.ge [sflag:s23], $0x4000  }
0x16: {  	[sflag:s23] =	ssyncset.done $0x0  }
0x17: {  	[sflag:s23] =	ssyncadd.s32 $0xFFFFC000  }
0x18: {  	[spmem:s1] =	stream.indirect.scatter.add.f32 [tilespmem:s21], [sflag:$0x3], $0x80, s28, s20, $0xb8;
	[tilespmem:$0x1E400] =	vst v63  }
0x19: {  	_ =	swait.ge [sflag:s24], $0x4000  }
0x1a: {  	[sflag:s24] =	ssyncset.done $0x0  }
0x1b: {  	[sflag:s24] =	ssyncadd.s32 $0xFFFFC000  }
0x1c: {  	[spmem:s1] =	stream.indirect.scatter.add.f32 [tilespmem:s22], [sflag:$0x4], $0x80, s29, s20, $0xb8;
	[tilespmem:$0x1E400] =	vst v63  }
0x1d: {  	_ =	swait.ge [sflag:s25], $0x4000  }
0x1e: {  	[sflag:s25] =	ssyncset.done $0x0  }
0x1f: {  	[sflag:s25] =	ssyncadd.s32 $0xFFFFC000  }
0x20: {  	_ =	swait.ge [sflag:s26], $0x4000  }
0x21: {  	s3 =	sadd.s32 $0x1, s3;
	[sflag:s26] =	ssyncset.done $0x0  }
0x22: {  	p1 =	sne.s32 s3, s16;
	[sflag:s26] =	ssyncadd.s32 $0xFFFFC000  }
.Ltmp1:
0x23: {  	[bflag:$0x0] =	sbarrier.arrive $0xFFFF;
	(pc) =	sbr.rel @!p1 .LBB2_13-.Ltmp1, $4  }
0x24: {  	[hbm:s15], [sflag:s6] =	dma.local [spmem:s17], $0x2780  }
0x25: {  	_ =	swait.ge [sflag:s18], $0x2780  }
0x26: {  	[sflag:s18] =	ssyncset.done $0x0  }
0x27: {  	[sflag:s18] =	ssyncadd.s32 $0xFFFFD880  }
.LBB2_1:
0x28: {  	[spmem:s17], [sflag:s6] =	dma.local [hbm:s5], $0x2780  }
.Ltmp2:
0x29: {  	_ =	swait.ge [sflag:s18], $0x2780;
	(pc) =	sbr.rel @p0 .LBB2_9-.Ltmp2, $3  }
0x2a: {  	[sflag:s18] =	ssyncset.done $0x0  }
0x2b: {  	[sflag:s18] =	ssyncadd.s32 $0xFFFFD880  }
0x2c: {  	[bflag:$0x0] =	sbarrier.arrive $0xFFFF;
	_ =	sdelay $0x1  }
0x2d: {  	s30 =	simm.s32 $0x0  }
0x2e: {  	[tilespmem:s30], [sflag:$0x5] =	stream.linear.gather [hbm4b:s9+s30], $0x1400, $0x38;
	[tilespmem:$0x1E400] =	vst v63  }
0x2f: {  	_ =	swait.ge [sflag:s18], $0x1400  }
0x30: {  	[sflag:s18] =	ssyncset.done $0x0  }
0x31: {  	[sflag:s18] =	ssyncadd.s32 $0xFFFFEC00  }
0x32: {  	[tilespmem:s19], [sflag:$0x5] =	stream.linear.gather [hbm4b:s10+s30], $0x1400, $0x38;
	[tilespmem:$0x1E400] =	vst v63  }
0x33: {  	_ =	swait.ge [sflag:s18], $0x1400  }
0x34: {  	[sflag:s18] =	ssyncset.done $0x0  }
0x35: {  	[sflag:s18] =	ssyncadd.s32 $0xFFFFEC00  }
0x36: {  	[tilespmem:s21], [sflag:$0x1] =	stream.indirect.gather [hbm4b:s4+s20], $0x80, s30, s20, $0xb8;
	[tilespmem:$0x1E400] =	vst v63  }
0x37: {  	_ = 	snop  }
0x38: {  	[tilespmem:s22], [sflag:$0x2] =	stream.indirect.gather [hbm4b:s4+s20], $0x80, s20, s20, $0xb8;
	[tilespmem:$0x1E400] =	vst v63  }
0x39: {  	_ =	swait.ge [sflag:s23], $0x4000  }
0x3a: {  	[sflag:s23] =	ssyncset.done $0x0  }
0x3b: {  	s30 =	simm.s32 $0x1400;
	[sflag:s23] =	ssyncadd.s32 $0xFFFFC000  }
0x3c: {  	[spmem:s1] =	stream.indirect.scatter.add.f32 [tilespmem:s21], [sflag:$0x3], $0x80, s30, s20, $0xb8;
	[tilespmem:$0x1E400] =	vst v63  }
0x3d: {  	_ =	swait.ge [sflag:s24], $0x4000  }
0x3e: {  	[sflag:s24] =	ssyncset.done $0x0  }
0x3f: {  	s30 =	simm.s32 $0x1480;
	[sflag:s24] =	ssyncadd.s32 $0xFFFFC000  }
0x40: {  	[spmem:s1] =	stream.indirect.scatter.add.f32 [tilespmem:s22], [sflag:$0x4], $0x80, s30, s20, $0xb8;
	[tilespmem:$0x1E400] =	vst v63  }
0x41: {  	_ =	swait.ge [sflag:s25], $0x4000  }
0x42: {  	[sflag:s25] =	ssyncset.done $0x0  }
0x43: {  	s30 =	simm.s32 $0x100;
	[sflag:s25] =	ssyncadd.s32 $0xFFFFC000  }
0x44: {  	[tilespmem:s21], [sflag:$0x1] =	stream.indirect.gather [hbm4b:s4+s20], $0x80, s30, s20, $0xb8;
	[tilespmem:$0x1E400] =	vst v63  }
0x45: {  	_ =	swait.ge [sflag:s26], $0x4000  }
0x46: {  	[sflag:s26] =	ssyncset.done $0x0  }
0x47: {  	s31 =	simm.s32 $0x180;
	s30 =	simm.s32 $0x400;
	[sflag:s26] =	ssyncadd.s32 $0xFFFFC000  }
.LBB2_3:
0x48: {  	[tilespmem:s22], [sflag:$0x2] =	stream.indirect.gather [hbm4b:s4+s20], $0x80, s31, s20, $0xb8;
	[tilespmem:$0x1E400] =	vst v63  }
0x49: {  	s31 =	smov.u32 s30  }
0x4a: {  	p1 =	sne.s32 s30, $0x4800;
	s30 =	sadd.s32 $0x400, s30;
	_ =	swait.ge [sflag:s23], $0x4000  }
0x4b: {  	s31 =	sshra.s32 s31, $0x2;
	[sflag:s23] =	ssyncset.done $0x0  }
0x4c: {  	s0 =	sadd.s32 $0x1400, s31;
	[sflag:s23] =	ssyncadd.s32 $0xFFFFC000  }
0x4d: {  	[spmem:s1] =	stream.indirect.scatter.add.f32 [tilespmem:s21], [sflag:$0x3], $0x80, s0, s20, $0xb8;
	[tilespmem:$0x1E400] =	vst v63  }
0x4e: {  	_ =	swait.ge [sflag:s24], $0x4000  }
0x4f: {  	[sflag:s24] =	ssyncset.done $0x0  }
0x50: {  	s0 =	sadd.s32 $0x1480, s31;
	[sflag:s24] =	ssyncadd.s32 $0xFFFFC000  }
0x51: {  	[spmem:s1] =	stream.indirect.scatter.add.f32 [tilespmem:s22], [sflag:$0x4], $0x80, s0, s20, $0xb8;
	[tilespmem:$0x1E400] =	vst v63  }
0x52: {  	_ =	swait.ge [sflag:s25], $0x4000  }
0x53: {  	[sflag:s25] =	ssyncset.done $0x0  }
.Ltmp3:
0x54: {  	s0 =	sadd.s32 $0x100, s31;
	[sflag:s25] =	ssyncadd.s32 $0xFFFFC000;
	(pc) =	sbr.rel @p1 .LBB2_3-.Ltmp3, $4  }
0x55: {  	[tilespmem:s21], [sflag:$0x1] =	stream.indirect.gather [hbm4b:s4+s20], $0x80, s0, s20, $0xb8;
	[tilespmem:$0x1E400] =	vst v63  }
0x56: {  	_ =	swait.ge [sflag:s26], $0x4000  }
0x57: {  	[sflag:s26] =	ssyncset.done $0x0  }
0x58: {  	s31 =	sadd.s32 $0x180, s31;
	[sflag:s26] =	ssyncadd.s32 $0xFFFFC000  }
0x59: {  	[tilespmem:s22], [sflag:$0x2] =	stream.indirect.gather [hbm4b:s4+s20], $0x80, s31, s20, $0xb8;
	[tilespmem:$0x1E400] =	vst v63  }
0x5a: {  	_ =	swait.ge [sflag:s23], $0x4000  }
0x5b: {  	[sflag:s23] =	ssyncset.done $0x0  }
0x5c: {  	[sflag:s23] =	ssyncadd.s32 $0xFFFFC000  }
0x5d: {  	[spmem:s1] =	stream.indirect.scatter.add.f32 [tilespmem:s21], [sflag:$0x3], $0x80, s28, s20, $0xb8;
	[tilespmem:$0x1E400] =	vst v63  }
0x5e: {  	_ =	swait.ge [sflag:s24], $0x4000  }
0x5f: {  	[sflag:s24] =	ssyncset.done $0x0  }
0x60: {  	[sflag:s24] =	ssyncadd.s32 $0xFFFFC000  }
0x61: {  	[spmem:s1] =	stream.indirect.scatter.add.f32 [tilespmem:s22], [sflag:$0x4], $0x80, s29, s20, $0xb8;
	[tilespmem:$0x1E400] =	vst v63  }
0x62: {  	_ =	swait.ge [sflag:s25], $0x4000  }
0x63: {  	[sflag:s25] =	ssyncset.done $0x0  }
0x64: {  	[sflag:s25] =	ssyncadd.s32 $0xFFFFC000  }
0x65: {  	_ =	swait.ge [sflag:s26], $0x4000  }
0x66: {  	[sflag:s26] =	ssyncset.done $0x0  }
0x67: {  	s0 =	simm.s32 $0x0;
	[sflag:s26] =	ssyncadd.s32 $0xFFFFC000  }
0x68: {  	[tilespmem:s0], [sflag:$0x5] =	stream.linear.gather [hbm4b:s11+s0], $0x1400, $0x38;
	[tilespmem:$0x1E400] =	vst v63  }
0x69: {  	_ =	swait.ge [sflag:s18], $0x1400  }
0x6a: {  	[sflag:s18] =	ssyncset.done $0x0  }
0x6b: {  	[sflag:s18] =	ssyncadd.s32 $0xFFFFEC00  }
0x6c: {  	[tilespmem:s19], [sflag:$0x5] =	stream.linear.gather [hbm4b:s12+s0], $0x1400, $0x38;
	[tilespmem:$0x1E400] =	vst v63  }
0x6d: {  	_ =	swait.ge [sflag:s18], $0x1400  }
0x6e: {  	[sflag:s18] =	ssyncset.done $0x0  }
0x6f: {  	[sflag:s18] =	ssyncadd.s32 $0xFFFFEC00  }
0x70: {  	[tilespmem:s21], [sflag:$0x1] =	stream.indirect.gather [hbm4b:s4+s20], $0x80, s0, s20, $0xb8;
	[tilespmem:$0x1E400] =	vst v63  }
0x71: {  	_ = 	snop  }
0x72: {  	[tilespmem:s22], [sflag:$0x2] =	stream.indirect.gather [hbm4b:s4+s20], $0x80, s20, s20, $0xb8;
	[tilespmem:$0x1E400] =	vst v63  }
0x73: {  	_ =	swait.ge [sflag:s23], $0x4000  }
0x74: {  	[sflag:s23] =	ssyncset.done $0x0  }
0x75: {  	s0 =	simm.s32 $0x1400;
	[sflag:s23] =	ssyncadd.s32 $0xFFFFC000  }
0x76: {  	[spmem:s1] =	stream.indirect.scatter.add.f32 [tilespmem:s21], [sflag:$0x3], $0x80, s0, s20, $0xb8;
	[tilespmem:$0x1E400] =	vst v63  }
0x77: {  	_ =	swait.ge [sflag:s24], $0x4000  }
0x78: {  	[sflag:s24] =	ssyncset.done $0x0  }
0x79: {  	s0 =	simm.s32 $0x1480;
	[sflag:s24] =	ssyncadd.s32 $0xFFFFC000  }
0x7a: {  	[spmem:s1] =	stream.indirect.scatter.add.f32 [tilespmem:s22], [sflag:$0x4], $0x80, s0, s20, $0xb8;
	[tilespmem:$0x1E400] =	vst v63  }
0x7b: {  	_ =	swait.ge [sflag:s25], $0x4000  }
0x7c: {  	[sflag:s25] =	ssyncset.done $0x0  }
0x7d: {  	s0 =	simm.s32 $0x100;
	[sflag:s25] =	ssyncadd.s32 $0xFFFFC000  }
0x7e: {  	[tilespmem:s21], [sflag:$0x1] =	stream.indirect.gather [hbm4b:s4+s20], $0x80, s0, s20, $0xb8;
	[tilespmem:$0x1E400] =	vst v63  }
0x7f: {  	_ =	swait.ge [sflag:s26], $0x4000  }
0x80: {  	[sflag:s26] =	ssyncset.done $0x0  }
0x81: {  	s30 =	simm.s32 $0x400;
	s31 =	simm.s32 $0x180;
	[sflag:s26] =	ssyncadd.s32 $0xFFFFC000  }
.LBB2_5:
0x82: {  	[tilespmem:s22], [sflag:$0x2] =	stream.indirect.gather [hbm4b:s4+s20], $0x80, s31, s20, $0xb8;
	[tilespmem:$0x1E400] =	vst v63  }
0x83: {  	s0 =	smov.u32 s30  }
0x84: {  	p1 =	sne.s32 s30, $0x4800;
	s30 =	sadd.s32 $0x400, s30;
	_ =	swait.ge [sflag:s23], $0x4000  }
0x85: {  	s0 =	sshra.s32 s0, $0x2;
	[sflag:s23] =	ssyncset.done $0x0  }
0x86: {  	s31 =	sadd.s32 $0x1400, s0;
	[sflag:s23] =	ssyncadd.s32 $0xFFFFC000  }
0x87: {  	[spmem:s1] =	stream.indirect.scatter.add.f32 [tilespmem:s21], [sflag:$0x3], $0x80, s31, s20, $0xb8;
	[tilespmem:$0x1E400] =	vst v63  }
0x88: {  	_ =	swait.ge [sflag:s24], $0x4000  }
0x89: {  	[sflag:s24] =	ssyncset.done $0x0  }
0x8a: {  	s31 =	sadd.s32 $0x1480, s0;
	[sflag:s24] =	ssyncadd.s32 $0xFFFFC000  }
0x8b: {  	[spmem:s1] =	stream.indirect.scatter.add.f32 [tilespmem:s22], [sflag:$0x4], $0x80, s31, s20, $0xb8;
	[tilespmem:$0x1E400] =	vst v63  }
0x8c: {  	_ =	swait.ge [sflag:s25], $0x4000  }
0x8d: {  	[sflag:s25] =	ssyncset.done $0x0  }
.Ltmp4:
0x8e: {  	s31 =	sadd.s32 $0x100, s0;
	[sflag:s25] =	ssyncadd.s32 $0xFFFFC000;
	(pc) =	sbr.rel @p1 .LBB2_5-.Ltmp4, $4  }
0x8f: {  	[tilespmem:s21], [sflag:$0x1] =	stream.indirect.gather [hbm4b:s4+s20], $0x80, s31, s20, $0xb8;
	[tilespmem:$0x1E400] =	vst v63  }
0x90: {  	_ =	swait.ge [sflag:s26], $0x4000  }
0x91: {  	[sflag:s26] =	ssyncset.done $0x0  }
0x92: {  	s31 =	sadd.s32 $0x180, s0;
	[sflag:s26] =	ssyncadd.s32 $0xFFFFC000  }
0x93: {  	[tilespmem:s22], [sflag:$0x2] =	stream.indirect.gather [hbm4b:s4+s20], $0x80, s31, s20, $0xb8;
	[tilespmem:$0x1E400] =	vst v63  }
0x94: {  	_ =	swait.ge [sflag:s23], $0x4000  }
0x95: {  	[sflag:s23] =	ssyncset.done $0x0  }
0x96: {  	[sflag:s23] =	ssyncadd.s32 $0xFFFFC000  }
0x97: {  	[spmem:s1] =	stream.indirect.scatter.add.f32 [tilespmem:s21], [sflag:$0x3], $0x80, s28, s20, $0xb8;
	[tilespmem:$0x1E400] =	vst v63  }
0x98: {  	_ =	swait.ge [sflag:s24], $0x4000  }
0x99: {  	[sflag:s24] =	ssyncset.done $0x0  }
0x9a: {  	[sflag:s24] =	ssyncadd.s32 $0xFFFFC000  }
0x9b: {  	[spmem:s1] =	stream.indirect.scatter.add.f32 [tilespmem:s22], [sflag:$0x4], $0x80, s29, s20, $0xb8;
	[tilespmem:$0x1E400] =	vst v63  }
0x9c: {  	_ =	swait.ge [sflag:s25], $0x4000  }
0x9d: {  	[sflag:s25] =	ssyncset.done $0x0  }
0x9e: {  	[sflag:s25] =	ssyncadd.s32 $0xFFFFC000  }
0x9f: {  	_ =	swait.ge [sflag:s26], $0x4000  }
0xa0: {  	[sflag:s26] =	ssyncset.done $0x0  }
0xa1: {  	s0 =	simm.s32 $0x0;
	[sflag:s26] =	ssyncadd.s32 $0xFFFFC000  }
0xa2: {  	[tilespmem:s0], [sflag:$0x5] =	stream.linear.gather [hbm4b:s13+s0], $0x1400, $0x38;
	[tilespmem:$0x1E400] =	vst v63  }
0xa3: {  	_ =	swait.ge [sflag:s18], $0x1400  }
0xa4: {  	[sflag:s18] =	ssyncset.done $0x0  }
0xa5: {  	[sflag:s18] =	ssyncadd.s32 $0xFFFFEC00  }
0xa6: {  	[tilespmem:s19], [sflag:$0x5] =	stream.linear.gather [hbm4b:s14+s0], $0x1400, $0x38;
	[tilespmem:$0x1E400] =	vst v63  }
0xa7: {  	_ =	swait.ge [sflag:s18], $0x1400  }
0xa8: {  	[sflag:s18] =	ssyncset.done $0x0  }
0xa9: {  	[sflag:s18] =	ssyncadd.s32 $0xFFFFEC00  }
0xaa: {  	[tilespmem:s21], [sflag:$0x1] =	stream.indirect.gather [hbm4b:s4+s20], $0x80, s0, s20, $0xb8;
	[tilespmem:$0x1E400] =	vst v63  }
0xab: {  	_ = 	snop  }
0xac: {  	[tilespmem:s22], [sflag:$0x2] =	stream.indirect.gather [hbm4b:s4+s20], $0x80, s20, s20, $0xb8;
	[tilespmem:$0x1E400] =	vst v63  }
0xad: {  	_ =	swait.ge [sflag:s23], $0x4000  }
0xae: {  	[sflag:s23] =	ssyncset.done $0x0  }
0xaf: {  	s0 =	simm.s32 $0x1400;
	[sflag:s23] =	ssyncadd.s32 $0xFFFFC000  }
0xb0: {  	[spmem:s1] =	stream.indirect.scatter.add.f32 [tilespmem:s21], [sflag:$0x3], $0x80, s0, s20, $0xb8;
	[tilespmem:$0x1E400] =	vst v63  }
0xb1: {  	_ =	swait.ge [sflag:s24], $0x4000  }
0xb2: {  	[sflag:s24] =	ssyncset.done $0x0  }
0xb3: {  	s0 =	simm.s32 $0x1480;
	[sflag:s24] =	ssyncadd.s32 $0xFFFFC000  }
0xb4: {  	[spmem:s1] =	stream.indirect.scatter.add.f32 [tilespmem:s22], [sflag:$0x4], $0x80, s0, s20, $0xb8;
	[tilespmem:$0x1E400] =	vst v63  }
0xb5: {  	_ =	swait.ge [sflag:s25], $0x4000  }
0xb6: {  	[sflag:s25] =	ssyncset.done $0x0  }
0xb7: {  	s0 =	simm.s32 $0x100;
	[sflag:s25] =	ssyncadd.s32 $0xFFFFC000  }
0xb8: {  	[tilespmem:s21], [sflag:$0x1] =	stream.indirect.gather [hbm4b:s4+s20], $0x80, s0, s20, $0xb8;
	[tilespmem:$0x1E400] =	vst v63  }
0xb9: {  	_ =	swait.ge [sflag:s26], $0x4000  }
0xba: {  	[sflag:s26] =	ssyncset.done $0x0  }
0xbb: {  	s30 =	simm.s32 $0x400;
	s31 =	simm.s32 $0x180;
	[sflag:s26] =	ssyncadd.s32 $0xFFFFC000  }
.LBB2_7:
0xbc: {  	[tilespmem:s22], [sflag:$0x2] =	stream.indirect.gather [hbm4b:s4+s20], $0x80, s31, s20, $0xb8;
	[tilespmem:$0x1E400] =	vst v63  }
0xbd: {  	s0 =	smov.u32 s30  }
0xbe: {  	p1 =	seq.s32 s30, $0x4800;
	s30 =	sadd.s32 $0x400, s30;
	_ =	swait.ge [sflag:s23], $0x4000  }
0xbf: {  	s0 =	sshra.s32 s0, $0x2;
	[sflag:s23] =	ssyncset.done $0x0  }
0xc0: {  	s31 =	sadd.s32 $0x1400, s0;
	[sflag:s23] =	ssyncadd.s32 $0xFFFFC000  }
0xc1: {  	[spmem:s1] =	stream.indirect.scatter.add.f32 [tilespmem:s21], [sflag:$0x3], $0x80, s31, s20, $0xb8;
	[tilespmem:$0x1E400] =	vst v63  }
0xc2: {  	_ =	swait.ge [sflag:s24], $0x4000  }
0xc3: {  	[sflag:s24] =	ssyncset.done $0x0  }
0xc4: {  	s31 =	sadd.s32 $0x1480, s0;
	[sflag:s24] =	ssyncadd.s32 $0xFFFFC000  }
0xc5: {  	[spmem:s1] =	stream.indirect.scatter.add.f32 [tilespmem:s22], [sflag:$0x4], $0x80, s31, s20, $0xb8;
	[tilespmem:$0x1E400] =	vst v63  }
0xc6: {  	_ =	swait.ge [sflag:s25], $0x4000  }
0xc7: {  	[sflag:s25] =	ssyncset.done $0x0  }
.Ltmp5:
0xc8: {  	s31 =	sadd.s32 $0x100, s0;
	[sflag:s25] =	ssyncadd.s32 $0xFFFFC000;
	(pc) =	sbr.rel @!p1 .LBB2_7-.Ltmp5, $4  }
0xc9: {  	[tilespmem:s21], [sflag:$0x1] =	stream.indirect.gather [hbm4b:s4+s20], $0x80, s31, s20, $0xb8;
	[tilespmem:$0x1E400] =	vst v63  }
0xca: {  	_ =	swait.ge [sflag:s26], $0x4000  }
0xcb: {  	[sflag:s26] =	ssyncset.done $0x0  }
0xcc: {  	s31 =	sadd.s32 $0x180, s0;
	[sflag:s26] =	ssyncadd.s32 $0xFFFFC000  }
.Ltmp6:
0xcd: {  	(pc) =	sbr.rel .LBB2_12-.Ltmp6, $2  }
0xce: {  	_ =	sdelay $0x2  }
0xcf: {  	[tilespmem:s22], [sflag:$0x2] =	stream.indirect.gather [hbm4b:s4+s20], $0x80, s31, s20, $0xb8;
	[tilespmem:$0x1E400] =	vst v63  }
.LBB2_9:
0xd0: {  	s0 =	simm.s32 $0x0  }
0xd1: {  	[tilespmem:s0], [sflag:$0x5] =	stream.linear.gather [hbm4b:s7+s0], $0x1400, $0x38;
	[tilespmem:$0x1E400] =	vst v63  }
0xd2: {  	_ =	swait.ge [sflag:s18], $0x1400  }
0xd3: {  	[sflag:s18] =	ssyncset.done $0x0  }
0xd4: {  	[sflag:s18] =	ssyncadd.s32 $0xFFFFEC00  }
0xd5: {  	[tilespmem:s19], [sflag:$0x5] =	stream.linear.gather [hbm4b:s8+s0], $0x1400, $0x38;
	[tilespmem:$0x1E400] =	vst v63  }
0xd6: {  	_ =	swait.ge [sflag:s18], $0x1400  }
0xd7: {  	[sflag:s18] =	ssyncset.done $0x0  }
0xd8: {  	[sflag:s18] =	ssyncadd.s32 $0xFFFFEC00  }
0xd9: {  	[tilespmem:s21], [sflag:$0x1] =	stream.indirect.gather [hbm4b:s4+s20], $0x80, s0, s20, $0xb8;
	[tilespmem:$0x1E400] =	vst v63  }
0xda: {  	_ = 	snop  }
0xdb: {  	[tilespmem:s22], [sflag:$0x2] =	stream.indirect.gather [hbm4b:s4+s20], $0x80, s20, s20, $0xb8;
	[tilespmem:$0x1E400] =	vst v63  }
0xdc: {  	_ =	swait.ge [sflag:s23], $0x4000  }
0xdd: {  	[sflag:s23] =	ssyncset.done $0x0  }
0xde: {  	s0 =	simm.s32 $0x1400;
	[sflag:s23] =	ssyncadd.s32 $0xFFFFC000  }
0xdf: {  	[spmem:s1] =	stream.indirect.scatter.add.f32 [tilespmem:s21], [sflag:$0x3], $0x80, s0, s20, $0xb8;
	[tilespmem:$0x1E400] =	vst v63  }
0xe0: {  	_ =	swait.ge [sflag:s24], $0x4000  }
0xe1: {  	[sflag:s24] =	ssyncset.done $0x0  }
0xe2: {  	s0 =	simm.s32 $0x1480;
	[sflag:s24] =	ssyncadd.s32 $0xFFFFC000  }
0xe3: {  	[spmem:s1] =	stream.indirect.scatter.add.f32 [tilespmem:s22], [sflag:$0x4], $0x80, s0, s20, $0xb8;
	[tilespmem:$0x1E400] =	vst v63  }
0xe4: {  	_ =	swait.ge [sflag:s25], $0x4000  }
0xe5: {  	[sflag:s25] =	ssyncset.done $0x0  }
0xe6: {  	s0 =	simm.s32 $0x100;
	[sflag:s25] =	ssyncadd.s32 $0xFFFFC000  }
0xe7: {  	[tilespmem:s21], [sflag:$0x1] =	stream.indirect.gather [hbm4b:s4+s20], $0x80, s0, s20, $0xb8;
	[tilespmem:$0x1E400] =	vst v63  }
0xe8: {  	_ =	swait.ge [sflag:s26], $0x4000  }
0xe9: {  	[sflag:s26] =	ssyncset.done $0x0  }
0xea: {  	s30 =	simm.s32 $0x400;
	s31 =	simm.s32 $0x180;
	[sflag:s26] =	ssyncadd.s32 $0xFFFFC000  }
.LBB2_10:
0xeb: {  	[tilespmem:s22], [sflag:$0x2] =	stream.indirect.gather [hbm4b:s4+s20], $0x80, s31, s20, $0xb8;
	[tilespmem:$0x1E400] =	vst v63  }
0xec: {  	s0 =	smov.u32 s30  }
0xed: {  	p1 =	sne.s32 s30, $0x4800;
	s30 =	sadd.s32 $0x400, s30;
	_ =	swait.ge [sflag:s23], $0x4000  }
0xee: {  	s0 =	sshra.s32 s0, $0x2;
	[sflag:s23] =	ssyncset.done $0x0  }
0xef: {  	s31 =	sadd.s32 $0x1400, s0;
	[sflag:s23] =	ssyncadd.s32 $0xFFFFC000  }
0xf0: {  	[spmem:s1] =	stream.indirect.scatter.add.f32 [tilespmem:s21], [sflag:$0x3], $0x80, s31, s20, $0xb8;
	[tilespmem:$0x1E400] =	vst v63  }
0xf1: {  	_ =	swait.ge [sflag:s24], $0x4000  }
0xf2: {  	[sflag:s24] =	ssyncset.done $0x0  }
0xf3: {  	s31 =	sadd.s32 $0x1480, s0;
	[sflag:s24] =	ssyncadd.s32 $0xFFFFC000  }
0xf4: {  	[spmem:s1] =	stream.indirect.scatter.add.f32 [tilespmem:s22], [sflag:$0x4], $0x80, s31, s20, $0xb8;
	[tilespmem:$0x1E400] =	vst v63  }
0xf5: {  	_ =	swait.ge [sflag:s25], $0x4000  }
0xf6: {  	[sflag:s25] =	ssyncset.done $0x0  }
.Ltmp7:
0xf7: {  	s31 =	sadd.s32 $0x100, s0;
	[sflag:s25] =	ssyncadd.s32 $0xFFFFC000;
	(pc) =	sbr.rel @p1 .LBB2_10-.Ltmp7, $4  }
0xf8: {  	[tilespmem:s21], [sflag:$0x1] =	stream.indirect.gather [hbm4b:s4+s20], $0x80, s31, s20, $0xb8;
	[tilespmem:$0x1E400] =	vst v63  }
0xf9: {  	_ =	swait.ge [sflag:s26], $0x4000  }
0xfa: {  	[sflag:s26] =	ssyncset.done $0x0  }
0xfb: {  	s31 =	sadd.s32 $0x180, s0;
	[sflag:s26] =	ssyncadd.s32 $0xFFFFC000  }
.Ltmp8:
0xfc: {  	_ = 	snop;
	(pc) =	sbr.rel .LBB2_11-.Ltmp8, $1  }
0xfd: {  	_ =	sdelay $0x3  }
.LBB2_13:
0xfe: {  	_ =	sfence.sel $0x180000  }
0xff: {  	[bflag:$0x0] =	sbarrier.arrive $0xFFFF  }
0x100: {  	_ =	strace $0x9000004A  }
0x101: {  	[bflag:$0x2] =	sbarrier.arrive $0xFFFF  }
0x102: {  	p0 =	sne.s32 s2, $0x0;
	s0 =	rddreg [dreg:$0x2]  }
0x103: {  	s0 =	sadd.s32 @!p0 $0x100000, s0  }
0x104: {  	[sflag:s0] =	ssyncadd.tile.s32 @!p0 $0x1;
	_ =	shalt  }
.Lfunc_end2:
_tile_overlayer_lowered:
.L_overlay_start_2:
0x105: {  	(tag) =	ssettag $0x2  }
0x106: {  	s0 =	rddreg [dreg:$0x0];
	s2 =	stileid.u32  }
0x107: {  	s1 =	rddreg [dreg:$0x1];
	p0 =	sne.s32 s2, $0x0  }
0x108: {  	s3 =	rddreg [dreg:$0x2];
	[bflag:$0x3] =	sbarrier.arrive $0xFFFF;
	s2 =	simm.s32 @!p0 $0x1C05  }
0x109: {  	[timem:s3], [sflag:s2] =	dma.local @!p0 [hbm:s0], s1  }
0x10a: {  	s0 =	simm.s32 @!p0 $0x5  }
0x10b: {  	_ =	swait.ge @!p0 [sflag:s0], s1  }
0x10c: {  	s1 =	ssub.s32 @!p0 $0x0, s1;
	[sflag:s0] =	ssyncset.done @!p0 $0x0  }
0x10d: {  	[sflag:s0] =	ssyncadd.s32 @!p0 s1  }
0x10e: {  	[bflag:$0x3] =	sbarrier.arrive $0xFFFF  }
0x10f: {  	_ =	shalt  }

// kernel: kernel.15.cloned.1.call-start
scs
__scs_entry_jumppad:
0x0: {  	(pc) =	sbr.rel $0x88, $3  }
0x1: {  	(tag) =	ssettag $0x0;
	lr =	simm.s32 $0x1  }
0x2: {  	[smem:$0x3F97] =	sst lr;
	_ =	strace $0xD0000000  }
0x3: {  	_ = 	snop  }
0x4: {  	_ = 	snop  }
0x5: {  	_ = 	snop  }
0x6: {  	_ = 	snop  }
0x7: {  	_ = 	snop  }
__scs_overlays_trampoline_lowered:
0x8: {  	[smem:$0x3FA6] =	sst s0  }
0x9: {  	[smem:$0x3FA7] =	sst s1  }
0xa: {  	[smem:$0x3FA8] =	sst s2  }
0xb: {  	[smem:$0x3FA9] =	sst s3  }
0xc: {  	[smem:$0x3FAA] =	sst s4  }
0xd: {  	[smem:$0x3FAB] =	sst s5  }
0xe: {  	[smem:$0x3FAC] =	sst s6  }
0xf: {  	[smem:$0x3FAD] =	sst s7  }
0x10: {  	[smem:$0x3FAE] =	sst s8  }
0x11: {  	[smem:$0x3FAF] =	sst s9;
	s0 =	simm.s32 @!p0 $0x0  }
0x12: {  	s1 =	sld [smem:$0x3F95];
	s0 =	simm.s32 @p0 $0x1  }
0x13: {  	[smem:$0x3FB0] =	sst s0;
	s0 =	simm.s32 @!p1 $0x0  }
0x14: {  	s2 =	sld [smem:$0x3F94];
	s0 =	simm.s32 @p1 $0x1  }
0x15: {  	[smem:$0x3FB1] =	sst s0;
	s0 =	simm.s32 @!p2 $0x0  }
0x16: {  	s3 =	sld [smem:$0x3FDB];
	s0 =	simm.s32 @p2 $0x1  }
0x17: {  	s4 =	simm.s32 $0x1BF5;
	[smem:$0x3FB3] =	sst s0  }
0x18: {  	s0 =	sld [smem:$0x3F96];
	_ =	swait.ge [sflag:s4], $0x0  }
0x19: {  	s7 =	sld [smem:$0x3F97]  }
0x1a: {  	s8 =	sadd.s32 $0xFFFFE003, lr  }
0x1b: {  	s9 =	sadd.s32 $0xFFFFFEF7, lr;
	s5 =	simm.s32 $0xFFFFFFFF;
	p2 =	slt.u32 s8, $0xFFFFF086  }
0x1c: {  	p1 =	slt.u32 s9, $0xF7A;
	s5 =	simm.s32 @!p2 $0x0  }
0x1d: {  	s5 =	simm.s32 @p1 $0x1;
	p0 =	seq.s32 s7, s2  }
0x1e: {  	s7 =	smul.u32 @!p0 $0xF7A, s2;
	p2 =	seq.s32 @!p0 s5, $0x0  }
0x1f: {  	s9 =	smul.u32 $0xF7A, s1;
	s8 =	simm.s32 @!p0 $0x1BF5;
	p2 =	por !p2, p0  }
0x20: {  	[sflag:s8] =	ssyncset.s32 @!p0 $0xFFFFF086;
	s6 =	sadd.s32 @!p0 s3, s7;
	s7 =	simm.s32 @!p0 $0x108  }
0x21: {  	s3 =	sadd.s32 s3, s9;
	s6 =	sadd.s32 @!p0 $0x88, s6;
	s7 =	simm.s32 @p2 $0x1082  }
0x22: {  	[simem:s7], [sflag:s8] =	dma.local @!p0 [hbm:s6], $0xF7A  }
0x23: {  	s9 =	sor.u32 $0xD0000000, s2;
	s6 =	simm.s32 $0x108;
	_ =	swait.ge @!p0 [sflag:s8], $0x0  }
0x24: {  	s3 =	sadd.s32 $0x88, s3;
	s6 =	simm.s32 @!p1 $0x1082;
	[sflag:s4] =	ssyncset.s32 $0xFFFFF086  }
0x25: {  	[simem:s6], [sflag:s4] =	dma.local [hbm:s3], $0xF7A  }
0x26: {  	[smem:$0x3F97] =	sst s1;
	(tag) =	ssettag s2;
	_ =	strace s9  }
0x27: {  	s1 =	sld [smem:$0x3FA7]  }
0x28: {  	s2 =	sld [smem:$0x3FA8]  }
0x29: {  	s4 =	sld [smem:$0x3FAA]  }
0x2a: {  	p0 =	seq.s32 s5, $0x0;
	s5 =	sld [smem:$0x3FAB]  }
0x2b: {  	s6 =	sld [smem:$0x3FAC]  }
0x2c: {  	s7 =	sld [smem:$0x3FAD]  }
0x2d: {  	s3 =	simm.s32 $0x108;
	s8 =	sld [smem:$0x3FAE]  }
0x2e: {  	s3 =	simm.s32 @!p0 $0x1082;
	s9 =	sld [smem:$0x3FAF]  }
0x2f: {  	lr =	sadd.s32 s0, s3;
	s0 =	sld [smem:$0x3FA6]  }
0x30: {  	s3 =	sld [smem:$0x3FA9]  }
0x31: {  	[smem:$0x3FB2] =	sst s10  }
0x32: {  	s10 =	sld [smem:$0x3FB0];
	_ =	sdelay $0x3  }
0x33: {  	p0 =	seq.s32 s10, $0x1;
	s10 =	sld [smem:$0x3FB2];
	_ =	sdelay $0x3  }
0x34: {  	[smem:$0x3FB2] =	sst s10  }
0x35: {  	s10 =	sld [smem:$0x3FB1];
	_ =	sdelay $0x3  }
0x36: {  	p1 =	seq.s32 s10, $0x1;
	s10 =	sld [smem:$0x3FB2];
	_ =	sdelay $0x3  }
0x37: {  	[smem:$0x3FB2] =	sst s10  }
0x38: {  	s10 =	sld [smem:$0x3FB3]  }
0x39: {  	_ = 	snop;
	(pc) =	sbr.ind lr, $3  }
0x3a: {  	_ = 	snop  }
0x3b: {  	_ = 	snop  }
0x3c: {  	p2 =	seq.s32 s10, $0x1;
	s10 =	sld [smem:$0x3FB2]  }
0x3d: {  	_ =	shalt  }
0x3e: {  	_ =	shalt  }
0x3f: {  	_ =	shalt  }
0x40: {  	_ =	shalt  }
0x41: {  	_ =	shalt  }
0x42: {  	_ =	shalt  }
0x43: {  	_ =	shalt  }
0x44: {  	_ =	shalt  }
0x45: {  	_ =	shalt  }
0x46: {  	_ =	shalt  }
0x47: {  	_ =	shalt  }
0x48: {  	_ =	shalt  }
0x49: {  	_ =	shalt  }
0x4a: {  	_ =	shalt  }
0x4b: {  	_ =	shalt  }
0x4c: {  	_ =	shalt  }
0x4d: {  	_ =	shalt  }
0x4e: {  	_ =	shalt  }
0x4f: {  	_ =	shalt  }
0x50: {  	_ =	shalt  }
0x51: {  	_ =	shalt  }
0x52: {  	_ =	shalt  }
0x53: {  	_ =	shalt  }
0x54: {  	_ =	shalt  }
0x55: {  	_ =	shalt  }
0x56: {  	_ =	shalt  }
0x57: {  	_ =	shalt  }
0x58: {  	_ =	shalt  }
0x59: {  	_ =	shalt  }
0x5a: {  	_ =	shalt  }
0x5b: {  	_ =	shalt  }
0x5c: {  	_ =	shalt  }
0x5d: {  	_ =	shalt  }
0x5e: {  	_ =	shalt  }
0x5f: {  	_ =	shalt  }
0x60: {  	_ =	shalt  }
0x61: {  	_ =	shalt  }
0x62: {  	_ =	shalt  }
0x63: {  	_ =	shalt  }
0x64: {  	_ =	shalt  }
0x65: {  	_ =	shalt  }
0x66: {  	_ =	shalt  }
0x67: {  	_ =	shalt  }
0x68: {  	_ =	shalt  }
0x69: {  	_ =	shalt  }
0x6a: {  	_ =	shalt  }
0x6b: {  	_ =	shalt  }
0x6c: {  	_ =	shalt  }
0x6d: {  	_ =	shalt  }
0x6e: {  	_ =	shalt  }
0x6f: {  	_ =	shalt  }
0x70: {  	_ =	shalt  }
0x71: {  	_ =	shalt  }
0x72: {  	_ =	shalt  }
0x73: {  	_ =	shalt  }
0x74: {  	_ =	shalt  }
0x75: {  	_ =	shalt  }
0x76: {  	_ =	shalt  }
0x77: {  	_ =	shalt  }
0x78: {  	_ =	shalt  }
0x79: {  	_ =	shalt  }
0x7a: {  	_ =	shalt  }
0x7b: {  	_ =	shalt  }
0x7c: {  	_ =	shalt  }
0x7d: {  	_ =	shalt  }
0x7e: {  	_ =	shalt  }
0x7f: {  	_ =	shalt  }
0x80: {  	_ =	shalt  }
0x81: {  	_ =	shalt  }
0x82: {  	_ =	shalt  }
0x83: {  	_ =	shalt  }
0x84: {  	_ =	shalt  }
0x85: {  	_ =	shalt  }
0x86: {  	_ =	shalt  }
0x87: {  	_ =	shalt  }
.Lfunc_end0:
.L_simem_size_0:
called_computation.2_lowered:
.L_overlay_start_0:
0x88: {  	s2 =	sld [smem:$0x3FD9]  }
0x89: {  	s3 =	sld [smem:$0x3FFE];
	_ =	sdelay $0x1  }
0x8a: {  	s1 =	srdreg.scid  }
0x8b: {  	s0 =	sand.u32 $0x1, s1  }
0x8c: {  	s16 =	sshll.u32 s0, $0xA;
	s2 =	sadd.s32 s3, s2  }
0x8d: {  	s2 =	sadd.s32 s2, s16  }
0x8e: {  	[smem:$0x3FBE] =	sst s2  }
0x8f: {  	_ = 	snop  }
0x90: {  	(tm) =	ssettm $0x1  }
0x91: {  	s17 =	sld [smem:$0x3FFB];
	_ =	sdelay $0x3  }
0x92: {  	_ =	strace s17  }
0x93: {  	s2 =	sld [smem:$0x3FFC];
	_ =	sdelay $0x3  }
0x94: {  	_ =	strace s2  }
0x95: {  	s2 =	sld [smem:$0x3FFD];
	_ =	sdelay $0x3  }
0x96: {  	_ =	strace s2  }
0x97: {  	_ =	strace $0x8FFFFFFF  }
0x98: {  	s18 =	sld [smem:$0x3FDB];
	_ =	sdelay $0x1  }
0x99: {  	s19 =	simm.s32 $_scs_section_size  }
0x9a: {  	s4 =	simm.s32 $_size__tile_overlayer_lowered;
	s5 =	simm.s32 $_tile_overlayer_lowered  }
0x9b: {  	s22 =	simm.s32 $0x1BFF;
	s21 =	sshll.u32 s5, $0x1;
	s2 =	sadd.s32 s19, s18  }
0x9c: {  	s6 =	simm.s32 $0x0;
	s20 =	sshll.u32 s4, $0x1;
	s4 =	sadd.s32 s21, s2  }
0x9d: {  	[timem:s6], [sflag:s22] =	dma.local [hbm:s4], s20  }
0x9e: {  	_ =	swait.ge [sflag:s22], s20  }
0x9f: {  	s3 =	ssub.s32 $0x0, s20;
	[sflag:s22] =	ssyncset.done $0x0  }
0xa0: {  	[sflag:s22] =	ssyncadd.s32 s3;
	_ =	sdelay $0x1  }
0xa1: {  	s23 =	simm.s32 $0x1B8B  }
0xa2: {  	_ =	swait.ge [sflag:s23], $0x1  }
0xa3: {  	[sflag:s23] =	ssyncset.done $0x0  }
0xa4: {  	s25 =	simm.s32 $0x1B8E;
	s24 =	sld [smem:$0x3FFE];
	[sflag:s23] =	ssyncadd.s32 $0xFFFFFFFF  }
0xa5: {  	s26 =	simm.s32 $execute0_lowered;
	[smem:$0x3FD2] =	sst s25  }
0xa6: {  	s4 =	sshll.u32 s26, $0x1;
	_ =	strace $0x8000004C;
	[dreg:$0x1] =	wrdreg $0xFFFFFFFF  }
0xa7: {  	s28 =	simm.s32 $_size_execute0_lowered;
	s2 =	sadd.s32 s2, s4;
	[dreg:$0x0] =	wrdreg $0x0  }
0xa8: {  	s4 =	sshll.u32 s28, $0x1;
	[dreg:$0x2] =	wrdreg s2  }
0xa9: {  	[dreg:$0x3] =	wrdreg s4  }
0xaa: {  	[dreg:$0x4] =	wrdreg $0xC0  }
0xab: {  	_ =	task [dreg:s6], $0x5FFFF  }
0xac: {  	[dreg:$0x1] =	wrdreg $0xFFFFFFFF  }
0xad: {  	[dreg:$0x0] =	wrdreg $0x60  }
0xae: {  	[dreg:$0x2] =	wrdreg s24  }
0xaf: {  	[dreg:$0x3] =	wrdreg $0xA8000  }
0xb0: {  	[dreg:$0x4] =	wrdreg $0x9  }
0xb1: {  	_ =	task.clear_ibuf [dreg:s6], $0x5FFFF;
	_ =	strace $0x9000004C  }
0xb2: {  	s29 =	simm.s32 $0x9;
	_ =	strace $0x8000004E  }
0xb3: {  	_ =	swait.ge [sflag:s29], $0x1  }
0xb4: {  	[sflag:s29] =	ssyncadd.s32 $0xFFFFFFFF  }
0xb5: {  	_ =	strace $0x9000004E  }
0xb6: {  	_ =	sfence  }
0xb7: {  	s30 =	sld [smem:$0x0];
	_ =	sdelay $0x2  }
0xb8: {  	s31 =	sshll.u32 s1, $0xD;
	s1 =	sshrl.u32 s1, $0x2  }
0xb9: {  	s3 =	sand.u32 $0x4000, s31;
	s1 =	sadd.s32 s1, s30  }
0xba: {  	s0 =	sor.u32 s3, s0;
	s1 =	sshll.u32 s1, $0x11  }
0xbb: {  	s0 =	sor.u32 s1, s0  }
0xbc: {  	s0 =	sadd.s32 $0x8F2B, s0  }
0xbd: {  	[sflag:s0] =	ssyncadd.remote.s32 $0x1  }
0xbe: {  	_ =	sfence.sel $0xFFFF  }
0xbf: {  	[dreg:$0x0] =	wrdreg $0xFFFFFFFF;
	(pc) =	sbr.abs _section_cstart, $3  }
0xc0: {  	[dreg:$0x1] =	wrdreg $0xFFFFFFFF  }
0xc1: {  	_ =	task.clear_ibuf [dreg:s6], $0x2FFFF;
	_ =	strace $0x9FFFFFFF  }
0xc2: {  	(tm) =	ssettm $0x7FFFFFFF  }
0xc3: {  	_ =	shalt  }
tec
execute0_lowered:
.L_overlay_start_1:
0x0: {  	(tag) =	ssettag $0x1  }
0x1: {  	s6 =	rddreg [dreg:$0x0]  }
0x2: {  	s1 =	rddreg [dreg:$0x1];
	s2 =	srdreg.scid;
	s3 =	simm.s32 $0x0  }
0x3: {  	s21 =	simm.s32 $0x2800;
	s22 =	simm.s32 $0x6800;
	s23 =	simm.s32 $0x1  }
0x4: {  	s24 =	simm.s32 $0x2;
	s25 =	simm.s32 $0x3;
	s17 =	sand.u32 $0x1, s2  }
0x5: {  	s28 =	simm.s32 $0x2700;
	s2 =	stileid.u32;
	s5 =	smul.u32 $0x13C000, s17  }
0x6: {  	s29 =	simm.s32 $0x2780;
	[smem:$0x7FF] =	sst s3;
	s7 =	smul.u32 $0x13C00, s2  }
0x7: {  	s4 =	sadd.s32 $0x5600, s6;
	s13 =	sadd.s32 $0x60E00, s6;
	s8 =	smul.u32 $0x280, s2  }
0x8: {  	s14 =	sadd.s32 $0x56E00, s6;
	_ =	strace $0x8000004D;
	s9 =	smul.u32 $0x4F000, s2  }
0x9: {  	s26 =	ssub.s32 $0x2, s17;
	s10 =	smul.u32 $0x3C00, s2;
	s31 =	sshll.u32 s2, $0x6  }
0xa: {  	p0 =	sne.s32 s17, $0x0;
	s30 =	sshrl.u32 s26, $0x1;
	s5 =	sadd.s32 s7, s5  }
0xb: {  	s8 =	sadd.s32 s8, s6;
	s9 =	sshrl.u32 s9, $0x2;
	s16 =	ssub.s32 s26, s30  }
0xc: {  	s12 =	sshrl.u32 s10, $0x3;
	s26 =	simm.s32 $0x4;
	s7 =	sshrl.u32 s5, $0x3  }
0xd: {  	s5 =	sadd.s32 $0x2E00, s6;
	s18 =	sadd.s32 s9, s1;
	s9 =	sadd.s32 s13, s12  }
0xe: {  	s19 =	sadd.s32 $0x280, s12;
	s10 =	sadd.s32 s14, s12;
	s20 =	sadd.s32 $0x500, s12  }
.Ltmp0:
0xf: {  	s16 =	smax.u32 s16, $0x1;
	s15 =	sadd.s32 s7, s6;
	(pc) =	sbr.rel .LBB2_1-.Ltmp0, $4  }
0x10: {  	s6 =	sor.u32 $0x1C05, s31;
	s7 =	sadd.s32 $0x5E600, s8;
	s8 =	sadd.s32 $0x54600, s8  }
0x11: {  	s11 =	sadd.s32 s13, s19;
	s12 =	sadd.s32 s14, s19;
	s13 =	sadd.s32 s13, s20  }
0x12: {  	s14 =	sadd.s32 s14, s20;
	s17 =	sshrl.u32 s18, $0x3;
	s18 =	simm.s32 $0x5  }
0x13: {  	s19 =	simm.s32 $0x1400;
	s20 =	simm.s32 $0x80;
	s15 =	sadd.s32 $0x68600, s15  }
.LBB2_11:
0x14: {  	[tilespmem:s22], [sflag:$0x2] =	stream.indirect.gather [hbm4b:s4+s20], $0x80, s31, s20, $0xb8;
	[tilespmem:$0x1E400] =	vst v63  }
.LBB2_12:
0x15: {  	_ =	swait.ge [sflag:s23], $0x4000  }
0x16: {  	[sflag:s23] =	ssyncset.done $0x0  }
0x17: {  	[sflag:s23] =	ssyncadd.s32 $0xFFFFC000  }
0x18: {  	[spmem:s1] =	stream.indirect.scatter.add.f32 [tilespmem:s21], [sflag:$0x3], $0x80, s28, s20, $0xb8;
	[tilespmem:$0x1E400] =	vst v63  }
0x19: {  	_ =	swait.ge [sflag:s24], $0x4000  }
0x1a: {  	[sflag:s24] =	ssyncset.done $0x0  }
0x1b: {  	[sflag:s24] =	ssyncadd.s32 $0xFFFFC000  }
0x1c: {  	[spmem:s1] =	stream.indirect.scatter.add.f32 [tilespmem:s22], [sflag:$0x4], $0x80, s29, s20, $0xb8;
	[tilespmem:$0x1E400] =	vst v63  }
0x1d: {  	_ =	swait.ge [sflag:s25], $0x4000  }
0x1e: {  	[sflag:s25] =	ssyncset.done $0x0  }
0x1f: {  	[sflag:s25] =	ssyncadd.s32 $0xFFFFC000  }
0x20: {  	_ =	swait.ge [sflag:s26], $0x4000  }
0x21: {  	s3 =	sadd.s32 $0x1, s3;
	[sflag:s26] =	ssyncset.done $0x0  }
0x22: {  	p1 =	sne.s32 s3, s16;
	[sflag:s26] =	ssyncadd.s32 $0xFFFFC000  }
.Ltmp1:
0x23: {  	[bflag:$0x0] =	sbarrier.arrive $0xFFFF;
	(pc) =	sbr.rel @!p1 .LBB2_13-.Ltmp1, $4  }
0x24: {  	[hbm:s15], [sflag:s6] =	dma.local [spmem:s17], $0x2780  }
0x25: {  	_ =	swait.ge [sflag:s18], $0x2780  }
0x26: {  	[sflag:s18] =	ssyncset.done $0x0  }
0x27: {  	[sflag:s18] =	ssyncadd.s32 $0xFFFFD880  }
.LBB2_1:
0x28: {  	[spmem:s17], [sflag:s6] =	dma.local [hbm:s5], $0x2780  }
.Ltmp2:
0x29: {  	_ =	swait.ge [sflag:s18], $0x2780;
	(pc) =	sbr.rel @p0 .LBB2_9-.Ltmp2, $3  }
0x2a: {  	[sflag:s18] =	ssyncset.done $0x0  }
0x2b: {  	[sflag:s18] =	ssyncadd.s32 $0xFFFFD880  }
0x2c: {  	[bflag:$0x0] =	sbarrier.arrive $0xFFFF;
	_ =	sdelay $0x1  }
0x2d: {  	s30 =	simm.s32 $0x0  }
0x2e: {  	[tilespmem:s30], [sflag:$0x5] =	stream.linear.gather [hbm4b:s9+s30], $0x1400, $0x38;
	[tilespmem:$0x1E400] =	vst v63  }
0x2f: {  	_ =	swait.ge [sflag:s18], $0x1400  }
0x30: {  	[sflag:s18] =	ssyncset.done $0x0  }
0x31: {  	[sflag:s18] =	ssyncadd.s32 $0xFFFFEC00  }
0x32: {  	[tilespmem:s19], [sflag:$0x5] =	stream.linear.gather [hbm4b:s10+s30], $0x1400, $0x38;
	[tilespmem:$0x1E400] =	vst v63  }
0x33: {  	_ =	swait.ge [sflag:s18], $0x1400  }
0x34: {  	[sflag:s18] =	ssyncset.done $0x0  }
0x35: {  	[sflag:s18] =	ssyncadd.s32 $0xFFFFEC00  }
0x36: {  	[tilespmem:s21], [sflag:$0x1] =	stream.indirect.gather [hbm4b:s4+s20], $0x80, s30, s20, $0xb8;
	[tilespmem:$0x1E400] =	vst v63  }
0x37: {  	_ = 	snop  }
0x38: {  	[tilespmem:s22], [sflag:$0x2] =	stream.indirect.gather [hbm4b:s4+s20], $0x80, s20, s20, $0xb8;
	[tilespmem:$0x1E400] =	vst v63  }
0x39: {  	_ =	swait.ge [sflag:s23], $0x4000  }
0x3a: {  	[sflag:s23] =	ssyncset.done $0x0  }
0x3b: {  	s30 =	simm.s32 $0x1400;
	[sflag:s23] =	ssyncadd.s32 $0xFFFFC000  }
0x3c: {  	[spmem:s1] =	stream.indirect.scatter.add.f32 [tilespmem:s21], [sflag:$0x3], $0x80, s30, s20, $0xb8;
	[tilespmem:$0x1E400] =	vst v63  }
0x3d: {  	_ =	swait.ge [sflag:s24], $0x4000  }
0x3e: {  	[sflag:s24] =	ssyncset.done $0x0  }
0x3f: {  	s30 =	simm.s32 $0x1480;
	[sflag:s24] =	ssyncadd.s32 $0xFFFFC000  }
0x40: {  	[spmem:s1] =	stream.indirect.scatter.add.f32 [tilespmem:s22], [sflag:$0x4], $0x80, s30, s20, $0xb8;
	[tilespmem:$0x1E400] =	vst v63  }
0x41: {  	_ =	swait.ge [sflag:s25], $0x4000  }
0x42: {  	[sflag:s25] =	ssyncset.done $0x0  }
0x43: {  	s30 =	simm.s32 $0x100;
	[sflag:s25] =	ssyncadd.s32 $0xFFFFC000  }
0x44: {  	[tilespmem:s21], [sflag:$0x1] =	stream.indirect.gather [hbm4b:s4+s20], $0x80, s30, s20, $0xb8;
	[tilespmem:$0x1E400] =	vst v63  }
0x45: {  	_ =	swait.ge [sflag:s26], $0x4000  }
0x46: {  	[sflag:s26] =	ssyncset.done $0x0  }
0x47: {  	s31 =	simm.s32 $0x180;
	s30 =	simm.s32 $0x400;
	[sflag:s26] =	ssyncadd.s32 $0xFFFFC000  }
.LBB2_3:
0x48: {  	[tilespmem:s22], [sflag:$0x2] =	stream.indirect.gather [hbm4b:s4+s20], $0x80, s31, s20, $0xb8;
	[tilespmem:$0x1E400] =	vst v63  }
0x49: {  	s31 =	smov.u32 s30  }
0x4a: {  	p1 =	sne.s32 s30, $0x4800;
	s30 =	sadd.s32 $0x400, s30;
	_ =	swait.ge [sflag:s23], $0x4000  }
0x4b: {  	s31 =	sshra.s32 s31, $0x2;
	[sflag:s23] =	ssyncset.done $0x0  }
0x4c: {  	s0 =	sadd.s32 $0x1400, s31;
	[sflag:s23] =	ssyncadd.s32 $0xFFFFC000  }
0x4d: {  	[spmem:s1] =	stream.indirect.scatter.add.f32 [tilespmem:s21], [sflag:$0x3], $0x80, s0, s20, $0xb8;
	[tilespmem:$0x1E400] =	vst v63  }
0x4e: {  	_ =	swait.ge [sflag:s24], $0x4000  }
0x4f: {  	[sflag:s24] =	ssyncset.done $0x0  }
0x50: {  	s0 =	sadd.s32 $0x1480, s31;
	[sflag:s24] =	ssyncadd.s32 $0xFFFFC000  }
0x51: {  	[spmem:s1] =	stream.indirect.scatter.add.f32 [tilespmem:s22], [sflag:$0x4], $0x80, s0, s20, $0xb8;
	[tilespmem:$0x1E400] =	vst v63  }
0x52: {  	_ =	swait.ge [sflag:s25], $0x4000  }
0x53: {  	[sflag:s25] =	ssyncset.done $0x0  }
.Ltmp3:
0x54: {  	s0 =	sadd.s32 $0x100, s31;
	[sflag:s25] =	ssyncadd.s32 $0xFFFFC000;
	(pc) =	sbr.rel @p1 .LBB2_3-.Ltmp3, $4  }
0x55: {  	[tilespmem:s21], [sflag:$0x1] =	stream.indirect.gather [hbm4b:s4+s20], $0x80, s0, s20, $0xb8;
	[tilespmem:$0x1E400] =	vst v63  }
0x56: {  	_ =	swait.ge [sflag:s26], $0x4000  }
0x57: {  	[sflag:s26] =	ssyncset.done $0x0  }
0x58: {  	s31 =	sadd.s32 $0x180, s31;
	[sflag:s26] =	ssyncadd.s32 $0xFFFFC000  }
0x59: {  	[tilespmem:s22], [sflag:$0x2] =	stream.indirect.gather [hbm4b:s4+s20], $0x80, s31, s20, $0xb8;
	[tilespmem:$0x1E400] =	vst v63  }
0x5a: {  	_ =	swait.ge [sflag:s23], $0x4000  }
0x5b: {  	[sflag:s23] =	ssyncset.done $0x0  }
0x5c: {  	[sflag:s23] =	ssyncadd.s32 $0xFFFFC000  }
0x5d: {  	[spmem:s1] =	stream.indirect.scatter.add.f32 [tilespmem:s21], [sflag:$0x3], $0x80, s28, s20, $0xb8;
	[tilespmem:$0x1E400] =	vst v63  }
0x5e: {  	_ =	swait.ge [sflag:s24], $0x4000  }
0x5f: {  	[sflag:s24] =	ssyncset.done $0x0  }
0x60: {  	[sflag:s24] =	ssyncadd.s32 $0xFFFFC000  }
0x61: {  	[spmem:s1] =	stream.indirect.scatter.add.f32 [tilespmem:s22], [sflag:$0x4], $0x80, s29, s20, $0xb8;
	[tilespmem:$0x1E400] =	vst v63  }
0x62: {  	_ =	swait.ge [sflag:s25], $0x4000  }
0x63: {  	[sflag:s25] =	ssyncset.done $0x0  }
0x64: {  	[sflag:s25] =	ssyncadd.s32 $0xFFFFC000  }
0x65: {  	_ =	swait.ge [sflag:s26], $0x4000  }
0x66: {  	[sflag:s26] =	ssyncset.done $0x0  }
0x67: {  	s0 =	simm.s32 $0x0;
	[sflag:s26] =	ssyncadd.s32 $0xFFFFC000  }
0x68: {  	[tilespmem:s0], [sflag:$0x5] =	stream.linear.gather [hbm4b:s11+s0], $0x1400, $0x38;
	[tilespmem:$0x1E400] =	vst v63  }
0x69: {  	_ =	swait.ge [sflag:s18], $0x1400  }
0x6a: {  	[sflag:s18] =	ssyncset.done $0x0  }
0x6b: {  	[sflag:s18] =	ssyncadd.s32 $0xFFFFEC00  }
0x6c: {  	[tilespmem:s19], [sflag:$0x5] =	stream.linear.gather [hbm4b:s12+s0], $0x1400, $0x38;
	[tilespmem:$0x1E400] =	vst v63  }
0x6d: {  	_ =	swait.ge [sflag:s18], $0x1400  }
0x6e: {  	[sflag:s18] =	ssyncset.done $0x0  }
0x6f: {  	[sflag:s18] =	ssyncadd.s32 $0xFFFFEC00  }
0x70: {  	[tilespmem:s21], [sflag:$0x1] =	stream.indirect.gather [hbm4b:s4+s20], $0x80, s0, s20, $0xb8;
	[tilespmem:$0x1E400] =	vst v63  }
0x71: {  	_ = 	snop  }
0x72: {  	[tilespmem:s22], [sflag:$0x2] =	stream.indirect.gather [hbm4b:s4+s20], $0x80, s20, s20, $0xb8;
	[tilespmem:$0x1E400] =	vst v63  }
0x73: {  	_ =	swait.ge [sflag:s23], $0x4000  }
0x74: {  	[sflag:s23] =	ssyncset.done $0x0  }
0x75: {  	s0 =	simm.s32 $0x1400;
	[sflag:s23] =	ssyncadd.s32 $0xFFFFC000  }
0x76: {  	[spmem:s1] =	stream.indirect.scatter.add.f32 [tilespmem:s21], [sflag:$0x3], $0x80, s0, s20, $0xb8;
	[tilespmem:$0x1E400] =	vst v63  }
0x77: {  	_ =	swait.ge [sflag:s24], $0x4000  }
0x78: {  	[sflag:s24] =	ssyncset.done $0x0  }
0x79: {  	s0 =	simm.s32 $0x1480;
	[sflag:s24] =	ssyncadd.s32 $0xFFFFC000  }
0x7a: {  	[spmem:s1] =	stream.indirect.scatter.add.f32 [tilespmem:s22], [sflag:$0x4], $0x80, s0, s20, $0xb8;
	[tilespmem:$0x1E400] =	vst v63  }
0x7b: {  	_ =	swait.ge [sflag:s25], $0x4000  }
0x7c: {  	[sflag:s25] =	ssyncset.done $0x0  }
0x7d: {  	s0 =	simm.s32 $0x100;
	[sflag:s25] =	ssyncadd.s32 $0xFFFFC000  }
0x7e: {  	[tilespmem:s21], [sflag:$0x1] =	stream.indirect.gather [hbm4b:s4+s20], $0x80, s0, s20, $0xb8;
	[tilespmem:$0x1E400] =	vst v63  }
0x7f: {  	_ =	swait.ge [sflag:s26], $0x4000  }
0x80: {  	[sflag:s26] =	ssyncset.done $0x0  }
0x81: {  	s30 =	simm.s32 $0x400;
	s31 =	simm.s32 $0x180;
	[sflag:s26] =	ssyncadd.s32 $0xFFFFC000  }
.LBB2_5:
0x82: {  	[tilespmem:s22], [sflag:$0x2] =	stream.indirect.gather [hbm4b:s4+s20], $0x80, s31, s20, $0xb8;
	[tilespmem:$0x1E400] =	vst v63  }
0x83: {  	s0 =	smov.u32 s30  }
0x84: {  	p1 =	sne.s32 s30, $0x4800;
	s30 =	sadd.s32 $0x400, s30;
	_ =	swait.ge [sflag:s23], $0x4000  }
0x85: {  	s0 =	sshra.s32 s0, $0x2;
	[sflag:s23] =	ssyncset.done $0x0  }
0x86: {  	s31 =	sadd.s32 $0x1400, s0;
	[sflag:s23] =	ssyncadd.s32 $0xFFFFC000  }
0x87: {  	[spmem:s1] =	stream.indirect.scatter.add.f32 [tilespmem:s21], [sflag:$0x3], $0x80, s31, s20, $0xb8;
	[tilespmem:$0x1E400] =	vst v63  }
0x88: {  	_ =	swait.ge [sflag:s24], $0x4000  }
0x89: {  	[sflag:s24] =	ssyncset.done $0x0  }
0x8a: {  	s31 =	sadd.s32 $0x1480, s0;
	[sflag:s24] =	ssyncadd.s32 $0xFFFFC000  }
0x8b: {  	[spmem:s1] =	stream.indirect.scatter.add.f32 [tilespmem:s22], [sflag:$0x4], $0x80, s31, s20, $0xb8;
	[tilespmem:$0x1E400] =	vst v63  }
0x8c: {  	_ =	swait.ge [sflag:s25], $0x4000  }
0x8d: {  	[sflag:s25] =	ssyncset.done $0x0  }
.Ltmp4:
0x8e: {  	s31 =	sadd.s32 $0x100, s0;
	[sflag:s25] =	ssyncadd.s32 $0xFFFFC000;
	(pc) =	sbr.rel @p1 .LBB2_5-.Ltmp4, $4  }
0x8f: {  	[tilespmem:s21], [sflag:$0x1] =	stream.indirect.gather [hbm4b:s4+s20], $0x80, s31, s20, $0xb8;
	[tilespmem:$0x1E400] =	vst v63  }
0x90: {  	_ =	swait.ge [sflag:s26], $0x4000  }
0x91: {  	[sflag:s26] =	ssyncset.done $0x0  }
0x92: {  	s31 =	sadd.s32 $0x180, s0;
	[sflag:s26] =	ssyncadd.s32 $0xFFFFC000  }
0x93: {  	[tilespmem:s22], [sflag:$0x2] =	stream.indirect.gather [hbm4b:s4+s20], $0x80, s31, s20, $0xb8;
	[tilespmem:$0x1E400] =	vst v63  }
0x94: {  	_ =	swait.ge [sflag:s23], $0x4000  }
0x95: {  	[sflag:s23] =	ssyncset.done $0x0  }
0x96: {  	[sflag:s23] =	ssyncadd.s32 $0xFFFFC000  }
0x97: {  	[spmem:s1] =	stream.indirect.scatter.add.f32 [tilespmem:s21], [sflag:$0x3], $0x80, s28, s20, $0xb8;
	[tilespmem:$0x1E400] =	vst v63  }
0x98: {  	_ =	swait.ge [sflag:s24], $0x4000  }
0x99: {  	[sflag:s24] =	ssyncset.done $0x0  }
0x9a: {  	[sflag:s24] =	ssyncadd.s32 $0xFFFFC000  }
0x9b: {  	[spmem:s1] =	stream.indirect.scatter.add.f32 [tilespmem:s22], [sflag:$0x4], $0x80, s29, s20, $0xb8;
	[tilespmem:$0x1E400] =	vst v63  }
0x9c: {  	_ =	swait.ge [sflag:s25], $0x4000  }
0x9d: {  	[sflag:s25] =	ssyncset.done $0x0  }
0x9e: {  	[sflag:s25] =	ssyncadd.s32 $0xFFFFC000  }
0x9f: {  	_ =	swait.ge [sflag:s26], $0x4000  }
0xa0: {  	[sflag:s26] =	ssyncset.done $0x0  }
0xa1: {  	s0 =	simm.s32 $0x0;
	[sflag:s26] =	ssyncadd.s32 $0xFFFFC000  }
0xa2: {  	[tilespmem:s0], [sflag:$0x5] =	stream.linear.gather [hbm4b:s13+s0], $0x1400, $0x38;
	[tilespmem:$0x1E400] =	vst v63  }
0xa3: {  	_ =	swait.ge [sflag:s18], $0x1400  }
0xa4: {  	[sflag:s18] =	ssyncset.done $0x0  }
0xa5: {  	[sflag:s18] =	ssyncadd.s32 $0xFFFFEC00  }
0xa6: {  	[tilespmem:s19], [sflag:$0x5] =	stream.linear.gather [hbm4b:s14+s0], $0x1400, $0x38;
	[tilespmem:$0x1E400] =	vst v63  }
0xa7: {  	_ =	swait.ge [sflag:s18], $0x1400  }
0xa8: {  	[sflag:s18] =	ssyncset.done $0x0  }
0xa9: {  	[sflag:s18] =	ssyncadd.s32 $0xFFFFEC00  }
0xaa: {  	[tilespmem:s21], [sflag:$0x1] =	stream.indirect.gather [hbm4b:s4+s20], $0x80, s0, s20, $0xb8;
	[tilespmem:$0x1E400] =	vst v63  }
0xab: {  	_ = 	snop  }
0xac: {  	[tilespmem:s22], [sflag:$0x2] =	stream.indirect.gather [hbm4b:s4+s20], $0x80, s20, s20, $0xb8;
	[tilespmem:$0x1E400] =	vst v63  }
0xad: {  	_ =	swait.ge [sflag:s23], $0x4000  }
0xae: {  	[sflag:s23] =	ssyncset.done $0x0  }
0xaf: {  	s0 =	simm.s32 $0x1400;
	[sflag:s23] =	ssyncadd.s32 $0xFFFFC000  }
0xb0: {  	[spmem:s1] =	stream.indirect.scatter.add.f32 [tilespmem:s21], [sflag:$0x3], $0x80, s0, s20, $0xb8;
	[tilespmem:$0x1E400] =	vst v63  }
0xb1: {  	_ =	swait.ge [sflag:s24], $0x4000  }
0xb2: {  	[sflag:s24] =	ssyncset.done $0x0  }
0xb3: {  	s0 =	simm.s32 $0x1480;
	[sflag:s24] =	ssyncadd.s32 $0xFFFFC000  }
0xb4: {  	[spmem:s1] =	stream.indirect.scatter.add.f32 [tilespmem:s22], [sflag:$0x4], $0x80, s0, s20, $0xb8;
	[tilespmem:$0x1E400] =	vst v63  }
0xb5: {  	_ =	swait.ge [sflag:s25], $0x4000  }
0xb6: {  	[sflag:s25] =	ssyncset.done $0x0  }
0xb7: {  	s0 =	simm.s32 $0x100;
	[sflag:s25] =	ssyncadd.s32 $0xFFFFC000  }
0xb8: {  	[tilespmem:s21], [sflag:$0x1] =	stream.indirect.gather [hbm4b:s4+s20], $0x80, s0, s20, $0xb8;
	[tilespmem:$0x1E400] =	vst v63  }
0xb9: {  	_ =	swait.ge [sflag:s26], $0x4000  }
0xba: {  	[sflag:s26] =	ssyncset.done $0x0  }
0xbb: {  	s30 =	simm.s32 $0x400;
	s31 =	simm.s32 $0x180;
	[sflag:s26] =	ssyncadd.s32 $0xFFFFC000  }
.LBB2_7:
0xbc: {  	[tilespmem:s22], [sflag:$0x2] =	stream.indirect.gather [hbm4b:s4+s20], $0x80, s31, s20, $0xb8;
	[tilespmem:$0x1E400] =	vst v63  }
0xbd: {  	s0 =	smov.u32 s30  }
0xbe: {  	p1 =	seq.s32 s30, $0x4800;
	s30 =	sadd.s32 $0x400, s30;
	_ =	swait.ge [sflag:s23], $0x4000  }
0xbf: {  	s0 =	sshra.s32 s0, $0x2;
	[sflag:s23] =	ssyncset.done $0x0  }
0xc0: {  	s31 =	sadd.s32 $0x1400, s0;
	[sflag:s23] =	ssyncadd.s32 $0xFFFFC000  }
0xc1: {  	[spmem:s1] =	stream.indirect.scatter.add.f32 [tilespmem:s21], [sflag:$0x3], $0x80, s31, s20, $0xb8;
	[tilespmem:$0x1E400] =	vst v63  }
0xc2: {  	_ =	swait.ge [sflag:s24], $0x4000  }
0xc3: {  	[sflag:s24] =	ssyncset.done $0x0  }
0xc4: {  	s31 =	sadd.s32 $0x1480, s0;
	[sflag:s24] =	ssyncadd.s32 $0xFFFFC000  }
0xc5: {  	[spmem:s1] =	stream.indirect.scatter.add.f32 [tilespmem:s22], [sflag:$0x4], $0x80, s31, s20, $0xb8;
	[tilespmem:$0x1E400] =	vst v63  }
0xc6: {  	_ =	swait.ge [sflag:s25], $0x4000  }
0xc7: {  	[sflag:s25] =	ssyncset.done $0x0  }
.Ltmp5:
0xc8: {  	s31 =	sadd.s32 $0x100, s0;
	[sflag:s25] =	ssyncadd.s32 $0xFFFFC000;
	(pc) =	sbr.rel @!p1 .LBB2_7-.Ltmp5, $4  }
0xc9: {  	[tilespmem:s21], [sflag:$0x1] =	stream.indirect.gather [hbm4b:s4+s20], $0x80, s31, s20, $0xb8;
	[tilespmem:$0x1E400] =	vst v63  }
0xca: {  	_ =	swait.ge [sflag:s26], $0x4000  }
0xcb: {  	[sflag:s26] =	ssyncset.done $0x0  }
0xcc: {  	s31 =	sadd.s32 $0x180, s0;
	[sflag:s26] =	ssyncadd.s32 $0xFFFFC000  }
.Ltmp6:
0xcd: {  	(pc) =	sbr.rel .LBB2_12-.Ltmp6, $2  }
0xce: {  	_ =	sdelay $0x2  }
0xcf: {  	[tilespmem:s22], [sflag:$0x2] =	stream.indirect.gather [hbm4b:s4+s20], $0x80, s31, s20, $0xb8;
	[tilespmem:$0x1E400] =	vst v63  }
.LBB2_9:
0xd0: {  	s0 =	simm.s32 $0x0  }
0xd1: {  	[tilespmem:s0], [sflag:$0x5] =	stream.linear.gather [hbm4b:s7+s0], $0x1400, $0x38;
	[tilespmem:$0x1E400] =	vst v63  }
0xd2: {  	_ =	swait.ge [sflag:s18], $0x1400  }
0xd3: {  	[sflag:s18] =	ssyncset.done $0x0  }
0xd4: {  	[sflag:s18] =	ssyncadd.s32 $0xFFFFEC00  }
0xd5: {  	[tilespmem:s19], [sflag:$0x5] =	stream.linear.gather [hbm4b:s8+s0], $0x1400, $0x38;
	[tilespmem:$0x1E400] =	vst v63  }
0xd6: {  	_ =	swait.ge [sflag:s18], $0x1400  }
0xd7: {  	[sflag:s18] =	ssyncset.done $0x0  }
0xd8: {  	[sflag:s18] =	ssyncadd.s32 $0xFFFFEC00  }
0xd9: {  	[tilespmem:s21], [sflag:$0x1] =	stream.indirect.gather [hbm4b:s4+s20], $0x80, s0, s20, $0xb8;
	[tilespmem:$0x1E400] =	vst v63  }
0xda: {  	_ = 	snop  }
0xdb: {  	[tilespmem:s22], [sflag:$0x2] =	stream.indirect.gather [hbm4b:s4+s20], $0x80, s20, s20, $0xb8;
	[tilespmem:$0x1E400] =	vst v63  }
0xdc: {  	_ =	swait.ge [sflag:s23], $0x4000  }
0xdd: {  	[sflag:s23] =	ssyncset.done $0x0  }
0xde: {  	s0 =	simm.s32 $0x1400;
	[sflag:s23] =	ssyncadd.s32 $0xFFFFC000  }
0xdf: {  	[spmem:s1] =	stream.indirect.scatter.add.f32 [tilespmem:s21], [sflag:$0x3], $0x80, s0, s20, $0xb8;
	[tilespmem:$0x1E400] =	vst v63  }
0xe0: {  	_ =	swait.ge [sflag:s24], $0x4000  }
0xe1: {  	[sflag:s24] =	ssyncset.done $0x0  }
0xe2: {  	s0 =	simm.s32 $0x1480;
	[sflag:s24] =	ssyncadd.s32 $0xFFFFC000  }
0xe3: {  	[spmem:s1] =	stream.indirect.scatter.add.f32 [tilespmem:s22], [sflag:$0x4], $0x80, s0, s20, $0xb8;
	[tilespmem:$0x1E400] =	vst v63  }
0xe4: {  	_ =	swait.ge [sflag:s25], $0x4000  }
0xe5: {  	[sflag:s25] =	ssyncset.done $0x0  }
0xe6: {  	s0 =	simm.s32 $0x100;
	[sflag:s25] =	ssyncadd.s32 $0xFFFFC000  }
0xe7: {  	[tilespmem:s21], [sflag:$0x1] =	stream.indirect.gather [hbm4b:s4+s20], $0x80, s0, s20, $0xb8;
	[tilespmem:$0x1E400] =	vst v63  }
0xe8: {  	_ =	swait.ge [sflag:s26], $0x4000  }
0xe9: {  	[sflag:s26] =	ssyncset.done $0x0  }
0xea: {  	s30 =	simm.s32 $0x400;
	s31 =	simm.s32 $0x180;
	[sflag:s26] =	ssyncadd.s32 $0xFFFFC000  }
.LBB2_10:
0xeb: {  	[tilespmem:s22], [sflag:$0x2] =	stream.indirect.gather [hbm4b:s4+s20], $0x80, s31, s20, $0xb8;
	[tilespmem:$0x1E400] =	vst v63  }
0xec: {  	s0 =	smov.u32 s30  }
0xed: {  	p1 =	sne.s32 s30, $0x4800;
	s30 =	sadd.s32 $0x400, s30;
	_ =	swait.ge [sflag:s23], $0x4000  }
0xee: {  	s0 =	sshra.s32 s0, $0x2;
	[sflag:s23] =	ssyncset.done $0x0  }
0xef: {  	s31 =	sadd.s32 $0x1400, s0;
	[sflag:s23] =	ssyncadd.s32 $0xFFFFC000  }
0xf0: {  	[spmem:s1] =	stream.indirect.scatter.add.f32 [tilespmem:s21], [sflag:$0x3], $0x80, s31, s20, $0xb8;
	[tilespmem:$0x1E400] =	vst v63  }
0xf1: {  	_ =	swait.ge [sflag:s24], $0x4000  }
0xf2: {  	[sflag:s24] =	ssyncset.done $0x0  }
0xf3: {  	s31 =	sadd.s32 $0x1480, s0;
	[sflag:s24] =	ssyncadd.s32 $0xFFFFC000  }
0xf4: {  	[spmem:s1] =	stream.indirect.scatter.add.f32 [tilespmem:s22], [sflag:$0x4], $0x80, s31, s20, $0xb8;
	[tilespmem:$0x1E400] =	vst v63  }
0xf5: {  	_ =	swait.ge [sflag:s25], $0x4000  }
0xf6: {  	[sflag:s25] =	ssyncset.done $0x0  }
.Ltmp7:
0xf7: {  	s31 =	sadd.s32 $0x100, s0;
	[sflag:s25] =	ssyncadd.s32 $0xFFFFC000;
	(pc) =	sbr.rel @p1 .LBB2_10-.Ltmp7, $4  }
0xf8: {  	[tilespmem:s21], [sflag:$0x1] =	stream.indirect.gather [hbm4b:s4+s20], $0x80, s31, s20, $0xb8;
	[tilespmem:$0x1E400] =	vst v63  }
0xf9: {  	_ =	swait.ge [sflag:s26], $0x4000  }
0xfa: {  	[sflag:s26] =	ssyncset.done $0x0  }
0xfb: {  	s31 =	sadd.s32 $0x180, s0;
	[sflag:s26] =	ssyncadd.s32 $0xFFFFC000  }
.Ltmp8:
0xfc: {  	_ = 	snop;
	(pc) =	sbr.rel .LBB2_11-.Ltmp8, $1  }
0xfd: {  	_ =	sdelay $0x3  }
.LBB2_13:
0xfe: {  	_ =	sfence.sel $0x180000  }
0xff: {  	[bflag:$0x0] =	sbarrier.arrive $0xFFFF  }
0x100: {  	_ =	strace $0x9000004D  }
0x101: {  	[bflag:$0x2] =	sbarrier.arrive $0xFFFF  }
0x102: {  	p0 =	sne.s32 s2, $0x0;
	s0 =	rddreg [dreg:$0x2]  }
0x103: {  	s0 =	sadd.s32 @!p0 $0x100000, s0  }
0x104: {  	[sflag:s0] =	ssyncadd.tile.s32 @!p0 $0x1;
	_ =	shalt  }
.Lfunc_end2:
_tile_overlayer_lowered:
.L_overlay_start_2:
0x105: {  	(tag) =	ssettag $0x2  }
0x106: {  	s0 =	rddreg [dreg:$0x0];
	s2 =	stileid.u32  }
0x107: {  	s1 =	rddreg [dreg:$0x1];
	p0 =	sne.s32 s2, $0x0  }
0x108: {  	s3 =	rddreg [dreg:$0x2];
	[bflag:$0x3] =	sbarrier.arrive $0xFFFF;
	s2 =	simm.s32 @!p0 $0x1C05  }
0x109: {  	[timem:s3], [sflag:s2] =	dma.local @!p0 [hbm:s0], s1  }
0x10a: {  	s0 =	simm.s32 @!p0 $0x5  }
0x10b: {  	_ =	swait.ge @!p0 [sflag:s0], s1  }
0x10c: {  	s1 =	ssub.s32 @!p0 $0x0, s1;
	[sflag:s0] =	ssyncset.done @!p0 $0x0  }
0x10d: {  	[sflag:s0] =	ssyncadd.s32 @!p0 s1  }
0x10e: {  	[bflag:$0x3] =	sbarrier.arrive $0xFFFF  }
0x10f: {  	_ =	shalt  }

// kernel: kernel.9.cloned.1.call-start
scs
__scs_entry_jumppad:
0x0: {  	(pc) =	sbr.rel $0x88, $3  }
0x1: {  	(tag) =	ssettag $0x0;
	lr =	simm.s32 $0x1  }
0x2: {  	[smem:$0x3F97] =	sst lr;
	_ =	strace $0xD0000000  }
0x3: {  	_ = 	snop  }
0x4: {  	_ = 	snop  }
0x5: {  	_ = 	snop  }
0x6: {  	_ = 	snop  }
0x7: {  	_ = 	snop  }
__scs_overlays_trampoline_lowered:
0x8: {  	[smem:$0x3FA6] =	sst s0  }
0x9: {  	[smem:$0x3FA7] =	sst s1  }
0xa: {  	[smem:$0x3FA8] =	sst s2  }
0xb: {  	[smem:$0x3FA9] =	sst s3  }
0xc: {  	[smem:$0x3FAA] =	sst s4  }
0xd: {  	[smem:$0x3FAB] =	sst s5  }
0xe: {  	[smem:$0x3FAC] =	sst s6  }
0xf: {  	[smem:$0x3FAD] =	sst s7  }
0x10: {  	[smem:$0x3FAE] =	sst s8  }
0x11: {  	[smem:$0x3FAF] =	sst s9;
	s0 =	simm.s32 @!p0 $0x0  }
0x12: {  	s1 =	sld [smem:$0x3F95];
	s0 =	simm.s32 @p0 $0x1  }
0x13: {  	[smem:$0x3FB0] =	sst s0;
	s0 =	simm.s32 @!p1 $0x0  }
0x14: {  	s2 =	sld [smem:$0x3F94];
	s0 =	simm.s32 @p1 $0x1  }
0x15: {  	[smem:$0x3FB1] =	sst s0;
	s0 =	simm.s32 @!p2 $0x0  }
0x16: {  	s3 =	sld [smem:$0x3FDB];
	s0 =	simm.s32 @p2 $0x1  }
0x17: {  	s4 =	simm.s32 $0x1BF5;
	[smem:$0x3FB3] =	sst s0  }
0x18: {  	s0 =	sld [smem:$0x3F96];
	_ =	swait.ge [sflag:s4], $0x0  }
0x19: {  	s7 =	sld [smem:$0x3F97]  }
0x1a: {  	s8 =	sadd.s32 $0xFFFFE003, lr  }
0x1b: {  	s9 =	sadd.s32 $0xFFFFFEF7, lr;
	s5 =	simm.s32 $0xFFFFFFFF;
	p2 =	slt.u32 s8, $0xFFFFF086  }
0x1c: {  	p1 =	slt.u32 s9, $0xF7A;
	s5 =	simm.s32 @!p2 $0x0  }
0x1d: {  	s5 =	simm.s32 @p1 $0x1;
	p0 =	seq.s32 s7, s2  }
0x1e: {  	s7 =	smul.u32 @!p0 $0xF7A, s2;
	p2 =	seq.s32 @!p0 s5, $0x0  }
0x1f: {  	s9 =	smul.u32 $0xF7A, s1;
	s8 =	simm.s32 @!p0 $0x1BF5;
	p2 =	por !p2, p0  }
0x20: {  	[sflag:s8] =	ssyncset.s32 @!p0 $0xFFFFF086;
	s6 =	sadd.s32 @!p0 s3, s7;
	s7 =	simm.s32 @!p0 $0x108  }
0x21: {  	s3 =	sadd.s32 s3, s9;
	s6 =	sadd.s32 @!p0 $0x88, s6;
	s7 =	simm.s32 @p2 $0x1082  }
0x22: {  	[simem:s7], [sflag:s8] =	dma.local @!p0 [hbm:s6], $0xF7A  }
0x23: {  	s9 =	sor.u32 $0xD0000000, s2;
	s6 =	simm.s32 $0x108;
	_ =	swait.ge @!p0 [sflag:s8], $0x0  }
0x24: {  	s3 =	sadd.s32 $0x88, s3;
	s6 =	simm.s32 @!p1 $0x1082;
	[sflag:s4] =	ssyncset.s32 $0xFFFFF086  }
0x25: {  	[simem:s6], [sflag:s4] =	dma.local [hbm:s3], $0xF7A  }
0x26: {  	[smem:$0x3F97] =	sst s1;
	(tag) =	ssettag s2;
	_ =	strace s9  }
0x27: {  	s1 =	sld [smem:$0x3FA7]  }
0x28: {  	s2 =	sld [smem:$0x3FA8]  }
0x29: {  	s4 =	sld [smem:$0x3FAA]  }
0x2a: {  	p0 =	seq.s32 s5, $0x0;
	s5 =	sld [smem:$0x3FAB]  }
0x2b: {  	s6 =	sld [smem:$0x3FAC]  }
0x2c: {  	s7 =	sld [smem:$0x3FAD]  }
0x2d: {  	s3 =	simm.s32 $0x108;
	s8 =	sld [smem:$0x3FAE]  }
0x2e: {  	s3 =	simm.s32 @!p0 $0x1082;
	s9 =	sld [smem:$0x3FAF]  }
0x2f: {  	lr =	sadd.s32 s0, s3;
	s0 =	sld [smem:$0x3FA6]  }
0x30: {  	s3 =	sld [smem:$0x3FA9]  }
0x31: {  	[smem:$0x3FB2] =	sst s10  }
0x32: {  	s10 =	sld [smem:$0x3FB0];
	_ =	sdelay $0x3  }
0x33: {  	p0 =	seq.s32 s10, $0x1;
	s10 =	sld [smem:$0x3FB2];
	_ =	sdelay $0x3  }
0x34: {  	[smem:$0x3FB2] =	sst s10  }
0x35: {  	s10 =	sld [smem:$0x3FB1];
	_ =	sdelay $0x3  }
0x36: {  	p1 =	seq.s32 s10, $0x1;
	s10 =	sld [smem:$0x3FB2];
	_ =	sdelay $0x3  }
0x37: {  	[smem:$0x3FB2] =	sst s10  }
0x38: {  	s10 =	sld [smem:$0x3FB3]  }
0x39: {  	_ = 	snop;
	(pc) =	sbr.ind lr, $3  }
0x3a: {  	_ = 	snop  }
0x3b: {  	_ = 	snop  }
0x3c: {  	p2 =	seq.s32 s10, $0x1;
	s10 =	sld [smem:$0x3FB2]  }
0x3d: {  	_ =	shalt  }
0x3e: {  	_ =	shalt  }
0x3f: {  	_ =	shalt  }
0x40: {  	_ =	shalt  }
0x41: {  	_ =	shalt  }
0x42: {  	_ =	shalt  }
0x43: {  	_ =	shalt  }
0x44: {  	_ =	shalt  }
0x45: {  	_ =	shalt  }
0x46: {  	_ =	shalt  }
0x47: {  	_ =	shalt  }
0x48: {  	_ =	shalt  }
0x49: {  	_ =	shalt  }
0x4a: {  	_ =	shalt  }
0x4b: {  	_ =	shalt  }
0x4c: {  	_ =	shalt  }
0x4d: {  	_ =	shalt  }
0x4e: {  	_ =	shalt  }
0x4f: {  	_ =	shalt  }
0x50: {  	_ =	shalt  }
0x51: {  	_ =	shalt  }
0x52: {  	_ =	shalt  }
0x53: {  	_ =	shalt  }
0x54: {  	_ =	shalt  }
0x55: {  	_ =	shalt  }
0x56: {  	_ =	shalt  }
0x57: {  	_ =	shalt  }
0x58: {  	_ =	shalt  }
0x59: {  	_ =	shalt  }
0x5a: {  	_ =	shalt  }
0x5b: {  	_ =	shalt  }
0x5c: {  	_ =	shalt  }
0x5d: {  	_ =	shalt  }
0x5e: {  	_ =	shalt  }
0x5f: {  	_ =	shalt  }
0x60: {  	_ =	shalt  }
0x61: {  	_ =	shalt  }
0x62: {  	_ =	shalt  }
0x63: {  	_ =	shalt  }
0x64: {  	_ =	shalt  }
0x65: {  	_ =	shalt  }
0x66: {  	_ =	shalt  }
0x67: {  	_ =	shalt  }
0x68: {  	_ =	shalt  }
0x69: {  	_ =	shalt  }
0x6a: {  	_ =	shalt  }
0x6b: {  	_ =	shalt  }
0x6c: {  	_ =	shalt  }
0x6d: {  	_ =	shalt  }
0x6e: {  	_ =	shalt  }
0x6f: {  	_ =	shalt  }
0x70: {  	_ =	shalt  }
0x71: {  	_ =	shalt  }
0x72: {  	_ =	shalt  }
0x73: {  	_ =	shalt  }
0x74: {  	_ =	shalt  }
0x75: {  	_ =	shalt  }
0x76: {  	_ =	shalt  }
0x77: {  	_ =	shalt  }
0x78: {  	_ =	shalt  }
0x79: {  	_ =	shalt  }
0x7a: {  	_ =	shalt  }
0x7b: {  	_ =	shalt  }
0x7c: {  	_ =	shalt  }
0x7d: {  	_ =	shalt  }
0x7e: {  	_ =	shalt  }
0x7f: {  	_ =	shalt  }
0x80: {  	_ =	shalt  }
0x81: {  	_ =	shalt  }
0x82: {  	_ =	shalt  }
0x83: {  	_ =	shalt  }
0x84: {  	_ =	shalt  }
0x85: {  	_ =	shalt  }
0x86: {  	_ =	shalt  }
0x87: {  	_ =	shalt  }
.Lfunc_end0:
.L_simem_size_0:
called_computation_lowered:
.L_overlay_start_0:
0x88: {  	s2 =	sld [smem:$0x3FD9]  }
0x89: {  	s3 =	sld [smem:$0x3FFE];
	_ =	sdelay $0x1  }
0x8a: {  	s1 =	srdreg.scid  }
0x8b: {  	s0 =	sand.u32 $0x1, s1  }
0x8c: {  	s17 =	sshll.u32 s0, $0xA;
	s2 =	sadd.s32 s3, s2  }
0x8d: {  	s2 =	sadd.s32 s2, s17  }
0x8e: {  	[smem:$0x3FBE] =	sst s2  }
0x8f: {  	_ = 	snop  }
0x90: {  	s2 =	sld [smem:$0x3FD0];
	(tm) =	ssettm $0x1  }
0x91: {  	s18 =	sld [smem:$0x3FFB];
	_ =	sdelay $0x3  }
0x92: {  	_ =	strace s18  }
0x93: {  	s3 =	sld [smem:$0x3FFC];
	_ =	sdelay $0x3  }
0x94: {  	_ =	strace s3  }
0x95: {  	s3 =	sld [smem:$0x3FFD];
	_ =	sdelay $0x3  }
0x96: {  	_ =	strace s3  }
0x97: {  	_ =	strace $0x8FFFFFFF  }
0x98: {  	s19 =	sld [smem:$0x3FDB];
	_ =	sdelay $0x1  }
0x99: {  	s4 =	simm.s32 $_scs_section_size  }
0x9a: {  	s5 =	simm.s32 $_size__tile_overlayer_lowered;
	s6 =	simm.s32 $_tile_overlayer_lowered  }
0x9b: {  	s22 =	simm.s32 $0x1BFF;
	s21 =	sshll.u32 s6, $0x1;
	s3 =	sadd.s32 s4, s19  }
0x9c: {  	s7 =	simm.s32 $0x0;
	s20 =	sshll.u32 s5, $0x1;
	s5 =	sadd.s32 s21, s3  }
0x9d: {  	[timem:s7], [sflag:s22] =	dma.local [hbm:s5], s20  }
0x9e: {  	_ =	swait.ge [sflag:s22], s20  }
0x9f: {  	s4 =	ssub.s32 $0x0, s20;
	[sflag:s22] =	ssyncset.done $0x0  }
0xa0: {  	[sflag:s22] =	ssyncadd.s32 s4;
	_ =	sdelay $0x1  }
0xa1: {  	s23 =	simm.s32 $0x1B8B  }
0xa2: {  	_ =	swait.ge [sflag:s23], $0x1  }
0xa3: {  	[sflag:s23] =	ssyncset.done $0x0  }
0xa4: {  	s25 =	simm.s32 $0x1B8E;
	s24 =	sld [smem:$0x3FFE];
	[sflag:s23] =	ssyncadd.s32 $0xFFFFFFFF  }
0xa5: {  	s26 =	simm.s32 $execute0_lowered;
	[smem:$0x3FD2] =	sst s25  }
0xa6: {  	s5 =	sshll.u32 s26, $0x1;
	_ =	strace $0x80000046;
	[dreg:$0x1] =	wrdreg $0xFFFFFFFF  }
0xa7: {  	s28 =	simm.s32 $_size_execute0_lowered;
	s3 =	sadd.s32 s3, s5;
	[dreg:$0x0] =	wrdreg $0x0  }
0xa8: {  	s5 =	sshll.u32 s28, $0x1;
	[dreg:$0x2] =	wrdreg s3  }
0xa9: {  	[dreg:$0x3] =	wrdreg s5  }
0xaa: {  	[dreg:$0x4] =	wrdreg $0xC0  }
0xab: {  	_ =	task [dreg:s7], $0x5FFFF  }
0xac: {  	[dreg:$0x1] =	wrdreg $0xFFFFFFFF  }
0xad: {  	[dreg:$0x0] =	wrdreg $0x60  }
0xae: {  	[dreg:$0x2] =	wrdreg s2  }
0xaf: {  	[dreg:$0x3] =	wrdreg s24  }
0xb0: {  	[dreg:$0x4] =	wrdreg $0x90000  }
0xb1: {  	[dreg:$0x5] =	wrdreg $0x9  }
0xb2: {  	_ =	task.clear_ibuf [dreg:s7], $0x6FFFF;
	_ =	strace $0x90000046  }
0xb3: {  	s29 =	simm.s32 $0x9;
	_ =	strace $0x80000048  }
0xb4: {  	_ =	swait.ge [sflag:s29], $0x1  }
0xb5: {  	[sflag:s29] =	ssyncadd.s32 $0xFFFFFFFF  }
0xb6: {  	_ =	strace $0x90000048  }
0xb7: {  	_ =	sfence  }
0xb8: {  	s30 =	sld [smem:$0x0];
	_ =	sdelay $0x2  }
0xb9: {  	s31 =	sshll.u32 s1, $0xD;
	s1 =	sshrl.u32 s1, $0x2  }
0xba: {  	s3 =	sand.u32 $0x4000, s31;
	s1 =	sadd.s32 s1, s30  }
0xbb: {  	s0 =	sor.u32 s3, s0;
	s1 =	sshll.u32 s1, $0x11  }
0xbc: {  	s0 =	sor.u32 s1, s0  }
0xbd: {  	s0 =	sadd.s32 $0x8F2B, s0  }
0xbe: {  	[sflag:s0] =	ssyncadd.remote.s32 $0x1  }
0xbf: {  	_ =	sfence.sel $0xFFFF  }
0xc0: {  	[dreg:$0x0] =	wrdreg $0xFFFFFFFF;
	(pc) =	sbr.abs _section_cstart, $3  }
0xc1: {  	[dreg:$0x1] =	wrdreg $0xFFFFFFFF  }
0xc2: {  	_ =	task.clear_ibuf [dreg:s7], $0x2FFFF;
	_ =	strace $0x9FFFFFFF  }
0xc3: {  	(tm) =	ssettm $0x7FFFFFFF  }
tec
execute0_lowered:
.L_overlay_start_1:
0x0: {  	(tag) =	ssettag $0x1  }
0x1: {  	s6 =	rddreg [dreg:$0x0]  }
0x2: {  	s7 =	rddreg [dreg:$0x1]  }
0x3: {  	s1 =	rddreg [dreg:$0x2]  }
0x4: {  	s2 =	srdreg.scid;
	s0 =	rddreg [dreg:$0x3]  }
0x5: {  	s3 =	simm.s32 $0x0;
	s13 =	simm.s32 $0x80;
	s8 =	sand.u32 $0x1, s2  }
0x6: {  	s14 =	simm.s32 $0x1;
	s2 =	stileid.u32;
	s9 =	smul.u32 $0x13C000, s8  }
0x7: {  	s15 =	simm.s32 $0x0;
	[smem:$0x7FF] =	sst s3;
	s10 =	smul.u32 $0x13C00, s2  }
0x8: {  	s4 =	sadd.s32 $0x2600, s7;
	s5 =	sadd.s32 $0x2E00, s7;
	s11 =	smul.u32 $0x50000, s8  }
0x9: {  	_ =	strace $0x80000047;
	s26 =	smul.u32 $0x5000, s2;
	s8 =	ssub.s32 $0x2, s8  }
0xa: {  	s12 =	smul.u32 $0x4F000, s2;
	s31 =	sshll.u32 s2, $0x6;
	s28 =	sshrl.u32 s8, $0x1  }
0xb: {  	s9 =	sadd.s32 s10, s9;
	s10 =	sadd.s32 s26, s11;
	s8 =	ssub.s32 s8, s28  }
0xc: {  	s30 =	sshrl.u32 s12, $0x2;
	s11 =	sor.u32 $0x1C02, s31;
	s9 =	sshrl.u32 s9, $0x3  }
0xd: {  	s29 =	sshrl.u32 s10, $0x3;
	s12 =	sadd.s32 s30, s1;
	s8 =	smax.u32 s8, $0x1  }
0xe: {  	s10 =	simm.s32 $0x5000;
	s7 =	sadd.s32 s9, s7;
	s6 =	sadd.s32 s6, s29  }
0xf: {  	s9 =	simm.s32 $0x2;
	s12 =	sshrl.u32 s12, $0x3;
	s7 =	sadd.s32 $0x5600, s7  }
.LBB2_1:
0x10: {  	[tilespmem:s3], [sflag:$0x2] =	stream.linear.gather [hbm4b:s6+s3], $0x5000, $0x38;
	[tilespmem:$0x1CC00] =	vst v63  }
0x11: {  	_ =	swait.ge [sflag:s9], $0x5000  }
0x12: {  	[sflag:s9] =	ssyncset.done $0x0  }
0x13: {  	[sflag:s9] =	ssyncadd.s32 $0xFFFFB000  }
0x14: {  	[tilespmem:s10], [sflag:$0x2] =	stream.linear.gather [hbm4b:s4+s3], $0x4000, $0x38;
	[tilespmem:$0x1CC00] =	vst v63  }
0x15: {  	_ =	swait.ge [sflag:s9], $0x4000  }
0x16: {  	[sflag:s9] =	ssyncset.done $0x0  }
0x17: {  	[sflag:s9] =	ssyncadd.s32 $0xFFFFC000  }
0x18: {  	[spmem:s12], [sflag:s11] =	dma.local [hbm:s5], $0x2780  }
0x19: {  	_ =	swait.ge [sflag:s9], $0x2780  }
0x1a: {  	[sflag:s9] =	ssyncset.done $0x0  }
0x1b: {  	p0 =	por $0x1, $0x1;
	[sflag:s9] =	ssyncadd.s32 $0xFFFFD880  }
0x1c: {  	s18 =	simm.s32 @!p0 $0x1;
	[bflag:$0x0] =	sbarrier.arrive $0xFFFF  }
0x1d: {  	[spmem:s1] =	stream.indirect.scatter.add.f32 [tilespmem:s10], [sflag:$0x1], $0x80, s3, s13, $0xb8;
	[tilespmem:$0x1CC00] =	vst v63  }
0x1e: {  	_ =	swait.ge @!p0 [sflag:s18], $0x4000  }
0x1f: {  	s16 =	simm.s32 $0x1;
	s17 =	simm.s32 $0x0;
	[sflag:s18] =	ssyncset.done @!p0 $0x0  }
.LBB2_2:
0x20: {  	[sflag:s18] =	ssyncadd.s32 @!p0 $0xFFFFC000  }
0x21: {  	s17 =	sadd.s32 $0x80, s17;
	s18 =	smov.u32 s16;
	s16 =	sadd.s32 $0x1, s16  }
0x22: {  	p1 =	sne.s32 s16, $0xA0  }
0x23: {  	[spmem:s1] =	stream.indirect.scatter.add.f32 [tilespmem:s10], [sflag:$0x1], $0x80, s17, s13, $0xb8;
	[tilespmem:$0x1CC00] =	vst v63  }
.Ltmp0:
0x24: {  	_ = 	snop;
	(pc) =	sbr.rel @p1 .LBB2_2-.Ltmp0, $4  }
0x25: {  	p0 =	slt.u32 s18, $0x8  }
0x26: {  	s18 =	simm.s32 @!p0 $0x1  }
0x27: {  	_ =	swait.ge @!p0 [sflag:s18], $0x4000  }
0x28: {  	[sflag:s18] =	ssyncset.done @!p0 $0x0  }
0x29: {  	[sflag:s18] =	ssyncadd.s32 @!p0 $0xFFFFC000  }
0x2a: {  	_ =	swait.ge [sflag:s14], $0x4000  }
0x2b: {  	[sflag:s14] =	ssyncset.done $0x0  }
0x2c: {  	[sflag:s14] =	ssyncadd.s32 $0xFFFFC000  }
0x2d: {  	_ =	swait.ge [sflag:s14], $0x4000  }
0x2e: {  	[sflag:s14] =	ssyncset.done $0x0  }
0x2f: {  	[sflag:s14] =	ssyncadd.s32 $0xFFFFC000  }
0x30: {  	_ =	swait.ge [sflag:s14], $0x4000  }
0x31: {  	[sflag:s14] =	ssyncset.done $0x0  }
0x32: {  	[sflag:s14] =	ssyncadd.s32 $0xFFFFC000  }
0x33: {  	_ =	swait.ge [sflag:s14], $0x4000  }
0x34: {  	[sflag:s14] =	ssyncset.done $0x0  }
0x35: {  	[sflag:s14] =	ssyncadd.s32 $0xFFFFC000  }
0x36: {  	_ =	swait.ge [sflag:s14], $0x4000  }
0x37: {  	[sflag:s14] =	ssyncset.done $0x0  }
0x38: {  	[sflag:s14] =	ssyncadd.s32 $0xFFFFC000  }
0x39: {  	_ =	swait.ge [sflag:s14], $0x4000  }
0x3a: {  	[sflag:s14] =	ssyncset.done $0x0  }
0x3b: {  	[sflag:s14] =	ssyncadd.s32 $0xFFFFC000  }
0x3c: {  	_ =	swait.ge [sflag:s14], $0x4000  }
0x3d: {  	[sflag:s14] =	ssyncset.done $0x0  }
0x3e: {  	[sflag:s14] =	ssyncadd.s32 $0xFFFFC000  }
0x3f: {  	_ =	swait.ge [sflag:s14], $0x4000  }
0x40: {  	s15 =	sadd.s32 $0x1, s15;
	[sflag:s14] =	ssyncset.done $0x0  }
0x41: {  	p0 =	sne.s32 s15, s8;
	[sflag:s14] =	ssyncadd.s32 $0xFFFFC000  }
.Ltmp1:
0x42: {  	[bflag:$0x0] =	sbarrier.arrive $0xFFFF;
	(pc) =	sbr.rel @p0 .LBB2_1-.Ltmp1, $4  }
0x43: {  	[hbm:s7], [sflag:s11] =	dma.local [spmem:s12], $0x2780  }
0x44: {  	_ =	swait.ge [sflag:s9], $0x2780  }
0x45: {  	[sflag:s9] =	ssyncset.done $0x0  }
0x46: {  	[sflag:s9] =	ssyncadd.s32 $0xFFFFD880  }
0x47: {  	_ =	sfence.sel $0x180000  }
0x48: {  	[bflag:$0x0] =	sbarrier.arrive $0xFFFF  }
0x49: {  	p0 =	sne.s32 s2, $0x0;
	_ =	strace $0x90000047  }
0x4a: {  	s0 =	sadd.s32 @!p0 $0x100000, s0;
	[bflag:$0x2] =	sbarrier.arrive $0xFFFF  }
0x4b: {  	[sflag:s0] =	ssyncadd.tile.s32 @!p0 $0x1;
	_ =	shalt  }
.Lfunc_end2:
_tile_overlayer_lowered:
.L_overlay_start_2:
0x4c: {  	(tag) =	ssettag $0x2  }
0x4d: {  	s0 =	rddreg [dreg:$0x0];
	s2 =	stileid.u32  }
0x4e: {  	s1 =	rddreg [dreg:$0x1];
	p0 =	sne.s32 s2, $0x0  }
0x4f: {  	s3 =	rddreg [dreg:$0x2];
	[bflag:$0x3] =	sbarrier.arrive $0xFFFF;
	s2 =	simm.s32 @!p0 $0x1C02  }
0x50: {  	[timem:s3], [sflag:s2] =	dma.local @!p0 [hbm:s0], s1  }
0x51: {  	s0 =	simm.s32 @!p0 $0x2  }
0x52: {  	_ =	swait.ge @!p0 [sflag:s0], s1  }
0x53: {  	s1 =	ssub.s32 @!p0 $0x0, s1;
	[sflag:s0] =	ssyncset.done @!p0 $0x0  }
0x54: {  	[sflag:s0] =	ssyncadd.s32 @!p0 s1  }
0x55: {  	[bflag:$0x3] =	sbarrier.arrive $0xFFFF  }
0x56: {  	_ =	shalt  }

</sc_bundles>
